<compile_context>
chip_gen: v7x
topology: tpu7x:2x2x1
jax: 0.10.2.dev20260603
libtpu: 0.0.44.dev20260713+nightly
codegen_flags: <defaults>
</compile_context>

<pallas_src>
import functools

import jax
import jax.numpy as jnp
from jax import lax
from jax.experimental import pallas as pl
from jax.experimental.pallas import tpu as pltpu
from jax.experimental.pallas import tpu_sc as plsc

N_NODES = 10000
N_EDGES = 320000
D_IN = 128
D_OUT = 128

D_SP = 80
DEG_COL = 64

NC = 2
NS = 16
NW = NC * NS

CHUNK = 128
SEG = 32
NCHUNKS_T = 160
NSEG = NCHUNKS_T // SEG
E_PAD = NCHUNKS_T * NS * CHUNK

N_ACC = 10112
ROWS_PT = N_ACC // NS
DUMMY = N_NODES

BM = 2048


def _sc_aggregate(x, onesblk, src2d, dst2d):
  mesh = plsc.VectorSubcoreMesh(core_axis_name="c", subcore_axis_name="s")

  @functools.partial(
      pl.kernel,
      out_type=jax.ShapeDtypeStruct((NC, N_ACC, D_SP), jnp.float32),
      mesh=mesh,
      compiler_params=pltpu.CompilerParams(use_tc_tiling_on_sc=False),
      scratch_types=[
          pltpu.VMEM((SEG, CHUNK), jnp.int32),
          pltpu.VMEM((SEG, CHUNK), jnp.int32),
          pltpu.VMEM((CHUNK, D_SP), jnp.float32),
          pltpu.VMEM((CHUNK, D_SP), jnp.float32),
          pltpu.VMEM_SHARED((N_NODES, D_SP), jnp.float32),
          pltpu.VMEM_SHARED((N_ACC, D_SP), jnp.float32),
          pltpu.SemaphoreType.DMA,
          pltpu.SemaphoreType.DMA,
          pltpu.SemaphoreType.DMA,
          pltpu.SemaphoreType.DMA,
          pltpu.SemaphoreType.DMA,
      ],
  )
  def agg(x_ref, ones_ref, src_ref, dst_ref, out_ref, src_v, dst_v, rows0,
          rows1, x_sp, acc_sp, gsem0, gsem1, ssem0, ssem1, xsem):
    c = lax.axis_index("c")
    s = lax.axis_index("s")
    base = s * ROWS_PT

    @pl.when(s == 0)
    def _():
      col = pl.multiple_of(c * 64, 64)
      pltpu.async_copy(x_ref.at[:, pl.ds(col, 64)],
                       x_sp.at[:, pl.ds(0, 64)], xsem).wait()
      pltpu.async_copy(ones_ref, x_sp.at[:, pl.ds(64, 16)], xsem).wait()

    zeros = jnp.zeros((16,), jnp.float32)
    nseg = D_SP // 16

    def zbody(i, carry):
      rows0[i // nseg, pl.ds((i % nseg) * 16, 16)] = zeros
      return carry

    lax.fori_loop(0, CHUNK * nseg, zbody, 0)

    def zcopy(i, carry):
      pltpu.sync_copy(rows0, acc_sp.at[pl.ds(base + i * CHUNK, CHUNK)])
      return carry

    lax.fori_loop(0, ROWS_PT // CHUNK, zcopy, 0)
    rem = ROWS_PT % CHUNK
    if rem:
      pltpu.sync_copy(
          rows0.at[pl.ds(0, rem)],
          acc_sp.at[pl.ds(base + (ROWS_PT // CHUNK) * CHUNK, rem)])

    plsc.subcore_barrier()

    rows = (rows0, rows1)
    gsem = (gsem0, gsem1)
    ssem = (ssem0, ssem1)

    def gstart(j, b):
      pltpu.async_copy(x_sp.at[src_v.at[j]], rows[b], gsem[b])

    def gwait(j, b):
      pltpu.make_async_copy(x_sp.at[src_v.at[j]], rows[b], gsem[b]).wait()

    def sstart(j, b):
      pltpu.async_copy(rows[b], acc_sp.at[dst_v.at[j]], ssem[b], add=True)

    def swait(j, b):
      pltpu.make_async_copy(rows[b], acc_sp.at[dst_v.at[j]], ssem[b]).wait()

    def seg_body(g, carry):
      off = s * NCHUNKS_T + g * SEG
      pltpu.sync_copy(src_ref.at[pl.ds(off, SEG)], src_v)
      pltpu.sync_copy(dst_ref.at[pl.ds(off, SEG)], dst_v)
      gstart(0, 0)
      gstart(1, 1)
      for k in range(SEG - 2):
        b = k % 2
        gwait(k, b)
        sstart(k, b)
        swait(k, b)
        gstart(k + 2, b)
      for k in range(SEG - 2, SEG):
        b = k % 2
        gwait(k, b)
        sstart(k, b)
        swait(k, b)
      return carry

    lax.fori_loop(0, NSEG, seg_body, 0)

    plsc.subcore_barrier()

    pltpu.sync_copy(acc_sp.at[pl.ds(base, ROWS_PT)],
                    out_ref.at[c, pl.ds(base, ROWS_PT)])

  return agg(x, onesblk, src2d, dst2d)


def _tc_body(x_ref, acc_ref, w_ref, m_ref, b_ref, o_ref):
  wm = w_ref[...] * m_ref[...]
  a0 = acc_ref[0]
  a1 = acc_ref[1]
  r = 1.0 / jnp.maximum(a0[:, DEG_COL:DEG_COL + 1], 1.0)
  h = (jnp.dot(x_ref[...], wm[:D_IN], preferred_element_type=jnp.float32)
       + jnp.dot(a0[:, :64] * r, wm[D_IN:D_IN + 64],
                 preferred_element_type=jnp.float32)
       + jnp.dot(a1[:, :64] * r, wm[D_IN + 64:],
                 preferred_element_type=jnp.float32)
       + b_ref[...])
  n = jnp.sqrt(jnp.sum(h * h, axis=1, keepdims=True))
  o_ref[...] = h / jnp.maximum(n, 1e-12)


def _tc_apply(x, acc, W, mask, b2):
  return pl.pallas_call(
      _tc_body,
      grid=((N_NODES + BM - 1) // BM,),
      in_specs=[
          pl.BlockSpec((BM, D_IN), lambda i: (i, 0)),
          pl.BlockSpec((NC, BM, D_SP), lambda i: (0, i, 0)),
          pl.BlockSpec((2 * D_IN, D_OUT), lambda i: (0, 0)),
          pl.BlockSpec((2 * D_IN, D_OUT), lambda i: (0, 0)),
          pl.BlockSpec((1, D_OUT), lambda i: (0, 0)),
      ],
      out_specs=pl.BlockSpec((BM, D_OUT), lambda i: (i, 0)),
      out_shape=jax.ShapeDtypeStruct((N_NODES, D_OUT), jnp.float32),
  )(x, acc, W, mask, b2)


def kernel(x, edge_index, W, b, mask):
  x = x.astype(jnp.float32)
  ei = edge_index.astype(jnp.int32)
  npad = E_PAD - N_EDGES
  src = jnp.concatenate([ei[0], jnp.zeros((npad,), jnp.int32)])
  pad_dst = DUMMY + (jnp.arange(npad, dtype=jnp.int32) % (N_ACC - N_NODES))
  dst = jnp.concatenate([ei[1], pad_dst])
  src2d = src.reshape(NS * NCHUNKS_T, CHUNK)
  dst2d = dst.reshape(NS * NCHUNKS_T, CHUNK)
  onesblk = jnp.concatenate(
      [jnp.ones((N_NODES, 1), jnp.float32),
       jnp.zeros((N_NODES, 15), jnp.float32)], axis=1)
  acc = _sc_aggregate(x, onesblk, src2d, dst2d)
  return _tc_apply(x, acc, W, mask, b.reshape(1, D_OUT))

# --- scband reference (transcript-rebuilt; emitter-appended) ---
"""Pipeline reference for scband-expander-graph-sage-layer-7017976562299 (READ-ONLY COPY).

The authoritative reference and input builder live on the scoring server;
editing this copy changes nothing except your own understanding.
"""

import jax, jax.numpy as jnp
import numpy as np

N_NODES = 10000
N_EDGES = 320000
D_IN = 128
D_OUT = 128
SPARSITY = 0.5


def setup_inputs(seed: int = 0) -> dict:
    key = jax.random.key(seed)
    k1, k2, k3, k4 = jax.random.split(key, 4)
    x = jax.random.normal(k1, (N_NODES, D_IN), dtype=jnp.float32)
    edge_index = jax.random.randint(k2, (2, N_EDGES), 0, N_NODES, dtype=jnp.int64)
    # ExpanderMultiLinearLayer with n_mlp_layers=1: single sparse (masked) linear
    # mapping the concatenated [h, c] (2*in_feats) to out_feats.
    fan_in = 2 * D_IN
    W = jax.random.normal(k3, (fan_in, D_OUT), dtype=jnp.float32) * (1.0 / np.sqrt(fan_in))
    b = jnp.zeros((D_OUT,), dtype=jnp.float32)
    # Fixed expander sparsity mask (density = SPARSITY), a constant buffer.
    mask = (jax.random.uniform(k4, (fan_in, D_OUT)) < SPARSITY).astype(jnp.float32)
    return {"x": x, "edge_index": edge_index, "W": W, "b": b, "mask": mask}


def reference(x, edge_index, W, b, mask):
    src = edge_index[0]
    dst = edge_index[1]
    # update_all(copy_src('h','m'), MeanAggregator): mean of neighbor features per dst node
    m = jnp.take(x, src, axis=0)                                   # gather [E, D_IN]
    c_sum = jax.ops.segment_sum(m, dst, num_segments=N_NODES)      # scatter-add
    deg = jax.ops.segment_sum(jnp.ones((m.shape[0],), jnp.float32), dst, num_segments=N_NODES)
    c = c_sum / jnp.maximum(deg, 1.0)[:, None]                     # mean aggregation
    # NodeApplyModule: concat(h, c) -> expander linear -> L2 normalize (activation=None)
    bundle = jnp.concatenate([x, c], axis=1)                       # [N, 2*D_IN]
    h = bundle @ (W * mask) + b                                    # masked (expander) linear
    # F.normalize(h, p=2, dim=1)
    norm = jnp.sqrt(jnp.sum(h * h, axis=1, keepdims=True))
    h = h / jnp.maximum(norm, 1e-12)
    # dropout=0 (eval), batchnorm=False, residual=False, snorm_n=None
    return h

if __name__ == "__main__":
    import jax
    _d = setup_inputs()
    print(jax.jit(kernel)(*tuple(_d.values())))

</pallas_src>

<mosaic_0001>
#map = affine_map<(d0, d1) -> (0, 0)>
#map1 = affine_map<(d0, d1) -> (0, 0, 0)>
module attributes {stable_mosaic.version = 14 : i64} {
  func.func @agg(%arg0: i32, %arg1: i32, %arg2: memref<10000x128xf32, #tpu.memory_space<hbm>>, %arg3: memref<10000x16xf32, #tpu.memory_space<hbm>>, %arg4: memref<2560x128xi32, #tpu.memory_space<hbm>>, %arg5: memref<2560x128xi32, #tpu.memory_space<hbm>>, %arg6: memref<2x10112x80xf32, #tpu.memory_space<hbm>>, %arg7: memref<32x128xi32, #tpu.memory_space<vmem>>, %arg8: memref<32x128xi32, #tpu.memory_space<vmem>>, %arg9: memref<128x80xf32, #tpu.memory_space<vmem>>, %arg10: memref<128x80xf32, #tpu.memory_space<vmem>>, %arg11: memref<10000x80xf32, #tpu.memory_space<vmem_shared>>, %arg12: memref<10112x80xf32, #tpu.memory_space<vmem_shared>>, %arg13: memref<!tpu.dma_semaphore, #tpu.memory_space<semaphore_mem>>, %arg14: memref<!tpu.dma_semaphore, #tpu.memory_space<semaphore_mem>>, %arg15: memref<!tpu.dma_semaphore, #tpu.memory_space<semaphore_mem>>, %arg16: memref<!tpu.dma_semaphore, #tpu.memory_space<semaphore_mem>>, %arg17: memref<!tpu.dma_semaphore, #tpu.memory_space<semaphore_mem>>) attributes {dimension_semantics = [#tpu.dimension_semantics<core_parallel>, #tpu.dimension_semantics<subcore_parallel>], iteration_bounds = array<i64: 2, 16>, scalar_prefetch = 0 : i64, scratch_operands = 11 : i64, tpu.core_type = #tpu.core_type<sc_vector_subcore>, window_params = [{transform_indices = #map}, {transform_indices = #map}, {transform_indices = #map}, {transform_indices = #map}, {transform_indices = #map1}]} {
    %mul3A = arith.constant 632 : i32
    %mul3A_0 = arith.muli %arg1, %mul3A : i32
    %eq3A = arith.constant 0 : i32
    %eq3A_1 = arith.cmpi eq, %arg1, %eq3A : i32
    %convert_element_type3A = arith.extui %eq3A_1 : i1 to i32
    %cond3A = arith.constant 0 : i32
    %cond3A_2 = arith.cmpi ne, %convert_element_type3A, %cond3A : i32
    scf.if %cond3A_2 {
      %mul3A_23 = arith.constant 64 : i32
      %mul3A_24 = arith.muli %arg0, %mul3A_23 : i32
      %multiple_of3A = tpu.assume_multiple %mul3A_24, 64 : i32
      %dma_start3A = arith.constant 0 : i32
      %dma_start3A_25 = arith.constant 0 : i32
      %dma_start3A_26 = tpu.memref_slice %arg11[%dma_start3A, %dma_start3A_25] : memref<10000x80xf32, #tpu.memory_space<vmem_shared>> -> memref<10000x64xf32, #tpu.memory_space<vmem_shared>>
      %dma_start3A_27 = arith.constant 0 : i32
      %dma_start3A_28 = tpu.memref_slice %arg2[%dma_start3A_27, %multiple_of3A] : memref<10000x128xf32, #tpu.memory_space<hbm>> -> memref<10000x64xf32, #tpu.memory_space<hbm>>
      tpu.enqueue_dma source(%dma_start3A_28 : memref<10000x64xf32, #tpu.memory_space<hbm>>) target(%dma_start3A_26 : memref<10000x64xf32, #tpu.memory_space<vmem_shared>>) target_semaphore(%arg17 : memref<!tpu.dma_semaphore, #tpu.memory_space<semaphore_mem>>)
      %dma_wait3A = arith.constant 0 : i32
      %dma_wait3A_29 = arith.constant 0 : i32
      %dma_wait3A_30 = tpu.memref_slice %arg11[%dma_wait3A, %dma_wait3A_29] : memref<10000x80xf32, #tpu.memory_space<vmem_shared>> -> memref<10000x64xf32, #tpu.memory_space<vmem_shared>>
      %dma_wait3A_31 = arith.constant 0 : i32
      %dma_wait3A_32 = tpu.memref_slice %arg2[%dma_wait3A_31, %multiple_of3A] : memref<10000x128xf32, #tpu.memory_space<hbm>> -> memref<10000x64xf32, #tpu.memory_space<hbm>>
      tpu.wait_dma2 semaphore(%arg17 : memref<!tpu.dma_semaphore, #tpu.memory_space<semaphore_mem>>) src(%dma_wait3A_32 : memref<10000x64xf32, #tpu.memory_space<hbm>>) dst(%dma_wait3A_30 : memref<10000x64xf32, #tpu.memory_space<vmem_shared>>)
      %dma_start3A_33 = arith.constant 0 : i32
      %dma_start3A_34 = arith.constant 64 : i32
      %dma_start3A_35 = tpu.memref_slice %arg11[%dma_start3A_33, %dma_start3A_34] : memref<10000x80xf32, #tpu.memory_space<vmem_shared>> -> memref<10000x16xf32, #tpu.memory_space<vmem_shared>>
      tpu.enqueue_dma source(%arg3 : memref<10000x16xf32, #tpu.memory_space<hbm>>) target(%dma_start3A_35 : memref<10000x16xf32, #tpu.memory_space<vmem_shared>>) target_semaphore(%arg17 : memref<!tpu.dma_semaphore, #tpu.memory_space<semaphore_mem>>)
      %dma_wait3A_36 = arith.constant 0 : i32
      %dma_wait3A_37 = arith.constant 64 : i32
      %dma_wait3A_38 = tpu.memref_slice %arg11[%dma_wait3A_36, %dma_wait3A_37] : memref<10000x80xf32, #tpu.memory_space<vmem_shared>> -> memref<10000x16xf32, #tpu.memory_space<vmem_shared>>
      tpu.wait_dma2 semaphore(%arg17 : memref<!tpu.dma_semaphore, #tpu.memory_space<semaphore_mem>>) src(%arg3 : memref<10000x16xf32, #tpu.memory_space<hbm>>) dst(%dma_wait3A_38 : memref<10000x16xf32, #tpu.memory_space<vmem_shared>>)
    } else {
    }
    %broadcast_in_dim3A = arith.constant 0.000000e+00 : f32
    %broadcast_in_dim3A_3 = vector.broadcast %broadcast_in_dim3A : f32 to vector<16xf32>
    %scan3A = arith.constant 0 : i32
    %scan3A_4 = arith.constant 0 : i32
    %scan3A_5 = arith.constant 640 : i32
    %scan3A_6 = arith.addi %scan3A_4, %scan3A_5 : i32
    %scan3A_7 = arith.constant 1 : i32
    scf.for %scan3A_23 = %scan3A_4 to %scan3A_6 step %scan3A_7  : i32 {
      %jit3A = arith.constant 5 : i32
      %div3A = arith.divsi %scan3A_23, %jit3A : i32
      %sign3A = arith.constant 0 : i32
      %sign3A_24 = arith.cmpi sgt, %scan3A_23, %sign3A : i32
      %sign3A_25 = arith.extui %sign3A_24 : i1 to i32
      %sign3A_26 = arith.constant 0 : i32
      %sign3A_27 = arith.cmpi slt, %scan3A_23, %sign3A_26 : i32
      %sign3A_28 = arith.extui %sign3A_27 : i1 to i32
      %sign3A_29 = arith.subi %sign3A_25, %sign3A_28 : i32
      %sign3A_30 = arith.constant 0 : i32
      %sign3A_31 = arith.cmpi sgt, %jit3A, %sign3A_30 : i32
      %sign3A_32 = arith.extui %sign3A_31 : i1 to i32
      %sign3A_33 = arith.constant 0 : i32
      %sign3A_34 = arith.cmpi slt, %jit3A, %sign3A_33 : i32
      %sign3A_35 = arith.extui %sign3A_34 : i1 to i32
      %sign3A_36 = arith.subi %sign3A_32, %sign3A_35 : i32
      %ne3A = arith.cmpi ne, %sign3A_29, %sign3A_36 : i32
      %rem3A = arith.remsi %scan3A_23, %jit3A : i32
      %ne3A_37 = arith.constant 0 : i32
      %ne3A_38 = arith.cmpi ne, %rem3A, %ne3A_37 : i32
      %and3A = arith.andi %ne3A, %ne3A_38 : i1
      %sub3A = arith.constant 1 : i32
      %sub3A_39 = arith.subi %div3A, %sub3A : i32
      %select_n3A = arith.select %and3A, %sub3A_39, %div3A : i32
      %jit3A_40 = arith.constant 5 : i32
      %eq3A_41 = arith.constant 0 : i32
      %eq3A_42 = arith.cmpi eq, %jit3A_40, %eq3A_41 : i32
      %jit3A_43 = arith.constant 1 : i32
      %select_n3A_44 = arith.select %eq3A_42, %jit3A_43, %jit3A_40 : i32
      %rem3A_45 = arith.remsi %scan3A_23, %select_n3A_44 : i32
      %ne3A_46 = arith.constant 0 : i32
      %ne3A_47 = arith.cmpi ne, %rem3A_45, %ne3A_46 : i32
      %lt3A = arith.constant 0 : i32
      %lt3A_48 = arith.cmpi slt, %rem3A_45, %lt3A : i32
      %lt3A_49 = arith.constant 0 : i32
      %lt3A_50 = arith.cmpi slt, %select_n3A_44, %lt3A_49 : i32
      %ne3A_51 = arith.xori %lt3A_48, %lt3A_50 : i1
      %and3A_52 = arith.andi %ne3A_51, %ne3A_47 : i1
      %add3A_53 = arith.addi %rem3A_45, %select_n3A_44 : i32
      %select_n3A_54 = arith.select %and3A_52, %add3A_53, %rem3A_45 : i32
      %mul3A_55 = arith.constant 16 : i32
      %mul3A_56 = arith.muli %select_n3A_54, %mul3A_55 : i32
      %swap3A = arith.index_cast %select_n3A : i32 to index
      %swap3A_57 = arith.index_cast %mul3A_56 : i32 to index
      %swap3A_58 = tpu.vector_load %arg9[%swap3A, %swap3A_57] {strides = array<i32>} : memref<128x80xf32, #tpu.memory_space<vmem>>, vector<1x16xf32>,
      %swap3A_59 = vector.shape_cast %swap3A_58 : vector<1x16xf32> to vector<16xf32>
      %swap3A_60 = vector.shape_cast %broadcast_in_dim3A_3 : vector<16xf32> to vector<1x16xf32>
      tpu.vector_store %arg9[%swap3A, %swap3A_57], %swap3A_60 {strides = array<i32>} : memref<128x80xf32, #tpu.memory_space<vmem>>, vector<1x16xf32>,
    }
    %scan3A_8 = arith.constant 640 : i32
    %scan3A_9 = arith.constant 0 : i32
    %scan3A_10 = arith.constant 0 : i32
    %scan3A_11 = arith.constant 4 : i32
    %scan3A_12 = arith.addi %scan3A_10, %scan3A_11 : i32
    %scan3A_13 = arith.constant 1 : i32
    scf.for %scan3A_23 = %scan3A_10 to %scan3A_12 step %scan3A_13  : i32 {
      %mul3A_24 = arith.constant 128 : i32
      %mul3A_25 = arith.muli %scan3A_23, %mul3A_24 : i32
      %add3A_26 = arith.addi %mul3A_0, %mul3A_25 : i32
      "tpu.region"() ({
        %run_scoped3A = tpu.sem_alloc : memref<!tpu.dma_semaphore, #tpu.memory_space<semaphore_mem>>
        %dma_start3A = arith.constant 0 : i32
        %dma_start3A_27 = tpu.memref_slice %arg12[%add3A_26, %dma_start3A] : memref<10112x80xf32, #tpu.memory_space<vmem_shared>> -> memref<128x80xf32, #tpu.memory_space<vmem_shared>>
        %dma_start3A_28 = arith.constant 0 : i32
        %dma_start3A_29 = tpu.memref_slice %arg12[%add3A_26, %dma_start3A_28] : memref<10112x80xf32, #tpu.memory_space<vmem_shared>> -> memref<128x80xf32, #tpu.memory_space<vmem_shared>>
        tpu.enqueue_dma source(%arg9 : memref<128x80xf32, #tpu.memory_space<vmem>>) target(%dma_start3A_29 : memref<128x80xf32, #tpu.memory_space<vmem_shared>>) target_semaphore(%run_scoped3A : memref<!tpu.dma_semaphore, #tpu.memory_space<semaphore_mem>>)
        %dma_wait3A = arith.constant 0 : i32
        %dma_wait3A_30 = tpu.memref_slice %arg12[%add3A_26, %dma_wait3A] : memref<10112x80xf32, #tpu.memory_space<vmem_shared>> -> memref<128x80xf32, #tpu.memory_space<vmem_shared>>
        %dma_wait3A_31 = arith.constant 0 : i32
        %dma_wait3A_32 = tpu.memref_slice %arg12[%add3A_26, %dma_wait3A_31] : memref<10112x80xf32, #tpu.memory_space<vmem_shared>> -> memref<128x80xf32, #tpu.memory_space<vmem_shared>>
        tpu.wait_dma2 semaphore(%run_scoped3A : memref<!tpu.dma_semaphore, #tpu.memory_space<semaphore_mem>>) src(%arg9 : memref<128x80xf32, #tpu.memory_space<vmem>>) dst(%dma_wait3A_32 : memref<128x80xf32, #tpu.memory_space<vmem_shared>>)
        tpu.yield
      }) : () -> ()
    }
    %scan3A_14 = arith.constant 4 : i32
    %add3A = arith.constant 512 : i32
    %add3A_15 = arith.addi %mul3A_0, %add3A : i32
    "tpu.region"() ({
      %run_scoped3A = tpu.sem_alloc : memref<!tpu.dma_semaphore, #tpu.memory_space<semaphore_mem>>
      %dma_start3A = arith.constant 0 : i32
      %dma_start3A_23 = arith.constant 0 : i32
      %dma_start3A_24 = tpu.memref_slice %arg9[%dma_start3A, %dma_start3A_23] : memref<128x80xf32, #tpu.memory_space<vmem>> -> memref<120x80xf32, #tpu.memory_space<vmem>>
      %dma_start3A_25 = arith.constant 0 : i32
      %dma_start3A_26 = tpu.memref_slice %arg12[%add3A_15, %dma_start3A_25] : memref<10112x80xf32, #tpu.memory_space<vmem_shared>> -> memref<120x80xf32, #tpu.memory_space<vmem_shared>>
      %dma_start3A_27 = arith.constant 0 : i32
      %dma_start3A_28 = tpu.memref_slice %arg12[%add3A_15, %dma_start3A_27] : memref<10112x80xf32, #tpu.memory_space<vmem_shared>> -> memref<120x80xf32, #tpu.memory_space<vmem_shared>>
      %dma_start3A_29 = arith.constant 0 : i32
      %dma_start3A_30 = arith.constant 0 : i32
      %dma_start3A_31 = tpu.memref_slice %arg9[%dma_start3A_29, %dma_start3A_30] : memref<128x80xf32, #tpu.memory_space<vmem>> -> memref<120x80xf32, #tpu.memory_space<vmem>>
      tpu.enqueue_dma source(%dma_start3A_31 : memref<120x80xf32, #tpu.memory_space<vmem>>) target(%dma_start3A_28 : memref<120x80xf32, #tpu.memory_space<vmem_shared>>) target_semaphore(%run_scoped3A : memref<!tpu.dma_semaphore, #tpu.memory_space<semaphore_mem>>)
      %dma_wait3A = arith.constant 0 : i32
      %dma_wait3A_32 = arith.constant 0 : i32
      %dma_wait3A_33 = tpu.memref_slice %arg9[%dma_wait3A, %dma_wait3A_32] : memref<128x80xf32, #tpu.memory_space<vmem>> -> memref<120x80xf32, #tpu.memory_space<vmem>>
      %dma_wait3A_34 = arith.constant 0 : i32
      %dma_wait3A_35 = tpu.memref_slice %arg12[%add3A_15, %dma_wait3A_34] : memref<10112x80xf32, #tpu.memory_space<vmem_shared>> -> memref<120x80xf32, #tpu.memory_space<vmem_shared>>
      %dma_wait3A_36 = arith.constant 0 : i32
      %dma_wait3A_37 = tpu.memref_slice %arg12[%add3A_15, %dma_wait3A_36] : memref<10112x80xf32, #tpu.memory_space<vmem_shared>> -> memref<120x80xf32, #tpu.memory_space<vmem_shared>>
      %dma_wait3A_38 = arith.constant 0 : i32
      %dma_wait3A_39 = arith.constant 0 : i32
      %dma_wait3A_40 = tpu.memref_slice %arg9[%dma_wait3A_38, %dma_wait3A_39] : memref<128x80xf32, #tpu.memory_space<vmem>> -> memref<120x80xf32, #tpu.memory_space<vmem>>
      tpu.wait_dma2 semaphore(%run_scoped3A : memref<!tpu.dma_semaphore, #tpu.memory_space<semaphore_mem>>) src(%dma_wait3A_40 : memref<120x80xf32, #tpu.memory_space<vmem>>) dst(%dma_wait3A_37 : memref<120x80xf32, #tpu.memory_space<vmem_shared>>)
      tpu.yield
    }) : () -> ()
    %barrier3A = arith.constant 0 : index
    tpu.barrier barrier_id(%barrier3A)
    %scan3A_16 = arith.constant 0 : i32
    %scan3A_17 = arith.constant 0 : i32
    %scan3A_18 = arith.constant 5 : i32
    %scan3A_19 = arith.addi %scan3A_17, %scan3A_18 : i32
    %scan3A_20 = arith.constant 1 : i32
    scf.for %scan3A_23 = %scan3A_17 to %scan3A_19 step %scan3A_20  : i32 {
      %mul3A_24 = arith.constant 160 : i32
      %mul3A_25 = arith.muli %arg1, %mul3A_24 : i32
      %mul3A_26 = arith.constant 32 : i32
      %mul3A_27 = arith.muli %scan3A_23, %mul3A_26 : i32
      %add3A_28 = arith.addi %mul3A_25, %mul3A_27 : i32
      "tpu.region"() ({
        %run_scoped3A = tpu.sem_alloc : memref<!tpu.dma_semaphore, #tpu.memory_space<semaphore_mem>>
        %dma_start3A_923 = arith.constant 0 : i32
        %dma_start3A_924 = tpu.memref_slice %arg4[%add3A_28, %dma_start3A_923] : memref<2560x128xi32, #tpu.memory_space<hbm>> -> memref<32x128xi32, #tpu.memory_space<hbm>>
        %dma_start3A_925 = arith.constant 0 : i32
        %dma_start3A_926 = tpu.memref_slice %arg4[%add3A_28, %dma_start3A_925] : memref<2560x128xi32, #tpu.memory_space<hbm>> -> memref<32x128xi32, #tpu.memory_space<hbm>>
        tpu.enqueue_dma source(%dma_start3A_926 : memref<32x128xi32, #tpu.memory_space<hbm>>) target(%arg7 : memref<32x128xi32, #tpu.memory_space<vmem>>) target_semaphore(%run_scoped3A : memref<!tpu.dma_semaphore, #tpu.memory_space<semaphore_mem>>)
        %dma_wait3A_927 = arith.constant 0 : i32
        %dma_wait3A_928 = tpu.memref_slice %arg4[%add3A_28, %dma_wait3A_927] : memref<2560x128xi32, #tpu.memory_space<hbm>> -> memref<32x128xi32, #tpu.memory_space<hbm>>
        %dma_wait3A_929 = arith.constant 0 : i32
        %dma_wait3A_930 = tpu.memref_slice %arg4[%add3A_28, %dma_wait3A_929] : memref<2560x128xi32, #tpu.memory_space<hbm>> -> memref<32x128xi32, #tpu.memory_space<hbm>>
        tpu.wait_dma2 semaphore(%run_scoped3A : memref<!tpu.dma_semaphore, #tpu.memory_space<semaphore_mem>>) src(%dma_wait3A_930 : memref<32x128xi32, #tpu.memory_space<hbm>>) dst(%arg7 : memref<32x128xi32, #tpu.memory_space<vmem>>)
        tpu.yield
      }) : () -> ()
      "tpu.region"() ({
        %run_scoped3A = tpu.sem_alloc : memref<!tpu.dma_semaphore, #tpu.memory_space<semaphore_mem>>
        %dma_start3A_923 = arith.constant 0 : i32
        %dma_start3A_924 = tpu.memref_slice %arg5[%add3A_28, %dma_start3A_923] : memref<2560x128xi32, #tpu.memory_space<hbm>> -> memref<32x128xi32, #tpu.memory_space<hbm>>
        %dma_start3A_925 = arith.constant 0 : i32
        %dma_start3A_926 = tpu.memref_slice %arg5[%add3A_28, %dma_start3A_925] : memref<2560x128xi32, #tpu.memory_space<hbm>> -> memref<32x128xi32, #tpu.memory_space<hbm>>
        tpu.enqueue_dma source(%dma_start3A_926 : memref<32x128xi32, #tpu.memory_space<hbm>>) target(%arg8 : memref<32x128xi32, #tpu.memory_space<vmem>>) target_semaphore(%run_scoped3A : memref<!tpu.dma_semaphore, #tpu.memory_space<semaphore_mem>>)
        %dma_wait3A_927 = arith.constant 0 : i32
        %dma_wait3A_928 = tpu.memref_slice %arg5[%add3A_28, %dma_wait3A_927] : memref<2560x128xi32, #tpu.memory_space<hbm>> -> memref<32x128xi32, #tpu.memory_space<hbm>>
        %dma_wait3A_929 = arith.constant 0 : i32
        %dma_wait3A_930 = tpu.memref_slice %arg5[%add3A_28, %dma_wait3A_929] : memref<2560x128xi32, #tpu.memory_space<hbm>> -> memref<32x128xi32, #tpu.memory_space<hbm>>
        tpu.wait_dma2 semaphore(%run_scoped3A : memref<!tpu.dma_semaphore, #tpu.memory_space<semaphore_mem>>) src(%dma_wait3A_930 : memref<32x128xi32, #tpu.memory_space<hbm>>) dst(%arg8 : memref<32x128xi32, #tpu.memory_space<vmem>>)
        tpu.yield
      }) : () -> ()
      %dma_start3A = arith.constant 0 : i32
      %dma_start3A_29 = arith.constant 0 : i32
      %dma_start3A_30 = tpu.memref_slice %arg7[%dma_start3A, %dma_start3A_29] : memref<32x128xi32, #tpu.memory_space<vmem>> -> memref<1x128xi32, #tpu.memory_space<vmem>>
      %dma_start3A_31 = tpu.memref_squeeze %dma_start3A_30 : memref<1x128xi32, #tpu.memory_space<vmem>> -> memref<128xi32, #tpu.memory_space<vmem>>
      %dma_start3A_32 = arith.constant 0 : i32
      %dma_start3A_33 = arith.constant 0 : i32
      %dma_start3A_34 = tpu.memref_slice %arg11[%dma_start3A_32, %dma_start3A_33] : memref<10000x80xf32, #tpu.memory_space<vmem_shared>> -> memref<10000x80xf32, #tpu.memory_space<vmem_shared>>
      tpu.enqueue_indirect_dma source(%dma_start3A_34 : memref<10000x80xf32, #tpu.memory_space<vmem_shared>>) target(%arg9 : memref<128x80xf32, #tpu.memory_space<vmem>>) offsets(%dma_start3A_31 : memref<128xi32, #tpu.memory_space<vmem>>) semaphore(%arg13 : memref<!tpu.dma_semaphore, #tpu.memory_space<semaphore_mem>>)
      %dma_start3A_35 = arith.constant 1 : i32
      %dma_start3A_36 = arith.constant 0 : i32
      %dma_start3A_37 = tpu.memref_slice %arg7[%dma_start3A_35, %dma_start3A_36] : memref<32x128xi32, #tpu.memory_space<vmem>> -> memref<1x128xi32, #tpu.memory_space<vmem>>
      %dma_start3A_38 = tpu.memref_squeeze %dma_start3A_37 : memref<1x128xi32, #tpu.memory_space<vmem>> -> memref<128xi32, #tpu.memory_space<vmem>>
      %dma_start3A_39 = arith.constant 0 : i32
      %dma_start3A_40 = arith.constant 0 : i32
      %dma_start3A_41 = tpu.memref_slice %arg11[%dma_start3A_39, %dma_start3A_40] : memref<10000x80xf32, #tpu.memory_space<vmem_shared>> -> memref<10000x80xf32, #tpu.memory_space<vmem_shared>>
      tpu.enqueue_indirect_dma source(%dma_start3A_41 : memref<10000x80xf32, #tpu.memory_space<vmem_shared>>) target(%arg10 : memref<128x80xf32, #tpu.memory_space<vmem>>) offsets(%dma_start3A_38 : memref<128xi32, #tpu.memory_space<vmem>>) semaphore(%arg14 : memref<!tpu.dma_semaphore, #tpu.memory_space<semaphore_mem>>)
      %dma_wait3A = arith.constant 0 : i32
      %dma_wait3A_42 = arith.constant 0 : i32
      %dma_wait3A_43 = tpu.memref_slice %arg7[%dma_wait3A, %dma_wait3A_42] : memref<32x128xi32, #tpu.memory_space<vmem>> -> memref<1x128xi32, #tpu.memory_space<vmem>>
      %dma_wait3A_44 = tpu.memref_squeeze %dma_wait3A_43 : memref<1x128xi32, #tpu.memory_space<vmem>> -> memref<128xi32, #tpu.memory_space<vmem>>
      %dma_wait3A_45 = arith.constant 0 : i32
      %dma_wait3A_46 = arith.constant 0 : i32
      %dma_wait3A_47 = tpu.memref_slice %arg11[%dma_wait3A_45, %dma_wait3A_46] : memref<10000x80xf32, #tpu.memory_space<vmem_shared>> -> memref<10000x80xf32, #tpu.memory_space<vmem_shared>>
      tpu.wait_indirect_dma semaphore(%arg13 : memref<!tpu.dma_semaphore, #tpu.memory_space<semaphore_mem>>) src(%dma_wait3A_47 : memref<10000x80xf32, #tpu.memory_space<vmem_shared>>) dst(%arg9 : memref<128x80xf32, #tpu.memory_space<vmem>>)
      %dma_start3A_48 = arith.constant 0 : i32
      %dma_start3A_49 = arith.constant 0 : i32
      %dma_start3A_50 = tpu.memref_slice %arg8[%dma_start3A_48, %dma_start3A_49] : memref<32x128xi32, #tpu.memory_space<vmem>> -> memref<1x128xi32, #tpu.memory_space<vmem>>
      %dma_start3A_51 = tpu.memref_squeeze %dma_start3A_50 : memref<1x128xi32, #tpu.memory_space<vmem>> -> memref<128xi32, #tpu.memory_space<vmem>>
      %dma_start3A_52 = arith.constant 0 : i32
      %dma_start3A_53 = arith.constant 0 : i32
      %dma_start3A_54 = tpu.memref_slice %arg12[%dma_start3A_52, %dma_start3A_53] : memref<10112x80xf32, #tpu.memory_space<vmem_shared>> -> memref<10112x80xf32, #tpu.memory_space<vmem_shared>>
      tpu.enqueue_indirect_dma source(%arg9 : memref<128x80xf32, #tpu.memory_space<vmem>>) target(%dma_start3A_54 : memref<10112x80xf32, #tpu.memory_space<vmem_shared>>) offsets(%dma_start3A_51 : memref<128xi32, #tpu.memory_space<vmem>>) semaphore(%arg15 : memref<!tpu.dma_semaphore, #tpu.memory_space<semaphore_mem>>) {add = true}
      %dma_wait3A_55 = arith.constant 0 : i32
      %dma_wait3A_56 = arith.constant 0 : i32
      %dma_wait3A_57 = tpu.memref_slice %arg8[%dma_wait3A_55, %dma_wait3A_56] : memref<32x128xi32, #tpu.memory_space<vmem>> -> memref<1x128xi32, #tpu.memory_space<vmem>>
      %dma_wait3A_58 = tpu.memref_squeeze %dma_wait3A_57 : memref<1x128xi32, #tpu.memory_space<vmem>> -> memref<128xi32, #tpu.memory_space<vmem>>
      %dma_wait3A_59 = arith.constant 0 : i32
      %dma_wait3A_60 = arith.constant 0 : i32
      %dma_wait3A_61 = tpu.memref_slice %arg12[%dma_wait3A_59, %dma_wait3A_60] : memref<10112x80xf32, #tpu.memory_space<vmem_shared>> -> memref<10112x80xf32, #tpu.memory_space<vmem_shared>>
      tpu.wait_indirect_dma semaphore(%arg15 : memref<!tpu.dma_semaphore, #tpu.memory_space<semaphore_mem>>) src(%arg9 : memref<128x80xf32, #tpu.memory_space<vmem>>) dst(%dma_wait3A_61 : memref<10112x80xf32, #tpu.memory_space<vmem_shared>>)
      %dma_start3A_62 = arith.constant 2 : i32
      %dma_start3A_63 = arith.constant 0 : i32
      %dma_start3A_64 = tpu.memref_slice %arg7[%dma_start3A_62, %dma_start3A_63] : memref<32x128xi32, #tpu.memory_space<vmem>> -> memref<1x128xi32, #tpu.memory_space<vmem>>
      %dma_start3A_65 = tpu.memref_squeeze %dma_start3A_64 : memref<1x128xi32, #tpu.memory_space<vmem>> -> memref<128xi32, #tpu.memory_space<vmem>>
      %dma_start3A_66 = arith.constant 0 : i32
      %dma_start3A_67 = arith.constant 0 : i32
      %dma_start3A_68 = tpu.memref_slice %arg11[%dma_start3A_66, %dma_start3A_67] : memref<10000x80xf32, #tpu.memory_space<vmem_shared>> -> memref<10000x80xf32, #tpu.memory_space<vmem_shared>>
      tpu.enqueue_indirect_dma source(%dma_start3A_68 : memref<10000x80xf32, #tpu.memory_space<vmem_shared>>) target(%arg9 : memref<128x80xf32, #tpu.memory_space<vmem>>) offsets(%dma_start3A_65 : memref<128xi32, #tpu.memory_space<vmem>>) semaphore(%arg13 : memref<!tpu.dma_semaphore, #tpu.memory_space<semaphore_mem>>)
      %dma_wait3A_69 = arith.constant 1 : i32
      %dma_wait3A_70 = arith.constant 0 : i32
      %dma_wait3A_71 = tpu.memref_slice %arg7[%dma_wait3A_69, %dma_wait3A_70] : memref<32x128xi32, #tpu.memory_space<vmem>> -> memref<1x128xi32, #tpu.memory_space<vmem>>
      %dma_wait3A_72 = tpu.memref_squeeze %dma_wait3A_71 : memref<1x128xi32, #tpu.memory_space<vmem>> -> memref<128xi32, #tpu.memory_space<vmem>>
      %dma_wait3A_73 = arith.constant 0 : i32
      %dma_wait3A_74 = arith.constant 0 : i32
      %dma_wait3A_75 = tpu.memref_slice %arg11[%dma_wait3A_73, %dma_wait3A_74] : memref<10000x80xf32, #tpu.memory_space<vmem_shared>> -> memref<10000x80xf32, #tpu.memory_space<vmem_shared>>
      tpu.wait_indirect_dma semaphore(%arg14 : memref<!tpu.dma_semaphore, #tpu.memory_space<semaphore_mem>>) src(%dma_wait3A_75 : memref<10000x80xf32, #tpu.memory_space<vmem_shared>>) dst(%arg10 : memref<128x80xf32, #tpu.memory_space<vmem>>)
      %dma_start3A_76 = arith.constant 1 : i32
      %dma_start3A_77 = arith.constant 0 : i32
      %dma_start3A_78 = tpu.memref_slice %arg8[%dma_start3A_76, %dma_start3A_77] : memref<32x128xi32, #tpu.memory_space<vmem>> -> memref<1x128xi32, #tpu.memory_space<vmem>>
      %dma_start3A_79 = tpu.memref_squeeze %dma_start3A_78 : memref<1x128xi32, #tpu.memory_space<vmem>> -> memref<128xi32, #tpu.memory_space<vmem>>
      %dma_start3A_80 = arith.constant 0 : i32
      %dma_start3A_81 = arith.constant 0 : i32
      %dma_start3A_82 = tpu.memref_slice %arg12[%dma_start3A_80, %dma_start3A_81] : memref<10112x80xf32, #tpu.memory_space<vmem_shared>> -> memref<10112x80xf32, #tpu.memory_space<vmem_shared>>
      tpu.enqueue_indirect_dma source(%arg10 : memref<128x80xf32, #tpu.memory_space<vmem>>) target(%dma_start3A_82 : memref<10112x80xf32, #tpu.memory_space<vmem_shared>>) offsets(%dma_start3A_79 : memref<128xi32, #tpu.memory_space<vmem>>) semaphore(%arg16 : memref<!tpu.dma_semaphore, #tpu.memory_space<semaphore_mem>>) {add = true}
      %dma_wait3A_83 = arith.constant 1 : i32
      %dma_wait3A_84 = arith.constant 0 : i32
      %dma_wait3A_85 = tpu.memref_slice %arg8[%dma_wait3A_83, %dma_wait3A_84] : memref<32x128xi32, #tpu.memory_space<vmem>> -> memref<1x128xi32, #tpu.memory_space<vmem>>
      %dma_wait3A_86 = tpu.memref_squeeze %dma_wait3A_85 : memref<1x128xi32, #tpu.memory_space<vmem>> -> memref<128xi32, #tpu.memory_space<vmem>>
      %dma_wait3A_87 = arith.constant 0 : i32
      %dma_wait3A_88 = arith.constant 0 : i32
      %dma_wait3A_89 = tpu.memref_slice %arg12[%dma_wait3A_87, %dma_wait3A_88] : memref<10112x80xf32, #tpu.memory_space<vmem_shared>> -> memref<10112x80xf32, #tpu.memory_space<vmem_shared>>
      tpu.wait_indirect_dma semaphore(%arg16 : memref<!tpu.dma_semaphore, #tpu.memory_space<semaphore_mem>>) src(%arg10 : memref<128x80xf32, #tpu.memory_space<vmem>>) dst(%dma_wait3A_89 : memref<10112x80xf32, #tpu.memory_space<vmem_shared>>)
      %dma_start3A_90 = arith.constant 3 : i32
      %dma_start3A_91 = arith.constant 0 : i32
      %dma_start3A_92 = tpu.memref_slice %arg7[%dma_start3A_90, %dma_start3A_91] : memref<32x128xi32, #tpu.memory_space<vmem>> -> memref<1x128xi32, #tpu.memory_space<vmem>>
      %dma_start3A_93 = tpu.memref_squeeze %dma_start3A_92 : memref<1x128xi32, #tpu.memory_space<vmem>> -> memref<128xi32, #tpu.memory_space<vmem>>
      %dma_start3A_94 = arith.constant 0 : i32
      %dma_start3A_95 = arith.constant 0 : i32
      %dma_start3A_96 = tpu.memref_slice %arg11[%dma_start3A_94, %dma_start3A_95] : memref<10000x80xf32, #tpu.memory_space<vmem_shared>> -> memref<10000x80xf32, #tpu.memory_space<vmem_shared>>
      tpu.enqueue_indirect_dma source(%dma_start3A_96 : memref<10000x80xf32, #tpu.memory_space<vmem_shared>>) target(%arg10 : memref<128x80xf32, #tpu.memory_space<vmem>>) offsets(%dma_start3A_93 : memref<128xi32, #tpu.memory_space<vmem>>) semaphore(%arg14 : memref<!tpu.dma_semaphore, #tpu.memory_space<semaphore_mem>>)
      %dma_wait3A_97 = arith.constant 2 : i32
      %dma_wait3A_98 = arith.constant 0 : i32
      %dma_wait3A_99 = tpu.memref_slice %arg7[%dma_wait3A_97, %dma_wait3A_98] : memref<32x128xi32, #tpu.memory_space<vmem>> -> memref<1x128xi32, #tpu.memory_space<vmem>>
      %dma_wait3A_100 = tpu.memref_squeeze %dma_wait3A_99 : memref<1x128xi32, #tpu.memory_space<vmem>> -> memref<128xi32, #tpu.memory_space<vmem>>
      %dma_wait3A_101 = arith.constant 0 : i32
      %dma_wait3A_102 = arith.constant 0 : i32
      %dma_wait3A_103 = tpu.memref_slice %arg11[%dma_wait3A_101, %dma_wait3A_102] : memref<10000x80xf32, #tpu.memory_space<vmem_shared>> -> memref<10000x80xf32, #tpu.memory_space<vmem_shared>>
      tpu.wait_indirect_dma semaphore(%arg13 : memref<!tpu.dma_semaphore, #tpu.memory_space<semaphore_mem>>) src(%dma_wait3A_103 : memref<10000x80xf32, #tpu.memory_space<vmem_shared>>) dst(%arg9 : memref<128x80xf32, #tpu.memory_space<vmem>>)
      %dma_start3A_104 = arith.constant 2 : i32
      %dma_start3A_105 = arith.constant 0 : i32
      %dma_start3A_106 = tpu.memref_slice %arg8[%dma_start3A_104, %dma_start3A_105] : memref<32x128xi32, #tpu.memory_space<vmem>> -> memref<1x128xi32, #tpu.memory_space<vmem>>
      %dma_start3A_107 = tpu.memref_squeeze %dma_start3A_106 : memref<1x128xi32, #tpu.memory_space<vmem>> -> memref<128xi32, #tpu.memory_space<vmem>>
      %dma_start3A_108 = arith.constant 0 : i32
      %dma_start3A_109 = arith.constant 0 : i32
      %dma_start3A_110 = tpu.memref_slice %arg12[%dma_start3A_108, %dma_start3A_109] : memref<10112x80xf32, #tpu.memory_space<vmem_shared>> -> memref<10112x80xf32, #tpu.memory_space<vmem_shared>>
      tpu.enqueue_indirect_dma source(%arg9 : memref<128x80xf32, #tpu.memory_space<vmem>>) target(%dma_start3A_110 : memref<10112x80xf32, #tpu.memory_space<vmem_shared>>) offsets(%dma_start3A_107 : memref<128xi32, #tpu.memory_space<vmem>>) semaphore(%arg15 : memref<!tpu.dma_semaphore, #tpu.memory_space<semaphore_mem>>) {add = true}
      %dma_wait3A_111 = arith.constant 2 : i32
      %dma_wait3A_112 = arith.constant 0 : i32
      %dma_wait3A_113 = tpu.memref_slice %arg8[%dma_wait3A_111, %dma_wait3A_112] : memref<32x128xi32, #tpu.memory_space<vmem>> -> memref<1x128xi32, #tpu.memory_space<vmem>>
      %dma_wait3A_114 = tpu.memref_squeeze %dma_wait3A_113 : memref<1x128xi32, #tpu.memory_space<vmem>> -> memref<128xi32, #tpu.memory_space<vmem>>
      %dma_wait3A_115 = arith.constant 0 : i32
      %dma_wait3A_116 = arith.constant 0 : i32
      %dma_wait3A_117 = tpu.memref_slice %arg12[%dma_wait3A_115, %dma_wait3A_116] : memref<10112x80xf32, #tpu.memory_space<vmem_shared>> -> memref<10112x80xf32, #tpu.memory_space<vmem_shared>>
      tpu.wait_indirect_dma semaphore(%arg15 : memref<!tpu.dma_semaphore, #tpu.memory_space<semaphore_mem>>) src(%arg9 : memref<128x80xf32, #tpu.memory_space<vmem>>) dst(%dma_wait3A_117 : memref<10112x80xf32, #tpu.memory_space<vmem_shared>>)
      %dma_start3A_118 = arith.constant 4 : i32
      %dma_start3A_119 = arith.constant 0 : i32
      %dma_start3A_120 = tpu.memref_slice %arg7[%dma_start3A_118, %dma_start3A_119] : memref<32x128xi32, #tpu.memory_space<vmem>> -> memref<1x128xi32, #tpu.memory_space<vmem>>
      %dma_start3A_121 = tpu.memref_squeeze %dma_start3A_120 : memref<1x128xi32, #tpu.memory_space<vmem>> -> memref<128xi32, #tpu.memory_space<vmem>>
      %dma_start3A_122 = arith.constant 0 : i32
      %dma_start3A_123 = arith.constant 0 : i32
      %dma_start3A_124 = tpu.memref_slice %arg11[%dma_start3A_122, %dma_start3A_123] : memref<10000x80xf32, #tpu.memory_space<vmem_shared>> -> memref<10000x80xf32, #tpu.memory_space<vmem_shared>>
      tpu.enqueue_indirect_dma source(%dma_start3A_124 : memref<10000x80xf32, #tpu.memory_space<vmem_shared>>) target(%arg9 : memref<128x80xf32, #tpu.memory_space<vmem>>) offsets(%dma_start3A_121 : memref<128xi32, #tpu.memory_space<vmem>>) semaphore(%arg13 : memref<!tpu.dma_semaphore, #tpu.memory_space<semaphore_mem>>)
      %dma_wait3A_125 = arith.constant 3 : i32
      %dma_wait3A_126 = arith.constant 0 : i32
      %dma_wait3A_127 = tpu.memref_slice %arg7[%dma_wait3A_125, %dma_wait3A_126] : memref<32x128xi32, #tpu.memory_space<vmem>> -> memref<1x128xi32, #tpu.memory_space<vmem>>
      %dma_wait3A_128 = tpu.memref_squeeze %dma_wait3A_127 : memref<1x128xi32, #tpu.memory_space<vmem>> -> memref<128xi32, #tpu.memory_space<vmem>>
      %dma_wait3A_129 = arith.constant 0 : i32
      %dma_wait3A_130 = arith.constant 0 : i32
      %dma_wait3A_131 = tpu.memref_slice %arg11[%dma_wait3A_129, %dma_wait3A_130] : memref<10000x80xf32, #tpu.memory_space<vmem_shared>> -> memref<10000x80xf32, #tpu.memory_space<vmem_shared>>
      tpu.wait_indirect_dma semaphore(%arg14 : memref<!tpu.dma_semaphore, #tpu.memory_space<semaphore_mem>>) src(%dma_wait3A_131 : memref<10000x80xf32, #tpu.memory_space<vmem_shared>>) dst(%arg10 : memref<128x80xf32, #tpu.memory_space<vmem>>)
      %dma_start3A_132 = arith.constant 3 : i32
      %dma_start3A_133 = arith.constant 0 : i32
      %dma_start3A_134 = tpu.memref_slice %arg8[%dma_start3A_132, %dma_start3A_133] : memref<32x128xi32, #tpu.memory_space<vmem>> -> memref<1x128xi32, #tpu.memory_space<vmem>>
      %dma_start3A_135 = tpu.memref_squeeze %dma_start3A_134 : memref<1x128xi32, #tpu.memory_space<vmem>> -> memref<128xi32, #tpu.memory_space<vmem>>
      %dma_start3A_136 = arith.constant 0 : i32
      %dma_start3A_137 = arith.constant 0 : i32
      %dma_start3A_138 = tpu.memref_slice %arg12[%dma_start3A_136, %dma_start3A_137] : memref<10112x80xf32, #tpu.memory_space<vmem_shared>> -> memref<10112x80xf32, #tpu.memory_space<vmem_shared>>
      tpu.enqueue_indirect_dma source(%arg10 : memref<128x80xf32, #tpu.memory_space<vmem>>) target(%dma_start3A_138 : memref<10112x80xf32, #tpu.memory_space<vmem_shared>>) offsets(%dma_start3A_135 : memref<128xi32, #tpu.memory_space<vmem>>) semaphore(%arg16 : memref<!tpu.dma_semaphore, #tpu.memory_space<semaphore_mem>>) {add = true}
      %dma_wait3A_139 = arith.constant 3 : i32
      %dma_wait3A_140 = arith.constant 0 : i32
      %dma_wait3A_141 = tpu.memref_slice %arg8[%dma_wait3A_139, %dma_wait3A_140] : memref<32x128xi32, #tpu.memory_space<vmem>> -> memref<1x128xi32, #tpu.memory_space<vmem>>
      %dma_wait3A_142 = tpu.memref_squeeze %dma_wait3A_141 : memref<1x128xi32, #tpu.memory_space<vmem>> -> memref<128xi32, #tpu.memory_space<vmem>>
      %dma_wait3A_143 = arith.constant 0 : i32
      %dma_wait3A_144 = arith.constant 0 : i32
      %dma_wait3A_145 = tpu.memref_slice %arg12[%dma_wait3A_143, %dma_wait3A_144] : memref<10112x80xf32, #tpu.memory_space<vmem_shared>> -> memref<10112x80xf32, #tpu.memory_space<vmem_shared>>
      tpu.wait_indirect_dma semaphore(%arg16 : memref<!tpu.dma_semaphore, #tpu.memory_space<semaphore_mem>>) src(%arg10 : memref<128x80xf32, #tpu.memory_space<vmem>>) dst(%dma_wait3A_145 : memref<10112x80xf32, #tpu.memory_space<vmem_shared>>)
      %dma_start3A_146 = arith.constant 5 : i32
      %dma_start3A_147 = arith.constant 0 : i32
      %dma_start3A_148 = tpu.memref_slice %arg7[%dma_start3A_146, %dma_start3A_147] : memref<32x128xi32, #tpu.memory_space<vmem>> -> memref<1x128xi32, #tpu.memory_space<vmem>>
      %dma_start3A_149 = tpu.memref_squeeze %dma_start3A_148 : memref<1x128xi32, #tpu.memory_space<vmem>> -> memref<128xi32, #tpu.memory_space<vmem>>
      %dma_start3A_150 = arith.constant 0 : i32
      %dma_start3A_151 = arith.constant 0 : i32
      %dma_start3A_152 = tpu.memref_slice %arg11[%dma_start3A_150, %dma_start3A_151] : memref<10000x80xf32, #tpu.memory_space<vmem_shared>> -> memref<10000x80xf32, #tpu.memory_space<vmem_shared>>
      tpu.enqueue_indirect_dma source(%dma_start3A_152 : memref<10000x80xf32, #tpu.memory_space<vmem_shared>>) target(%arg10 : memref<128x80xf32, #tpu.memory_space<vmem>>) offsets(%dma_start3A_149 : memref<128xi32, #tpu.memory_space<vmem>>) semaphore(%arg14 : memref<!tpu.dma_semaphore, #tpu.memory_space<semaphore_mem>>)
      %dma_wait3A_153 = arith.constant 4 : i32
      %dma_wait3A_154 = arith.constant 0 : i32
      %dma_wait3A_155 = tpu.memref_slice %arg7[%dma_wait3A_153, %dma_wait3A_154] : memref<32x128xi32, #tpu.memory_space<vmem>> -> memref<1x128xi32, #tpu.memory_space<vmem>>
      %dma_wait3A_156 = tpu.memref_squeeze %dma_wait3A_155 : memref<1x128xi32, #tpu.memory_space<vmem>> -> memref<128xi32, #tpu.memory_space<vmem>>
      %dma_wait3A_157 = arith.constant 0 : i32
      %dma_wait3A_158 = arith.constant 0 : i32
      %dma_wait3A_159 = tpu.memref_slice %arg11[%dma_wait3A_157, %dma_wait3A_158] : memref<10000x80xf32, #tpu.memory_space<vmem_shared>> -> memref<10000x80xf32, #tpu.memory_space<vmem_shared>>
      tpu.wait_indirect_dma semaphore(%arg13 : memref<!tpu.dma_semaphore, #tpu.memory_space<semaphore_mem>>) src(%dma_wait3A_159 : memref<10000x80xf32, #tpu.memory_space<vmem_shared>>) dst(%arg9 : memref<128x80xf32, #tpu.memory_space<vmem>>)
      %dma_start3A_160 = arith.constant 4 : i32
      %dma_start3A_161 = arith.constant 0 : i32
      %dma_start3A_162 = tpu.memref_slice %arg8[%dma_start3A_160, %dma_start3A_161] : memref<32x128xi32, #tpu.memory_space<vmem>> -> memref<1x128xi32, #tpu.memory_space<vmem>>
      %dma_start3A_163 = tpu.memref_squeeze %dma_start3A_162 : memref<1x128xi32, #tpu.memory_space<vmem>> -> memref<128xi32, #tpu.memory_space<vmem>>
      %dma_start3A_164 = arith.constant 0 : i32
      %dma_start3A_165 = arith.constant 0 : i32
      %dma_start3A_166 = tpu.memref_slice %arg12[%dma_start3A_164, %dma_start3A_165] : memref<10112x80xf32, #tpu.memory_space<vmem_shared>> -> memref<10112x80xf32, #tpu.memory_space<vmem_shared>>
      tpu.enqueue_indirect_dma source(%arg9 : memref<128x80xf32, #tpu.memory_space<vmem>>) target(%dma_start3A_166 : memref<10112x80xf32, #tpu.memory_space<vmem_shared>>) offsets(%dma_start3A_163 : memref<128xi32, #tpu.memory_space<vmem>>) semaphore(%arg15 : memref<!tpu.dma_semaphore, #tpu.memory_space<semaphore_mem>>) {add = true}
      %dma_wait3A_167 = arith.constant 4 : i32
      %dma_wait3A_168 = arith.constant 0 : i32
      %dma_wait3A_169 = tpu.memref_slice %arg8[%dma_wait3A_167, %dma_wait3A_168] : memref<32x128xi32, #tpu.memory_space<vmem>> -> memref<1x128xi32, #tpu.memory_space<vmem>>
      %dma_wait3A_170 = tpu.memref_squeeze %dma_wait3A_169 : memref<1x128xi32, #tpu.memory_space<vmem>> -> memref<128xi32, #tpu.memory_space<vmem>>
      %dma_wait3A_171 = arith.constant 0 : i32
      %dma_wait3A_172 = arith.constant 0 : i32
      %dma_wait3A_173 = tpu.memref_slice %arg12[%dma_wait3A_171, %dma_wait3A_172] : memref<10112x80xf32, #tpu.memory_space<vmem_shared>> -> memref<10112x80xf32, #tpu.memory_space<vmem_shared>>
      tpu.wait_indirect_dma semaphore(%arg15 : memref<!tpu.dma_semaphore, #tpu.memory_space<semaphore_mem>>) src(%arg9 : memref<128x80xf32, #tpu.memory_space<vmem>>) dst(%dma_wait3A_173 : memref<10112x80xf32, #tpu.memory_space<vmem_shared>>)
      %dma_start3A_174 = arith.constant 6 : i32
      %dma_start3A_175 = arith.constant 0 : i32
      %dma_start3A_176 = tpu.memref_slice %arg7[%dma_start3A_174, %dma_start3A_175] : memref<32x128xi32, #tpu.memory_space<vmem>> -> memref<1x128xi32, #tpu.memory_space<vmem>>
      %dma_start3A_177 = tpu.memref_squeeze %dma_start3A_176 : memref<1x128xi32, #tpu.memory_space<vmem>> -> memref<128xi32, #tpu.memory_space<vmem>>
      %dma_start3A_178 = arith.constant 0 : i32
      %dma_start3A_179 = arith.constant 0 : i32
      %dma_start3A_180 = tpu.memref_slice %arg11[%dma_start3A_178, %dma_start3A_179] : memref<10000x80xf32, #tpu.memory_space<vmem_shared>> -> memref<10000x80xf32, #tpu.memory_space<vmem_shared>>
      tpu.enqueue_indirect_dma source(%dma_start3A_180 : memref<10000x80xf32, #tpu.memory_space<vmem_shared>>) target(%arg9 : memref<128x80xf32, #tpu.memory_space<vmem>>) offsets(%dma_start3A_177 : memref<128xi32, #tpu.memory_space<vmem>>) semaphore(%arg13 : memref<!tpu.dma_semaphore, #tpu.memory_space<semaphore_mem>>)
      %dma_wait3A_181 = arith.constant 5 : i32
      %dma_wait3A_182 = arith.constant 0 : i32
      %dma_wait3A_183 = tpu.memref_slice %arg7[%dma_wait3A_181, %dma_wait3A_182] : memref<32x128xi32, #tpu.memory_space<vmem>> -> memref<1x128xi32, #tpu.memory_space<vmem>>
      %dma_wait3A_184 = tpu.memref_squeeze %dma_wait3A_183 : memref<1x128xi32, #tpu.memory_space<vmem>> -> memref<128xi32, #tpu.memory_space<vmem>>
      %dma_wait3A_185 = arith.constant 0 : i32
      %dma_wait3A_186 = arith.constant 0 : i32
      %dma_wait3A_187 = tpu.memref_slice %arg11[%dma_wait3A_185, %dma_wait3A_186] : memref<10000x80xf32, #tpu.memory_space<vmem_shared>> -> memref<10000x80xf32, #tpu.memory_space<vmem_shared>>
      tpu.wait_indirect_dma semaphore(%arg14 : memref<!tpu.dma_semaphore, #tpu.memory_space<semaphore_mem>>) src(%dma_wait3A_187 : memref<10000x80xf32, #tpu.memory_space<vmem_shared>>) dst(%arg10 : memref<128x80xf32, #tpu.memory_space<vmem>>)
      %dma_start3A_188 = arith.constant 5 : i32
      %dma_start3A_189 = arith.constant 0 : i32
      %dma_start3A_190 = tpu.memref_slice %arg8[%dma_start3A_188, %dma_start3A_189] : memref<32x128xi32, #tpu.memory_space<vmem>> -> memref<1x128xi32, #tpu.memory_space<vmem>>
      %dma_start3A_191 = tpu.memref_squeeze %dma_start3A_190 : memref<1x128xi32, #tpu.memory_space<vmem>> -> memref<128xi32, #tpu.memory_space<vmem>>
      %dma_start3A_192 = arith.constant 0 : i32
      %dma_start3A_193 = arith.constant 0 : i32
      %dma_start3A_194 = tpu.memref_slice %arg12[%dma_start3A_192, %dma_start3A_193] : memref<10112x80xf32, #tpu.memory_space<vmem_shared>> -> memref<10112x80xf32, #tpu.memory_space<vmem_shared>>
      tpu.enqueue_indirect_dma source(%arg10 : memref<128x80xf32, #tpu.memory_space<vmem>>) target(%dma_start3A_194 : memref<10112x80xf32, #tpu.memory_space<vmem_shared>>) offsets(%dma_start3A_191 : memref<128xi32, #tpu.memory_space<vmem>>) semaphore(%arg16 : memref<!tpu.dma_semaphore, #tpu.memory_space<semaphore_mem>>) {add = true}
      %dma_wait3A_195 = arith.constant 5 : i32
      %dma_wait3A_196 = arith.constant 0 : i32
      %dma_wait3A_197 = tpu.memref_slice %arg8[%dma_wait3A_195, %dma_wait3A_196] : memref<32x128xi32, #tpu.memory_space<vmem>> -> memref<1x128xi32, #tpu.memory_space<vmem>>
      %dma_wait3A_198 = tpu.memref_squeeze %dma_wait3A_197 : memref<1x128xi32, #tpu.memory_space<vmem>> -> memref<128xi32, #tpu.memory_space<vmem>>
      %dma_wait3A_199 = arith.constant 0 : i32
      %dma_wait3A_200 = arith.constant 0 : i32
      %dma_wait3A_201 = tpu.memref_slice %arg12[%dma_wait3A_199, %dma_wait3A_200] : memref<10112x80xf32, #tpu.memory_space<vmem_shared>> -> memref<10112x80xf32, #tpu.memory_space<vmem_shared>>
      tpu.wait_indirect_dma semaphore(%arg16 : memref<!tpu.dma_semaphore, #tpu.memory_space<semaphore_mem>>) src(%arg10 : memref<128x80xf32, #tpu.memory_space<vmem>>) dst(%dma_wait3A_201 : memref<10112x80xf32, #tpu.memory_space<vmem_shared>>)
      %dma_start3A_202 = arith.constant 7 : i32
      %dma_start3A_203 = arith.constant 0 : i32
      %dma_start3A_204 = tpu.memref_slice %arg7[%dma_start3A_202, %dma_start3A_203] : memref<32x128xi32, #tpu.memory_space<vmem>> -> memref<1x128xi32, #tpu.memory_space<vmem>>
      %dma_start3A_205 = tpu.memref_squeeze %dma_start3A_204 : memref<1x128xi32, #tpu.memory_space<vmem>> -> memref<128xi32, #tpu.memory_space<vmem>>
      %dma_start3A_206 = arith.constant 0 : i32
      %dma_start3A_207 = arith.constant 0 : i32
      %dma_start3A_208 = tpu.memref_slice %arg11[%dma_start3A_206, %dma_start3A_207] : memref<10000x80xf32, #tpu.memory_space<vmem_shared>> -> memref<10000x80xf32, #tpu.memory_space<vmem_shared>>
      tpu.enqueue_indirect_dma source(%dma_start3A_208 : memref<10000x80xf32, #tpu.memory_space<vmem_shared>>) target(%arg10 : memref<128x80xf32, #tpu.memory_space<vmem>>) offsets(%dma_start3A_205 : memref<128xi32, #tpu.memory_space<vmem>>) semaphore(%arg14 : memref<!tpu.dma_semaphore, #tpu.memory_space<semaphore_mem>>)
      %dma_wait3A_209 = arith.constant 6 : i32
      %dma_wait3A_210 = arith.constant 0 : i32
      %dma_wait3A_211 = tpu.memref_slice %arg7[%dma_wait3A_209, %dma_wait3A_210] : memref<32x128xi32, #tpu.memory_space<vmem>> -> memref<1x128xi32, #tpu.memory_space<vmem>>
      %dma_wait3A_212 = tpu.memref_squeeze %dma_wait3A_211 : memref<1x128xi32, #tpu.memory_space<vmem>> -> memref<128xi32, #tpu.memory_space<vmem>>
      %dma_wait3A_213 = arith.constant 0 : i32
      %dma_wait3A_214 = arith.constant 0 : i32
      %dma_wait3A_215 = tpu.memref_slice %arg11[%dma_wait3A_213, %dma_wait3A_214] : memref<10000x80xf32, #tpu.memory_space<vmem_shared>> -> memref<10000x80xf32, #tpu.memory_space<vmem_shared>>
      tpu.wait_indirect_dma semaphore(%arg13 : memref<!tpu.dma_semaphore, #tpu.memory_space<semaphore_mem>>) src(%dma_wait3A_215 : memref<10000x80xf32, #tpu.memory_space<vmem_shared>>) dst(%arg9 : memref<128x80xf32, #tpu.memory_space<vmem>>)
      %dma_start3A_216 = arith.constant 6 : i32
      %dma_start3A_217 = arith.constant 0 : i32
      %dma_start3A_218 = tpu.memref_slice %arg8[%dma_start3A_216, %dma_start3A_217] : memref<32x128xi32, #tpu.memory_space<vmem>> -> memref<1x128xi32, #tpu.memory_space<vmem>>
      %dma_start3A_219 = tpu.memref_squeeze %dma_start3A_218 : memref<1x128xi32, #tpu.memory_space<vmem>> -> memref<128xi32, #tpu.memory_space<vmem>>
      %dma_start3A_220 = arith.constant 0 : i32
      %dma_start3A_221 = arith.constant 0 : i32
      %dma_start3A_222 = tpu.memref_slice %arg12[%dma_start3A_220, %dma_start3A_221] : memref<10112x80xf32, #tpu.memory_space<vmem_shared>> -> memref<10112x80xf32, #tpu.memory_space<vmem_shared>>
      tpu.enqueue_indirect_dma source(%arg9 : memref<128x80xf32, #tpu.memory_space<vmem>>) target(%dma_start3A_222 : memref<10112x80xf32, #tpu.memory_space<vmem_shared>>) offsets(%dma_start3A_219 : memref<128xi32, #tpu.memory_space<vmem>>) semaphore(%arg15 : memref<!tpu.dma_semaphore, #tpu.memory_space<semaphore_mem>>) {add = true}
      %dma_wait3A_223 = arith.constant 6 : i32
      %dma_wait3A_224 = arith.constant 0 : i32
      %dma_wait3A_225 = tpu.memref_slice %arg8[%dma_wait3A_223, %dma_wait3A_224] : memref<32x128xi32, #tpu.memory_space<vmem>> -> memref<1x128xi32, #tpu.memory_space<vmem>>
      %dma_wait3A_226 = tpu.memref_squeeze %dma_wait3A_225 : memref<1x128xi32, #tpu.memory_space<vmem>> -> memref<128xi32, #tpu.memory_space<vmem>>
      %dma_wait3A_227 = arith.constant 0 : i32
      %dma_wait3A_228 = arith.constant 0 : i32
      %dma_wait3A_229 = tpu.memref_slice %arg12[%dma_wait3A_227, %dma_wait3A_228] : memref<10112x80xf32, #tpu.memory_space<vmem_shared>> -> memref<10112x80xf32, #tpu.memory_space<vmem_shared>>
      tpu.wait_indirect_dma semaphore(%arg15 : memref<!tpu.dma_semaphore, #tpu.memory_space<semaphore_mem>>) src(%arg9 : memref<128x80xf32, #tpu.memory_space<vmem>>) dst(%dma_wait3A_229 : memref<10112x80xf32, #tpu.memory_space<vmem_shared>>)
      %dma_start3A_230 = arith.constant 8 : i32
      %dma_start3A_231 = arith.constant 0 : i32
      %dma_start3A_232 = tpu.memref_slice %arg7[%dma_start3A_230, %dma_start3A_231] : memref<32x128xi32, #tpu.memory_space<vmem>> -> memref<1x128xi32, #tpu.memory_space<vmem>>
      %dma_start3A_233 = tpu.memref_squeeze %dma_start3A_232 : memref<1x128xi32, #tpu.memory_space<vmem>> -> memref<128xi32, #tpu.memory_space<vmem>>
      %dma_start3A_234 = arith.constant 0 : i32
      %dma_start3A_235 = arith.constant 0 : i32
      %dma_start3A_236 = tpu.memref_slice %arg11[%dma_start3A_234, %dma_start3A_235] : memref<10000x80xf32, #tpu.memory_space<vmem_shared>> -> memref<10000x80xf32, #tpu.memory_space<vmem_shared>>
      tpu.enqueue_indirect_dma source(%dma_start3A_236 : memref<10000x80xf32, #tpu.memory_space<vmem_shared>>) target(%arg9 : memref<128x80xf32, #tpu.memory_space<vmem>>) offsets(%dma_start3A_233 : memref<128xi32, #tpu.memory_space<vmem>>) semaphore(%arg13 : memref<!tpu.dma_semaphore, #tpu.memory_space<semaphore_mem>>)
      %dma_wait3A_237 = arith.constant 7 : i32
      %dma_wait3A_238 = arith.constant 0 : i32
      %dma_wait3A_239 = tpu.memref_slice %arg7[%dma_wait3A_237, %dma_wait3A_238] : memref<32x128xi32, #tpu.memory_space<vmem>> -> memref<1x128xi32, #tpu.memory_space<vmem>>
      %dma_wait3A_240 = tpu.memref_squeeze %dma_wait3A_239 : memref<1x128xi32, #tpu.memory_space<vmem>> -> memref<128xi32, #tpu.memory_space<vmem>>
      %dma_wait3A_241 = arith.constant 0 : i32
      %dma_wait3A_242 = arith.constant 0 : i32
      %dma_wait3A_243 = tpu.memref_slice %arg11[%dma_wait3A_241, %dma_wait3A_242] : memref<10000x80xf32, #tpu.memory_space<vmem_shared>> -> memref<10000x80xf32, #tpu.memory_space<vmem_shared>>
      tpu.wait_indirect_dma semaphore(%arg14 : memref<!tpu.dma_semaphore, #tpu.memory_space<semaphore_mem>>) src(%dma_wait3A_243 : memref<10000x80xf32, #tpu.memory_space<vmem_shared>>) dst(%arg10 : memref<128x80xf32, #tpu.memory_space<vmem>>)
      %dma_start3A_244 = arith.constant 7 : i32
      %dma_start3A_245 = arith.constant 0 : i32
      %dma_start3A_246 = tpu.memref_slice %arg8[%dma_start3A_244, %dma_start3A_245] : memref<32x128xi32, #tpu.memory_space<vmem>> -> memref<1x128xi32, #tpu.memory_space<vmem>>
      %dma_start3A_247 = tpu.memref_squeeze %dma_start3A_246 : memref<1x128xi32, #tpu.memory_space<vmem>> -> memref<128xi32, #tpu.memory_space<vmem>>
      %dma_start3A_248 = arith.constant 0 : i32
      %dma_start3A_249 = arith.constant 0 : i32
      %dma_start3A_250 = tpu.memref_slice %arg12[%dma_start3A_248, %dma_start3A_249] : memref<10112x80xf32, #tpu.memory_space<vmem_shared>> -> memref<10112x80xf32, #tpu.memory_space<vmem_shared>>
      tpu.enqueue_indirect_dma source(%arg10 : memref<128x80xf32, #tpu.memory_space<vmem>>) target(%dma_start3A_250 : memref<10112x80xf32, #tpu.memory_space<vmem_shared>>) offsets(%dma_start3A_247 : memref<128xi32, #tpu.memory_space<vmem>>) semaphore(%arg16 : memref<!tpu.dma_semaphore, #tpu.memory_space<semaphore_mem>>) {add = true}
      %dma_wait3A_251 = arith.constant 7 : i32
      %dma_wait3A_252 = arith.constant 0 : i32
      %dma_wait3A_253 = tpu.memref_slice %arg8[%dma_wait3A_251, %dma_wait3A_252] : memref<32x128xi32, #tpu.memory_space<vmem>> -> memref<1x128xi32, #tpu.memory_space<vmem>>
      %dma_wait3A_254 = tpu.memref_squeeze %dma_wait3A_253 : memref<1x128xi32, #tpu.memory_space<vmem>> -> memref<128xi32, #tpu.memory_space<vmem>>
      %dma_wait3A_255 = arith.constant 0 : i32
      %dma_wait3A_256 = arith.constant 0 : i32
      %dma_wait3A_257 = tpu.memref_slice %arg12[%dma_wait3A_255, %dma_wait3A_256] : memref<10112x80xf32, #tpu.memory_space<vmem_shared>> -> memref<10112x80xf32, #tpu.memory_space<vmem_shared>>
      tpu.wait_indirect_dma semaphore(%arg16 : memref<!tpu.dma_semaphore, #tpu.memory_space<semaphore_mem>>) src(%arg10 : memref<128x80xf32, #tpu.memory_space<vmem>>) dst(%dma_wait3A_257 : memref<10112x80xf32, #tpu.memory_space<vmem_shared>>)
      %dma_start3A_258 = arith.constant 9 : i32
      %dma_start3A_259 = arith.constant 0 : i32
      %dma_start3A_260 = tpu.memref_slice %arg7[%dma_start3A_258, %dma_start3A_259] : memref<32x128xi32, #tpu.memory_space<vmem>> -> memref<1x128xi32, #tpu.memory_space<vmem>>
      %dma_start3A_261 = tpu.memref_squeeze %dma_start3A_260 : memref<1x128xi32, #tpu.memory_space<vmem>> -> memref<128xi32, #tpu.memory_space<vmem>>
      %dma_start3A_262 = arith.constant 0 : i32
      %dma_start3A_263 = arith.constant 0 : i32
      %dma_start3A_264 = tpu.memref_slice %arg11[%dma_start3A_262, %dma_start3A_263] : memref<10000x80xf32, #tpu.memory_space<vmem_shared>> -> memref<10000x80xf32, #tpu.memory_space<vmem_shared>>
      tpu.enqueue_indirect_dma source(%dma_start3A_264 : memref<10000x80xf32, #tpu.memory_space<vmem_shared>>) target(%arg10 : memref<128x80xf32, #tpu.memory_space<vmem>>) offsets(%dma_start3A_261 : memref<128xi32, #tpu.memory_space<vmem>>) semaphore(%arg14 : memref<!tpu.dma_semaphore, #tpu.memory_space<semaphore_mem>>)
      %dma_wait3A_265 = arith.constant 8 : i32
      %dma_wait3A_266 = arith.constant 0 : i32
      %dma_wait3A_267 = tpu.memref_slice %arg7[%dma_wait3A_265, %dma_wait3A_266] : memref<32x128xi32, #tpu.memory_space<vmem>> -> memref<1x128xi32, #tpu.memory_space<vmem>>
      %dma_wait3A_268 = tpu.memref_squeeze %dma_wait3A_267 : memref<1x128xi32, #tpu.memory_space<vmem>> -> memref<128xi32, #tpu.memory_space<vmem>>
      %dma_wait3A_269 = arith.constant 0 : i32
      %dma_wait3A_270 = arith.constant 0 : i32
      %dma_wait3A_271 = tpu.memref_slice %arg11[%dma_wait3A_269, %dma_wait3A_270] : memref<10000x80xf32, #tpu.memory_space<vmem_shared>> -> memref<10000x80xf32, #tpu.memory_space<vmem_shared>>
      tpu.wait_indirect_dma semaphore(%arg13 : memref<!tpu.dma_semaphore, #tpu.memory_space<semaphore_mem>>) src(%dma_wait3A_271 : memref<10000x80xf32, #tpu.memory_space<vmem_shared>>) dst(%arg9 : memref<128x80xf32, #tpu.memory_space<vmem>>)
      %dma_start3A_272 = arith.constant 8 : i32
      %dma_start3A_273 = arith.constant 0 : i32
      %dma_start3A_274 = tpu.memref_slice %arg8[%dma_start3A_272, %dma_start3A_273] : memref<32x128xi32, #tpu.memory_space<vmem>> -> memref<1x128xi32, #tpu.memory_space<vmem>>
      %dma_start3A_275 = tpu.memref_squeeze %dma_start3A_274 : memref<1x128xi32, #tpu.memory_space<vmem>> -> memref<128xi32, #tpu.memory_space<vmem>>
      %dma_start3A_276 = arith.constant 0 : i32
      %dma_start3A_277 = arith.constant 0 : i32
      %dma_start3A_278 = tpu.memref_slice %arg12[%dma_start3A_276, %dma_start3A_277] : memref<10112x80xf32, #tpu.memory_space<vmem_shared>> -> memref<10112x80xf32, #tpu.memory_space<vmem_shared>>
      tpu.enqueue_indirect_dma source(%arg9 : memref<128x80xf32, #tpu.memory_space<vmem>>) target(%dma_start3A_278 : memref<10112x80xf32, #tpu.memory_space<vmem_shared>>) offsets(%dma_start3A_275 : memref<128xi32, #tpu.memory_space<vmem>>) semaphore(%arg15 : memref<!tpu.dma_semaphore, #tpu.memory_space<semaphore_mem>>) {add = true}
      %dma_wait3A_279 = arith.constant 8 : i32
      %dma_wait3A_280 = arith.constant 0 : i32
      %dma_wait3A_281 = tpu.memref_slice %arg8[%dma_wait3A_279, %dma_wait3A_280] : memref<32x128xi32, #tpu.memory_space<vmem>> -> memref<1x128xi32, #tpu.memory_space<vmem>>
      %dma_wait3A_282 = tpu.memref_squeeze %dma_wait3A_281 : memref<1x128xi32, #tpu.memory_space<vmem>> -> memref<128xi32, #tpu.memory_space<vmem>>
      %dma_wait3A_283 = arith.constant 0 : i32
      %dma_wait3A_284 = arith.constant 0 : i32
      %dma_wait3A_285 = tpu.memref_slice %arg12[%dma_wait3A_283, %dma_wait3A_284] : memref<10112x80xf32, #tpu.memory_space<vmem_shared>> -> memref<10112x80xf32, #tpu.memory_space<vmem_shared>>
      tpu.wait_indirect_dma semaphore(%arg15 : memref<!tpu.dma_semaphore, #tpu.memory_space<semaphore_mem>>) src(%arg9 : memref<128x80xf32, #tpu.memory_space<vmem>>) dst(%dma_wait3A_285 : memref<10112x80xf32, #tpu.memory_space<vmem_shared>>)
      %dma_start3A_286 = arith.constant 10 : i32
      %dma_start3A_287 = arith.constant 0 : i32
      %dma_start3A_288 = tpu.memref_slice %arg7[%dma_start3A_286, %dma_start3A_287] : memref<32x128xi32, #tpu.memory_space<vmem>> -> memref<1x128xi32, #tpu.memory_space<vmem>>
      %dma_start3A_289 = tpu.memref_squeeze %dma_start3A_288 : memref<1x128xi32, #tpu.memory_space<vmem>> -> memref<128xi32, #tpu.memory_space<vmem>>
      %dma_start3A_290 = arith.constant 0 : i32
      %dma_start3A_291 = arith.constant 0 : i32
      %dma_start3A_292 = tpu.memref_slice %arg11[%dma_start3A_290, %dma_start3A_291] : memref<10000x80xf32, #tpu.memory_space<vmem_shared>> -> memref<10000x80xf32, #tpu.memory_space<vmem_shared>>
      tpu.enqueue_indirect_dma source(%dma_start3A_292 : memref<10000x80xf32, #tpu.memory_space<vmem_shared>>) target(%arg9 : memref<128x80xf32, #tpu.memory_space<vmem>>) offsets(%dma_start3A_289 : memref<128xi32, #tpu.memory_space<vmem>>) semaphore(%arg13 : memref<!tpu.dma_semaphore, #tpu.memory_space<semaphore_mem>>)
      %dma_wait3A_293 = arith.constant 9 : i32
      %dma_wait3A_294 = arith.constant 0 : i32
      %dma_wait3A_295 = tpu.memref_slice %arg7[%dma_wait3A_293, %dma_wait3A_294] : memref<32x128xi32, #tpu.memory_space<vmem>> -> memref<1x128xi32, #tpu.memory_space<vmem>>
      %dma_wait3A_296 = tpu.memref_squeeze %dma_wait3A_295 : memref<1x128xi32, #tpu.memory_space<vmem>> -> memref<128xi32, #tpu.memory_space<vmem>>
      %dma_wait3A_297 = arith.constant 0 : i32
      %dma_wait3A_298 = arith.constant 0 : i32
      %dma_wait3A_299 = tpu.memref_slice %arg11[%dma_wait3A_297, %dma_wait3A_298] : memref<10000x80xf32, #tpu.memory_space<vmem_shared>> -> memref<10000x80xf32, #tpu.memory_space<vmem_shared>>
      tpu.wait_indirect_dma semaphore(%arg14 : memref<!tpu.dma_semaphore, #tpu.memory_space<semaphore_mem>>) src(%dma_wait3A_299 : memref<10000x80xf32, #tpu.memory_space<vmem_shared>>) dst(%arg10 : memref<128x80xf32, #tpu.memory_space<vmem>>)
      %dma_start3A_300 = arith.constant 9 : i32
      %dma_start3A_301 = arith.constant 0 : i32
      %dma_start3A_302 = tpu.memref_slice %arg8[%dma_start3A_300, %dma_start3A_301] : memref<32x128xi32, #tpu.memory_space<vmem>> -> memref<1x128xi32, #tpu.memory_space<vmem>>
      %dma_start3A_303 = tpu.memref_squeeze %dma_start3A_302 : memref<1x128xi32, #tpu.memory_space<vmem>> -> memref<128xi32, #tpu.memory_space<vmem>>
      %dma_start3A_304 = arith.constant 0 : i32
      %dma_start3A_305 = arith.constant 0 : i32
      %dma_start3A_306 = tpu.memref_slice %arg12[%dma_start3A_304, %dma_start3A_305] : memref<10112x80xf32, #tpu.memory_space<vmem_shared>> -> memref<10112x80xf32, #tpu.memory_space<vmem_shared>>
      tpu.enqueue_indirect_dma source(%arg10 : memref<128x80xf32, #tpu.memory_space<vmem>>) target(%dma_start3A_306 : memref<10112x80xf32, #tpu.memory_space<vmem_shared>>) offsets(%dma_start3A_303 : memref<128xi32, #tpu.memory_space<vmem>>) semaphore(%arg16 : memref<!tpu.dma_semaphore, #tpu.memory_space<semaphore_mem>>) {add = true}
      %dma_wait3A_307 = arith.constant 9 : i32
      %dma_wait3A_308 = arith.constant 0 : i32
      %dma_wait3A_309 = tpu.memref_slice %arg8[%dma_wait3A_307, %dma_wait3A_308] : memref<32x128xi32, #tpu.memory_space<vmem>> -> memref<1x128xi32, #tpu.memory_space<vmem>>
      %dma_wait3A_310 = tpu.memref_squeeze %dma_wait3A_309 : memref<1x128xi32, #tpu.memory_space<vmem>> -> memref<128xi32, #tpu.memory_space<vmem>>
      %dma_wait3A_311 = arith.constant 0 : i32
      %dma_wait3A_312 = arith.constant 0 : i32
      %dma_wait3A_313 = tpu.memref_slice %arg12[%dma_wait3A_311, %dma_wait3A_312] : memref<10112x80xf32, #tpu.memory_space<vmem_shared>> -> memref<10112x80xf32, #tpu.memory_space<vmem_shared>>
      tpu.wait_indirect_dma semaphore(%arg16 : memref<!tpu.dma_semaphore, #tpu.memory_space<semaphore_mem>>) src(%arg10 : memref<128x80xf32, #tpu.memory_space<vmem>>) dst(%dma_wait3A_313 : memref<10112x80xf32, #tpu.memory_space<vmem_shared>>)
      %dma_start3A_314 = arith.constant 11 : i32
      %dma_start3A_315 = arith.constant 0 : i32
      %dma_start3A_316 = tpu.memref_slice %arg7[%dma_start3A_314, %dma_start3A_315] : memref<32x128xi32, #tpu.memory_space<vmem>> -> memref<1x128xi32, #tpu.memory_space<vmem>>
      %dma_start3A_317 = tpu.memref_squeeze %dma_start3A_316 : memref<1x128xi32, #tpu.memory_space<vmem>> -> memref<128xi32, #tpu.memory_space<vmem>>
      %dma_start3A_318 = arith.constant 0 : i32
      %dma_start3A_319 = arith.constant 0 : i32
      %dma_start3A_320 = tpu.memref_slice %arg11[%dma_start3A_318, %dma_start3A_319] : memref<10000x80xf32, #tpu.memory_space<vmem_shared>> -> memref<10000x80xf32, #tpu.memory_space<vmem_shared>>
      tpu.enqueue_indirect_dma source(%dma_start3A_320 : memref<10000x80xf32, #tpu.memory_space<vmem_shared>>) target(%arg10 : memref<128x80xf32, #tpu.memory_space<vmem>>) offsets(%dma_start3A_317 : memref<128xi32, #tpu.memory_space<vmem>>) semaphore(%arg14 : memref<!tpu.dma_semaphore, #tpu.memory_space<semaphore_mem>>)
      %dma_wait3A_321 = arith.constant 10 : i32
      %dma_wait3A_322 = arith.constant 0 : i32
      %dma_wait3A_323 = tpu.memref_slice %arg7[%dma_wait3A_321, %dma_wait3A_322] : memref<32x128xi32, #tpu.memory_space<vmem>> -> memref<1x128xi32, #tpu.memory_space<vmem>>
      %dma_wait3A_324 = tpu.memref_squeeze %dma_wait3A_323 : memref<1x128xi32, #tpu.memory_space<vmem>> -> memref<128xi32, #tpu.memory_space<vmem>>
      %dma_wait3A_325 = arith.constant 0 : i32
      %dma_wait3A_326 = arith.constant 0 : i32
      %dma_wait3A_327 = tpu.memref_slice %arg11[%dma_wait3A_325, %dma_wait3A_326] : memref<10000x80xf32, #tpu.memory_space<vmem_shared>> -> memref<10000x80xf32, #tpu.memory_space<vmem_shared>>
      tpu.wait_indirect_dma semaphore(%arg13 : memref<!tpu.dma_semaphore, #tpu.memory_space<semaphore_mem>>) src(%dma_wait3A_327 : memref<10000x80xf32, #tpu.memory_space<vmem_shared>>) dst(%arg9 : memref<128x80xf32, #tpu.memory_space<vmem>>)
      %dma_start3A_328 = arith.constant 10 : i32
      %dma_start3A_329 = arith.constant 0 : i32
      %dma_start3A_330 = tpu.memref_slice %arg8[%dma_start3A_328, %dma_start3A_329] : memref<32x128xi32, #tpu.memory_space<vmem>> -> memref<1x128xi32, #tpu.memory_space<vmem>>
      %dma_start3A_331 = tpu.memref_squeeze %dma_start3A_330 : memref<1x128xi32, #tpu.memory_space<vmem>> -> memref<128xi32, #tpu.memory_space<vmem>>
      %dma_start3A_332 = arith.constant 0 : i32
      %dma_start3A_333 = arith.constant 0 : i32
      %dma_start3A_334 = tpu.memref_slice %arg12[%dma_start3A_332, %dma_start3A_333] : memref<10112x80xf32, #tpu.memory_space<vmem_shared>> -> memref<10112x80xf32, #tpu.memory_space<vmem_shared>>
      tpu.enqueue_indirect_dma source(%arg9 : memref<128x80xf32, #tpu.memory_space<vmem>>) target(%dma_start3A_334 : memref<10112x80xf32, #tpu.memory_space<vmem_shared>>) offsets(%dma_start3A_331 : memref<128xi32, #tpu.memory_space<vmem>>) semaphore(%arg15 : memref<!tpu.dma_semaphore, #tpu.memory_space<semaphore_mem>>) {add = true}
      %dma_wait3A_335 = arith.constant 10 : i32
      %dma_wait3A_336 = arith.constant 0 : i32
      %dma_wait3A_337 = tpu.memref_slice %arg8[%dma_wait3A_335, %dma_wait3A_336] : memref<32x128xi32, #tpu.memory_space<vmem>> -> memref<1x128xi32, #tpu.memory_space<vmem>>
      %dma_wait3A_338 = tpu.memref_squeeze %dma_wait3A_337 : memref<1x128xi32, #tpu.memory_space<vmem>> -> memref<128xi32, #tpu.memory_space<vmem>>
      %dma_wait3A_339 = arith.constant 0 : i32
      %dma_wait3A_340 = arith.constant 0 : i32
      %dma_wait3A_341 = tpu.memref_slice %arg12[%dma_wait3A_339, %dma_wait3A_340] : memref<10112x80xf32, #tpu.memory_space<vmem_shared>> -> memref<10112x80xf32, #tpu.memory_space<vmem_shared>>
      tpu.wait_indirect_dma semaphore(%arg15 : memref<!tpu.dma_semaphore, #tpu.memory_space<semaphore_mem>>) src(%arg9 : memref<128x80xf32, #tpu.memory_space<vmem>>) dst(%dma_wait3A_341 : memref<10112x80xf32, #tpu.memory_space<vmem_shared>>)
      %dma_start3A_342 = arith.constant 12 : i32
      %dma_start3A_343 = arith.constant 0 : i32
      %dma_start3A_344 = tpu.memref_slice %arg7[%dma_start3A_342, %dma_start3A_343] : memref<32x128xi32, #tpu.memory_space<vmem>> -> memref<1x128xi32, #tpu.memory_space<vmem>>
      %dma_start3A_345 = tpu.memref_squeeze %dma_start3A_344 : memref<1x128xi32, #tpu.memory_space<vmem>> -> memref<128xi32, #tpu.memory_space<vmem>>
      %dma_start3A_346 = arith.constant 0 : i32
      %dma_start3A_347 = arith.constant 0 : i32
      %dma_start3A_348 = tpu.memref_slice %arg11[%dma_start3A_346, %dma_start3A_347] : memref<10000x80xf32, #tpu.memory_space<vmem_shared>> -> memref<10000x80xf32, #tpu.memory_space<vmem_shared>>
      tpu.enqueue_indirect_dma source(%dma_start3A_348 : memref<10000x80xf32, #tpu.memory_space<vmem_shared>>) target(%arg9 : memref<128x80xf32, #tpu.memory_space<vmem>>) offsets(%dma_start3A_345 : memref<128xi32, #tpu.memory_space<vmem>>) semaphore(%arg13 : memref<!tpu.dma_semaphore, #tpu.memory_space<semaphore_mem>>)
      %dma_wait3A_349 = arith.constant 11 : i32
      %dma_wait3A_350 = arith.constant 0 : i32
      %dma_wait3A_351 = tpu.memref_slice %arg7[%dma_wait3A_349, %dma_wait3A_350] : memref<32x128xi32, #tpu.memory_space<vmem>> -> memref<1x128xi32, #tpu.memory_space<vmem>>
      %dma_wait3A_352 = tpu.memref_squeeze %dma_wait3A_351 : memref<1x128xi32, #tpu.memory_space<vmem>> -> memref<128xi32, #tpu.memory_space<vmem>>
      %dma_wait3A_353 = arith.constant 0 : i32
      %dma_wait3A_354 = arith.constant 0 : i32
      %dma_wait3A_355 = tpu.memref_slice %arg11[%dma_wait3A_353, %dma_wait3A_354] : memref<10000x80xf32, #tpu.memory_space<vmem_shared>> -> memref<10000x80xf32, #tpu.memory_space<vmem_shared>>
      tpu.wait_indirect_dma semaphore(%arg14 : memref<!tpu.dma_semaphore, #tpu.memory_space<semaphore_mem>>) src(%dma_wait3A_355 : memref<10000x80xf32, #tpu.memory_space<vmem_shared>>) dst(%arg10 : memref<128x80xf32, #tpu.memory_space<vmem>>)
      %dma_start3A_356 = arith.constant 11 : i32
      %dma_start3A_357 = arith.constant 0 : i32
      %dma_start3A_358 = tpu.memref_slice %arg8[%dma_start3A_356, %dma_start3A_357] : memref<32x128xi32, #tpu.memory_space<vmem>> -> memref<1x128xi32, #tpu.memory_space<vmem>>
      %dma_start3A_359 = tpu.memref_squeeze %dma_start3A_358 : memref<1x128xi32, #tpu.memory_space<vmem>> -> memref<128xi32, #tpu.memory_space<vmem>>
      %dma_start3A_360 = arith.constant 0 : i32
      %dma_start3A_361 = arith.constant 0 : i32
      %dma_start3A_362 = tpu.memref_slice %arg12[%dma_start3A_360, %dma_start3A_361] : memref<10112x80xf32, #tpu.memory_space<vmem_shared>> -> memref<10112x80xf32, #tpu.memory_space<vmem_shared>>
      tpu.enqueue_indirect_dma source(%arg10 : memref<128x80xf32, #tpu.memory_space<vmem>>) target(%dma_start3A_362 : memref<10112x80xf32, #tpu.memory_space<vmem_shared>>) offsets(%dma_start3A_359 : memref<128xi32, #tpu.memory_space<vmem>>) semaphore(%arg16 : memref<!tpu.dma_semaphore, #tpu.memory_space<semaphore_mem>>) {add = true}
      %dma_wait3A_363 = arith.constant 11 : i32
      %dma_wait3A_364 = arith.constant 0 : i32
      %dma_wait3A_365 = tpu.memref_slice %arg8[%dma_wait3A_363, %dma_wait3A_364] : memref<32x128xi32, #tpu.memory_space<vmem>> -> memref<1x128xi32, #tpu.memory_space<vmem>>
      %dma_wait3A_366 = tpu.memref_squeeze %dma_wait3A_365 : memref<1x128xi32, #tpu.memory_space<vmem>> -> memref<128xi32, #tpu.memory_space<vmem>>
      %dma_wait3A_367 = arith.constant 0 : i32
      %dma_wait3A_368 = arith.constant 0 : i32
      %dma_wait3A_369 = tpu.memref_slice %arg12[%dma_wait3A_367, %dma_wait3A_368] : memref<10112x80xf32, #tpu.memory_space<vmem_shared>> -> memref<10112x80xf32, #tpu.memory_space<vmem_shared>>
      tpu.wait_indirect_dma semaphore(%arg16 : memref<!tpu.dma_semaphore, #tpu.memory_space<semaphore_mem>>) src(%arg10 : memref<128x80xf32, #tpu.memory_space<vmem>>) dst(%dma_wait3A_369 : memref<10112x80xf32, #tpu.memory_space<vmem_shared>>)
      %dma_start3A_370 = arith.constant 13 : i32
      %dma_start3A_371 = arith.constant 0 : i32
      %dma_start3A_372 = tpu.memref_slice %arg7[%dma_start3A_370, %dma_start3A_371] : memref<32x128xi32, #tpu.memory_space<vmem>> -> memref<1x128xi32, #tpu.memory_space<vmem>>
      %dma_start3A_373 = tpu.memref_squeeze %dma_start3A_372 : memref<1x128xi32, #tpu.memory_space<vmem>> -> memref<128xi32, #tpu.memory_space<vmem>>
      %dma_start3A_374 = arith.constant 0 : i32
      %dma_start3A_375 = arith.constant 0 : i32
      %dma_start3A_376 = tpu.memref_slice %arg11[%dma_start3A_374, %dma_start3A_375] : memref<10000x80xf32, #tpu.memory_space<vmem_shared>> -> memref<10000x80xf32, #tpu.memory_space<vmem_shared>>
      tpu.enqueue_indirect_dma source(%dma_start3A_376 : memref<10000x80xf32, #tpu.memory_space<vmem_shared>>) target(%arg10 : memref<128x80xf32, #tpu.memory_space<vmem>>) offsets(%dma_start3A_373 : memref<128xi32, #tpu.memory_space<vmem>>) semaphore(%arg14 : memref<!tpu.dma_semaphore, #tpu.memory_space<semaphore_mem>>)
      %dma_wait3A_377 = arith.constant 12 : i32
      %dma_wait3A_378 = arith.constant 0 : i32
      %dma_wait3A_379 = tpu.memref_slice %arg7[%dma_wait3A_377, %dma_wait3A_378] : memref<32x128xi32, #tpu.memory_space<vmem>> -> memref<1x128xi32, #tpu.memory_space<vmem>>
      %dma_wait3A_380 = tpu.memref_squeeze %dma_wait3A_379 : memref<1x128xi32, #tpu.memory_space<vmem>> -> memref<128xi32, #tpu.memory_space<vmem>>
      %dma_wait3A_381 = arith.constant 0 : i32
      %dma_wait3A_382 = arith.constant 0 : i32
      %dma_wait3A_383 = tpu.memref_slice %arg11[%dma_wait3A_381, %dma_wait3A_382] : memref<10000x80xf32, #tpu.memory_space<vmem_shared>> -> memref<10000x80xf32, #tpu.memory_space<vmem_shared>>
      tpu.wait_indirect_dma semaphore(%arg13 : memref<!tpu.dma_semaphore, #tpu.memory_space<semaphore_mem>>) src(%dma_wait3A_383 : memref<10000x80xf32, #tpu.memory_space<vmem_shared>>) dst(%arg9 : memref<128x80xf32, #tpu.memory_space<vmem>>)
      %dma_start3A_384 = arith.constant 12 : i32
      %dma_start3A_385 = arith.constant 0 : i32
      %dma_start3A_386 = tpu.memref_slice %arg8[%dma_start3A_384, %dma_start3A_385] : memref<32x128xi32, #tpu.memory_space<vmem>> -> memref<1x128xi32, #tpu.memory_space<vmem>>
      %dma_start3A_387 = tpu.memref_squeeze %dma_start3A_386 : memref<1x128xi32, #tpu.memory_space<vmem>> -> memref<128xi32, #tpu.memory_space<vmem>>
      %dma_start3A_388 = arith.constant 0 : i32
      %dma_start3A_389 = arith.constant 0 : i32
      %dma_start3A_390 = tpu.memref_slice %arg12[%dma_start3A_388, %dma_start3A_389] : memref<10112x80xf32, #tpu.memory_space<vmem_shared>> -> memref<10112x80xf32, #tpu.memory_space<vmem_shared>>
      tpu.enqueue_indirect_dma source(%arg9 : memref<128x80xf32, #tpu.memory_space<vmem>>) target(%dma_start3A_390 : memref<10112x80xf32, #tpu.memory_space<vmem_shared>>) offsets(%dma_start3A_387 : memref<128xi32, #tpu.memory_space<vmem>>) semaphore(%arg15 : memref<!tpu.dma_semaphore, #tpu.memory_space<semaphore_mem>>) {add = true}
      %dma_wait3A_391 = arith.constant 12 : i32
      %dma_wait3A_392 = arith.constant 0 : i32
      %dma_wait3A_393 = tpu.memref_slice %arg8[%dma_wait3A_391, %dma_wait3A_392] : memref<32x128xi32, #tpu.memory_space<vmem>> -> memref<1x128xi32, #tpu.memory_space<vmem>>
      %dma_wait3A_394 = tpu.memref_squeeze %dma_wait3A_393 : memref<1x128xi32, #tpu.memory_space<vmem>> -> memref<128xi32, #tpu.memory_space<vmem>>
      %dma_wait3A_395 = arith.constant 0 : i32
      %dma_wait3A_396 = arith.constant 0 : i32
      %dma_wait3A_397 = tpu.memref_slice %arg12[%dma_wait3A_395, %dma_wait3A_396] : memref<10112x80xf32, #tpu.memory_space<vmem_shared>> -> memref<10112x80xf32, #tpu.memory_space<vmem_shared>>
      tpu.wait_indirect_dma semaphore(%arg15 : memref<!tpu.dma_semaphore, #tpu.memory_space<semaphore_mem>>) src(%arg9 : memref<128x80xf32, #tpu.memory_space<vmem>>) dst(%dma_wait3A_397 : memref<10112x80xf32, #tpu.memory_space<vmem_shared>>)
      %dma_start3A_398 = arith.constant 14 : i32
      %dma_start3A_399 = arith.constant 0 : i32
      %dma_start3A_400 = tpu.memref_slice %arg7[%dma_start3A_398, %dma_start3A_399] : memref<32x128xi32, #tpu.memory_space<vmem>> -> memref<1x128xi32, #tpu.memory_space<vmem>>
      %dma_start3A_401 = tpu.memref_squeeze %dma_start3A_400 : memref<1x128xi32, #tpu.memory_space<vmem>> -> memref<128xi32, #tpu.memory_space<vmem>>
      %dma_start3A_402 = arith.constant 0 : i32
      %dma_start3A_403 = arith.constant 0 : i32
      %dma_start3A_404 = tpu.memref_slice %arg11[%dma_start3A_402, %dma_start3A_403] : memref<10000x80xf32, #tpu.memory_space<vmem_shared>> -> memref<10000x80xf32, #tpu.memory_space<vmem_shared>>
      tpu.enqueue_indirect_dma source(%dma_start3A_404 : memref<10000x80xf32, #tpu.memory_space<vmem_shared>>) target(%arg9 : memref<128x80xf32, #tpu.memory_space<vmem>>) offsets(%dma_start3A_401 : memref<128xi32, #tpu.memory_space<vmem>>) semaphore(%arg13 : memref<!tpu.dma_semaphore, #tpu.memory_space<semaphore_mem>>)
      %dma_wait3A_405 = arith.constant 13 : i32
      %dma_wait3A_406 = arith.constant 0 : i32
      %dma_wait3A_407 = tpu.memref_slice %arg7[%dma_wait3A_405, %dma_wait3A_406] : memref<32x128xi32, #tpu.memory_space<vmem>> -> memref<1x128xi32, #tpu.memory_space<vmem>>
      %dma_wait3A_408 = tpu.memref_squeeze %dma_wait3A_407 : memref<1x128xi32, #tpu.memory_space<vmem>> -> memref<128xi32, #tpu.memory_space<vmem>>
      %dma_wait3A_409 = arith.constant 0 : i32
      %dma_wait3A_410 = arith.constant 0 : i32
      %dma_wait3A_411 = tpu.memref_slice %arg11[%dma_wait3A_409, %dma_wait3A_410] : memref<10000x80xf32, #tpu.memory_space<vmem_shared>> -> memref<10000x80xf32, #tpu.memory_space<vmem_shared>>
      tpu.wait_indirect_dma semaphore(%arg14 : memref<!tpu.dma_semaphore, #tpu.memory_space<semaphore_mem>>) src(%dma_wait3A_411 : memref<10000x80xf32, #tpu.memory_space<vmem_shared>>) dst(%arg10 : memref<128x80xf32, #tpu.memory_space<vmem>>)
      %dma_start3A_412 = arith.constant 13 : i32
      %dma_start3A_413 = arith.constant 0 : i32
      %dma_start3A_414 = tpu.memref_slice %arg8[%dma_start3A_412, %dma_start3A_413] : memref<32x128xi32, #tpu.memory_space<vmem>> -> memref<1x128xi32, #tpu.memory_space<vmem>>
      %dma_start3A_415 = tpu.memref_squeeze %dma_start3A_414 : memref<1x128xi32, #tpu.memory_space<vmem>> -> memref<128xi32, #tpu.memory_space<vmem>>
      %dma_start3A_416 = arith.constant 0 : i32
      %dma_start3A_417 = arith.constant 0 : i32
      %dma_start3A_418 = tpu.memref_slice %arg12[%dma_start3A_416, %dma_start3A_417] : memref<10112x80xf32, #tpu.memory_space<vmem_shared>> -> memref<10112x80xf32, #tpu.memory_space<vmem_shared>>
      tpu.enqueue_indirect_dma source(%arg10 : memref<128x80xf32, #tpu.memory_space<vmem>>) target(%dma_start3A_418 : memref<10112x80xf32, #tpu.memory_space<vmem_shared>>) offsets(%dma_start3A_415 : memref<128xi32, #tpu.memory_space<vmem>>) semaphore(%arg16 : memref<!tpu.dma_semaphore, #tpu.memory_space<semaphore_mem>>) {add = true}
      %dma_wait3A_419 = arith.constant 13 : i32
      %dma_wait3A_420 = arith.constant 0 : i32
      %dma_wait3A_421 = tpu.memref_slice %arg8[%dma_wait3A_419, %dma_wait3A_420] : memref<32x128xi32, #tpu.memory_space<vmem>> -> memref<1x128xi32, #tpu.memory_space<vmem>>
      %dma_wait3A_422 = tpu.memref_squeeze %dma_wait3A_421 : memref<1x128xi32, #tpu.memory_space<vmem>> -> memref<128xi32, #tpu.memory_space<vmem>>
      %dma_wait3A_423 = arith.constant 0 : i32
      %dma_wait3A_424 = arith.constant 0 : i32
      %dma_wait3A_425 = tpu.memref_slice %arg12[%dma_wait3A_423, %dma_wait3A_424] : memref<10112x80xf32, #tpu.memory_space<vmem_shared>> -> memref<10112x80xf32, #tpu.memory_space<vmem_shared>>
      tpu.wait_indirect_dma semaphore(%arg16 : memref<!tpu.dma_semaphore, #tpu.memory_space<semaphore_mem>>) src(%arg10 : memref<128x80xf32, #tpu.memory_space<vmem>>) dst(%dma_wait3A_425 : memref<10112x80xf32, #tpu.memory_space<vmem_shared>>)
      %dma_start3A_426 = arith.constant 15 : i32
      %dma_start3A_427 = arith.constant 0 : i32
      %dma_start3A_428 = tpu.memref_slice %arg7[%dma_start3A_426, %dma_start3A_427] : memref<32x128xi32, #tpu.memory_space<vmem>> -> memref<1x128xi32, #tpu.memory_space<vmem>>
      %dma_start3A_429 = tpu.memref_squeeze %dma_start3A_428 : memref<1x128xi32, #tpu.memory_space<vmem>> -> memref<128xi32, #tpu.memory_space<vmem>>
      %dma_start3A_430 = arith.constant 0 : i32
      %dma_start3A_431 = arith.constant 0 : i32
      %dma_start3A_432 = tpu.memref_slice %arg11[%dma_start3A_430, %dma_start3A_431] : memref<10000x80xf32, #tpu.memory_space<vmem_shared>> -> memref<10000x80xf32, #tpu.memory_space<vmem_shared>>
      tpu.enqueue_indirect_dma source(%dma_start3A_432 : memref<10000x80xf32, #tpu.memory_space<vmem_shared>>) target(%arg10 : memref<128x80xf32, #tpu.memory_space<vmem>>) offsets(%dma_start3A_429 : memref<128xi32, #tpu.memory_space<vmem>>) semaphore(%arg14 : memref<!tpu.dma_semaphore, #tpu.memory_space<semaphore_mem>>)
      %dma_wait3A_433 = arith.constant 14 : i32
      %dma_wait3A_434 = arith.constant 0 : i32
      %dma_wait3A_435 = tpu.memref_slice %arg7[%dma_wait3A_433, %dma_wait3A_434] : memref<32x128xi32, #tpu.memory_space<vmem>> -> memref<1x128xi32, #tpu.memory_space<vmem>>
      %dma_wait3A_436 = tpu.memref_squeeze %dma_wait3A_435 : memref<1x128xi32, #tpu.memory_space<vmem>> -> memref<128xi32, #tpu.memory_space<vmem>>
      %dma_wait3A_437 = arith.constant 0 : i32
      %dma_wait3A_438 = arith.constant 0 : i32
      %dma_wait3A_439 = tpu.memref_slice %arg11[%dma_wait3A_437, %dma_wait3A_438] : memref<10000x80xf32, #tpu.memory_space<vmem_shared>> -> memref<10000x80xf32, #tpu.memory_space<vmem_shared>>
      tpu.wait_indirect_dma semaphore(%arg13 : memref<!tpu.dma_semaphore, #tpu.memory_space<semaphore_mem>>) src(%dma_wait3A_439 : memref<10000x80xf32, #tpu.memory_space<vmem_shared>>) dst(%arg9 : memref<128x80xf32, #tpu.memory_space<vmem>>)
      %dma_start3A_440 = arith.constant 14 : i32
      %dma_start3A_441 = arith.constant 0 : i32
      %dma_start3A_442 = tpu.memref_slice %arg8[%dma_start3A_440, %dma_start3A_441] : memref<32x128xi32, #tpu.memory_space<vmem>> -> memref<1x128xi32, #tpu.memory_space<vmem>>
      %dma_start3A_443 = tpu.memref_squeeze %dma_start3A_442 : memref<1x128xi32, #tpu.memory_space<vmem>> -> memref<128xi32, #tpu.memory_space<vmem>>
      %dma_start3A_444 = arith.constant 0 : i32
      %dma_start3A_445 = arith.constant 0 : i32
      %dma_start3A_446 = tpu.memref_slice %arg12[%dma_start3A_444, %dma_start3A_445] : memref<10112x80xf32, #tpu.memory_space<vmem_shared>> -> memref<10112x80xf32, #tpu.memory_space<vmem_shared>>
      tpu.enqueue_indirect_dma source(%arg9 : memref<128x80xf32, #tpu.memory_space<vmem>>) target(%dma_start3A_446 : memref<10112x80xf32, #tpu.memory_space<vmem_shared>>) offsets(%dma_start3A_443 : memref<128xi32, #tpu.memory_space<vmem>>) semaphore(%arg15 : memref<!tpu.dma_semaphore, #tpu.memory_space<semaphore_mem>>) {add = true}
      %dma_wait3A_447 = arith.constant 14 : i32
      %dma_wait3A_448 = arith.constant 0 : i32
      %dma_wait3A_449 = tpu.memref_slice %arg8[%dma_wait3A_447, %dma_wait3A_448] : memref<32x128xi32, #tpu.memory_space<vmem>> -> memref<1x128xi32, #tpu.memory_space<vmem>>
      %dma_wait3A_450 = tpu.memref_squeeze %dma_wait3A_449 : memref<1x128xi32, #tpu.memory_space<vmem>> -> memref<128xi32, #tpu.memory_space<vmem>>
      %dma_wait3A_451 = arith.constant 0 : i32
      %dma_wait3A_452 = arith.constant 0 : i32
      %dma_wait3A_453 = tpu.memref_slice %arg12[%dma_wait3A_451, %dma_wait3A_452] : memref<10112x80xf32, #tpu.memory_space<vmem_shared>> -> memref<10112x80xf32, #tpu.memory_space<vmem_shared>>
      tpu.wait_indirect_dma semaphore(%arg15 : memref<!tpu.dma_semaphore, #tpu.memory_space<semaphore_mem>>) src(%arg9 : memref<128x80xf32, #tpu.memory_space<vmem>>) dst(%dma_wait3A_453 : memref<10112x80xf32, #tpu.memory_space<vmem_shared>>)
      %dma_start3A_454 = arith.constant 16 : i32
      %dma_start3A_455 = arith.constant 0 : i32
      %dma_start3A_456 = tpu.memref_slice %arg7[%dma_start3A_454, %dma_start3A_455] : memref<32x128xi32, #tpu.memory_space<vmem>> -> memref<1x128xi32, #tpu.memory_space<vmem>>
      %dma_start3A_457 = tpu.memref_squeeze %dma_start3A_456 : memref<1x128xi32, #tpu.memory_space<vmem>> -> memref<128xi32, #tpu.memory_space<vmem>>
      %dma_start3A_458 = arith.constant 0 : i32
      %dma_start3A_459 = arith.constant 0 : i32
      %dma_start3A_460 = tpu.memref_slice %arg11[%dma_start3A_458, %dma_start3A_459] : memref<10000x80xf32, #tpu.memory_space<vmem_shared>> -> memref<10000x80xf32, #tpu.memory_space<vmem_shared>>
      tpu.enqueue_indirect_dma source(%dma_start3A_460 : memref<10000x80xf32, #tpu.memory_space<vmem_shared>>) target(%arg9 : memref<128x80xf32, #tpu.memory_space<vmem>>) offsets(%dma_start3A_457 : memref<128xi32, #tpu.memory_space<vmem>>) semaphore(%arg13 : memref<!tpu.dma_semaphore, #tpu.memory_space<semaphore_mem>>)
      %dma_wait3A_461 = arith.constant 15 : i32
      %dma_wait3A_462 = arith.constant 0 : i32
      %dma_wait3A_463 = tpu.memref_slice %arg7[%dma_wait3A_461, %dma_wait3A_462] : memref<32x128xi32, #tpu.memory_space<vmem>> -> memref<1x128xi32, #tpu.memory_space<vmem>>
      %dma_wait3A_464 = tpu.memref_squeeze %dma_wait3A_463 : memref<1x128xi32, #tpu.memory_space<vmem>> -> memref<128xi32, #tpu.memory_space<vmem>>
      %dma_wait3A_465 = arith.constant 0 : i32
      %dma_wait3A_466 = arith.constant 0 : i32
      %dma_wait3A_467 = tpu.memref_slice %arg11[%dma_wait3A_465, %dma_wait3A_466] : memref<10000x80xf32, #tpu.memory_space<vmem_shared>> -> memref<10000x80xf32, #tpu.memory_space<vmem_shared>>
      tpu.wait_indirect_dma semaphore(%arg14 : memref<!tpu.dma_semaphore, #tpu.memory_space<semaphore_mem>>) src(%dma_wait3A_467 : memref<10000x80xf32, #tpu.memory_space<vmem_shared>>) dst(%arg10 : memref<128x80xf32, #tpu.memory_space<vmem>>)
      %dma_start3A_468 = arith.constant 15 : i32
      %dma_start3A_469 = arith.constant 0 : i32
      %dma_start3A_470 = tpu.memref_slice %arg8[%dma_start3A_468, %dma_start3A_469] : memref<32x128xi32, #tpu.memory_space<vmem>> -> memref<1x128xi32, #tpu.memory_space<vmem>>
      %dma_start3A_471 = tpu.memref_squeeze %dma_start3A_470 : memref<1x128xi32, #tpu.memory_space<vmem>> -> memref<128xi32, #tpu.memory_space<vmem>>
      %dma_start3A_472 = arith.constant 0 : i32
      %dma_start3A_473 = arith.constant 0 : i32
      %dma_start3A_474 = tpu.memref_slice %arg12[%dma_start3A_472, %dma_start3A_473] : memref<10112x80xf32, #tpu.memory_space<vmem_shared>> -> memref<10112x80xf32, #tpu.memory_space<vmem_shared>>
      tpu.enqueue_indirect_dma source(%arg10 : memref<128x80xf32, #tpu.memory_space<vmem>>) target(%dma_start3A_474 : memref<10112x80xf32, #tpu.memory_space<vmem_shared>>) offsets(%dma_start3A_471 : memref<128xi32, #tpu.memory_space<vmem>>) semaphore(%arg16 : memref<!tpu.dma_semaphore, #tpu.memory_space<semaphore_mem>>) {add = true}
      %dma_wait3A_475 = arith.constant 15 : i32
      %dma_wait3A_476 = arith.constant 0 : i32
      %dma_wait3A_477 = tpu.memref_slice %arg8[%dma_wait3A_475, %dma_wait3A_476] : memref<32x128xi32, #tpu.memory_space<vmem>> -> memref<1x128xi32, #tpu.memory_space<vmem>>
      %dma_wait3A_478 = tpu.memref_squeeze %dma_wait3A_477 : memref<1x128xi32, #tpu.memory_space<vmem>> -> memref<128xi32, #tpu.memory_space<vmem>>
      %dma_wait3A_479 = arith.constant 0 : i32
      %dma_wait3A_480 = arith.constant 0 : i32
      %dma_wait3A_481 = tpu.memref_slice %arg12[%dma_wait3A_479, %dma_wait3A_480] : memref<10112x80xf32, #tpu.memory_space<vmem_shared>> -> memref<10112x80xf32, #tpu.memory_space<vmem_shared>>
      tpu.wait_indirect_dma semaphore(%arg16 : memref<!tpu.dma_semaphore, #tpu.memory_space<semaphore_mem>>) src(%arg10 : memref<128x80xf32, #tpu.memory_space<vmem>>) dst(%dma_wait3A_481 : memref<10112x80xf32, #tpu.memory_space<vmem_shared>>)
      %dma_start3A_482 = arith.constant 17 : i32
      %dma_start3A_483 = arith.constant 0 : i32
      %dma_start3A_484 = tpu.memref_slice %arg7[%dma_start3A_482, %dma_start3A_483] : memref<32x128xi32, #tpu.memory_space<vmem>> -> memref<1x128xi32, #tpu.memory_space<vmem>>
      %dma_start3A_485 = tpu.memref_squeeze %dma_start3A_484 : memref<1x128xi32, #tpu.memory_space<vmem>> -> memref<128xi32, #tpu.memory_space<vmem>>
      %dma_start3A_486 = arith.constant 0 : i32
      %dma_start3A_487 = arith.constant 0 : i32
      %dma_start3A_488 = tpu.memref_slice %arg11[%dma_start3A_486, %dma_start3A_487] : memref<10000x80xf32, #tpu.memory_space<vmem_shared>> -> memref<10000x80xf32, #tpu.memory_space<vmem_shared>>
      tpu.enqueue_indirect_dma source(%dma_start3A_488 : memref<10000x80xf32, #tpu.memory_space<vmem_shared>>) target(%arg10 : memref<128x80xf32, #tpu.memory_space<vmem>>) offsets(%dma_start3A_485 : memref<128xi32, #tpu.memory_space<vmem>>) semaphore(%arg14 : memref<!tpu.dma_semaphore, #tpu.memory_space<semaphore_mem>>)
      %dma_wait3A_489 = arith.constant 16 : i32
      %dma_wait3A_490 = arith.constant 0 : i32
      %dma_wait3A_491 = tpu.memref_slice %arg7[%dma_wait3A_489, %dma_wait3A_490] : memref<32x128xi32, #tpu.memory_space<vmem>> -> memref<1x128xi32, #tpu.memory_space<vmem>>
      %dma_wait3A_492 = tpu.memref_squeeze %dma_wait3A_491 : memref<1x128xi32, #tpu.memory_space<vmem>> -> memref<128xi32, #tpu.memory_space<vmem>>
      %dma_wait3A_493 = arith.constant 0 : i32
      %dma_wait3A_494 = arith.constant 0 : i32
      %dma_wait3A_495 = tpu.memref_slice %arg11[%dma_wait3A_493, %dma_wait3A_494] : memref<10000x80xf32, #tpu.memory_space<vmem_shared>> -> memref<10000x80xf32, #tpu.memory_space<vmem_shared>>
      tpu.wait_indirect_dma semaphore(%arg13 : memref<!tpu.dma_semaphore, #tpu.memory_space<semaphore_mem>>) src(%dma_wait3A_495 : memref<10000x80xf32, #tpu.memory_space<vmem_shared>>) dst(%arg9 : memref<128x80xf32, #tpu.memory_space<vmem>>)
      %dma_start3A_496 = arith.constant 16 : i32
      %dma_start3A_497 = arith.constant 0 : i32
      %dma_start3A_498 = tpu.memref_slice %arg8[%dma_start3A_496, %dma_start3A_497] : memref<32x128xi32, #tpu.memory_space<vmem>> -> memref<1x128xi32, #tpu.memory_space<vmem>>
      %dma_start3A_499 = tpu.memref_squeeze %dma_start3A_498 : memref<1x128xi32, #tpu.memory_space<vmem>> -> memref<128xi32, #tpu.memory_space<vmem>>
      %dma_start3A_500 = arith.constant 0 : i32
      %dma_start3A_501 = arith.constant 0 : i32
      %dma_start3A_502 = tpu.memref_slice %arg12[%dma_start3A_500, %dma_start3A_501] : memref<10112x80xf32, #tpu.memory_space<vmem_shared>> -> memref<10112x80xf32, #tpu.memory_space<vmem_shared>>
      tpu.enqueue_indirect_dma source(%arg9 : memref<128x80xf32, #tpu.memory_space<vmem>>) target(%dma_start3A_502 : memref<10112x80xf32, #tpu.memory_space<vmem_shared>>) offsets(%dma_start3A_499 : memref<128xi32, #tpu.memory_space<vmem>>) semaphore(%arg15 : memref<!tpu.dma_semaphore, #tpu.memory_space<semaphore_mem>>) {add = true}
      %dma_wait3A_503 = arith.constant 16 : i32
      %dma_wait3A_504 = arith.constant 0 : i32
      %dma_wait3A_505 = tpu.memref_slice %arg8[%dma_wait3A_503, %dma_wait3A_504] : memref<32x128xi32, #tpu.memory_space<vmem>> -> memref<1x128xi32, #tpu.memory_space<vmem>>
      %dma_wait3A_506 = tpu.memref_squeeze %dma_wait3A_505 : memref<1x128xi32, #tpu.memory_space<vmem>> -> memref<128xi32, #tpu.memory_space<vmem>>
      %dma_wait3A_507 = arith.constant 0 : i32
      %dma_wait3A_508 = arith.constant 0 : i32
      %dma_wait3A_509 = tpu.memref_slice %arg12[%dma_wait3A_507, %dma_wait3A_508] : memref<10112x80xf32, #tpu.memory_space<vmem_shared>> -> memref<10112x80xf32, #tpu.memory_space<vmem_shared>>
      tpu.wait_indirect_dma semaphore(%arg15 : memref<!tpu.dma_semaphore, #tpu.memory_space<semaphore_mem>>) src(%arg9 : memref<128x80xf32, #tpu.memory_space<vmem>>) dst(%dma_wait3A_509 : memref<10112x80xf32, #tpu.memory_space<vmem_shared>>)
      %dma_start3A_510 = arith.constant 18 : i32
      %dma_start3A_511 = arith.constant 0 : i32
      %dma_start3A_512 = tpu.memref_slice %arg7[%dma_start3A_510, %dma_start3A_511] : memref<32x128xi32, #tpu.memory_space<vmem>> -> memref<1x128xi32, #tpu.memory_space<vmem>>
      %dma_start3A_513 = tpu.memref_squeeze %dma_start3A_512 : memref<1x128xi32, #tpu.memory_space<vmem>> -> memref<128xi32, #tpu.memory_space<vmem>>
      %dma_start3A_514 = arith.constant 0 : i32
      %dma_start3A_515 = arith.constant 0 : i32
      %dma_start3A_516 = tpu.memref_slice %arg11[%dma_start3A_514, %dma_start3A_515] : memref<10000x80xf32, #tpu.memory_space<vmem_shared>> -> memref<10000x80xf32, #tpu.memory_space<vmem_shared>>
      tpu.enqueue_indirect_dma source(%dma_start3A_516 : memref<10000x80xf32, #tpu.memory_space<vmem_shared>>) target(%arg9 : memref<128x80xf32, #tpu.memory_space<vmem>>) offsets(%dma_start3A_513 : memref<128xi32, #tpu.memory_space<vmem>>) semaphore(%arg13 : memref<!tpu.dma_semaphore, #tpu.memory_space<semaphore_mem>>)
      %dma_wait3A_517 = arith.constant 17 : i32
      %dma_wait3A_518 = arith.constant 0 : i32
      %dma_wait3A_519 = tpu.memref_slice %arg7[%dma_wait3A_517, %dma_wait3A_518] : memref<32x128xi32, #tpu.memory_space<vmem>> -> memref<1x128xi32, #tpu.memory_space<vmem>>
      %dma_wait3A_520 = tpu.memref_squeeze %dma_wait3A_519 : memref<1x128xi32, #tpu.memory_space<vmem>> -> memref<128xi32, #tpu.memory_space<vmem>>
      %dma_wait3A_521 = arith.constant 0 : i32
      %dma_wait3A_522 = arith.constant 0 : i32
      %dma_wait3A_523 = tpu.memref_slice %arg11[%dma_wait3A_521, %dma_wait3A_522] : memref<10000x80xf32, #tpu.memory_space<vmem_shared>> -> memref<10000x80xf32, #tpu.memory_space<vmem_shared>>
      tpu.wait_indirect_dma semaphore(%arg14 : memref<!tpu.dma_semaphore, #tpu.memory_space<semaphore_mem>>) src(%dma_wait3A_523 : memref<10000x80xf32, #tpu.memory_space<vmem_shared>>) dst(%arg10 : memref<128x80xf32, #tpu.memory_space<vmem>>)
      %dma_start3A_524 = arith.constant 17 : i32
      %dma_start3A_525 = arith.constant 0 : i32
      %dma_start3A_526 = tpu.memref_slice %arg8[%dma_start3A_524, %dma_start3A_525] : memref<32x128xi32, #tpu.memory_space<vmem>> -> memref<1x128xi32, #tpu.memory_space<vmem>>
      %dma_start3A_527 = tpu.memref_squeeze %dma_start3A_526 : memref<1x128xi32, #tpu.memory_space<vmem>> -> memref<128xi32, #tpu.memory_space<vmem>>
      %dma_start3A_528 = arith.constant 0 : i32
      %dma_start3A_529 = arith.constant 0 : i32
      %dma_start3A_530 = tpu.memref_slice %arg12[%dma_start3A_528, %dma_start3A_529] : memref<10112x80xf32, #tpu.memory_space<vmem_shared>> -> memref<10112x80xf32, #tpu.memory_space<vmem_shared>>
      tpu.enqueue_indirect_dma source(%arg10 : memref<128x80xf32, #tpu.memory_space<vmem>>) target(%dma_start3A_530 : memref<10112x80xf32, #tpu.memory_space<vmem_shared>>) offsets(%dma_start3A_527 : memref<128xi32, #tpu.memory_space<vmem>>) semaphore(%arg16 : memref<!tpu.dma_semaphore, #tpu.memory_space<semaphore_mem>>) {add = true}
      %dma_wait3A_531 = arith.constant 17 : i32
      %dma_wait3A_532 = arith.constant 0 : i32
      %dma_wait3A_533 = tpu.memref_slice %arg8[%dma_wait3A_531, %dma_wait3A_532] : memref<32x128xi32, #tpu.memory_space<vmem>> -> memref<1x128xi32, #tpu.memory_space<vmem>>
      %dma_wait3A_534 = tpu.memref_squeeze %dma_wait3A_533 : memref<1x128xi32, #tpu.memory_space<vmem>> -> memref<128xi32, #tpu.memory_space<vmem>>
      %dma_wait3A_535 = arith.constant 0 : i32
      %dma_wait3A_536 = arith.constant 0 : i32
      %dma_wait3A_537 = tpu.memref_slice %arg12[%dma_wait3A_535, %dma_wait3A_536] : memref<10112x80xf32, #tpu.memory_space<vmem_shared>> -> memref<10112x80xf32, #tpu.memory_space<vmem_shared>>
      tpu.wait_indirect_dma semaphore(%arg16 : memref<!tpu.dma_semaphore, #tpu.memory_space<semaphore_mem>>) src(%arg10 : memref<128x80xf32, #tpu.memory_space<vmem>>) dst(%dma_wait3A_537 : memref<10112x80xf32, #tpu.memory_space<vmem_shared>>)
      %dma_start3A_538 = arith.constant 19 : i32
      %dma_start3A_539 = arith.constant 0 : i32
      %dma_start3A_540 = tpu.memref_slice %arg7[%dma_start3A_538, %dma_start3A_539] : memref<32x128xi32, #tpu.memory_space<vmem>> -> memref<1x128xi32, #tpu.memory_space<vmem>>
      %dma_start3A_541 = tpu.memref_squeeze %dma_start3A_540 : memref<1x128xi32, #tpu.memory_space<vmem>> -> memref<128xi32, #tpu.memory_space<vmem>>
      %dma_start3A_542 = arith.constant 0 : i32
      %dma_start3A_543 = arith.constant 0 : i32
      %dma_start3A_544 = tpu.memref_slice %arg11[%dma_start3A_542, %dma_start3A_543] : memref<10000x80xf32, #tpu.memory_space<vmem_shared>> -> memref<10000x80xf32, #tpu.memory_space<vmem_shared>>
      tpu.enqueue_indirect_dma source(%dma_start3A_544 : memref<10000x80xf32, #tpu.memory_space<vmem_shared>>) target(%arg10 : memref<128x80xf32, #tpu.memory_space<vmem>>) offsets(%dma_start3A_541 : memref<128xi32, #tpu.memory_space<vmem>>) semaphore(%arg14 : memref<!tpu.dma_semaphore, #tpu.memory_space<semaphore_mem>>)
      %dma_wait3A_545 = arith.constant 18 : i32
      %dma_wait3A_546 = arith.constant 0 : i32
      %dma_wait3A_547 = tpu.memref_slice %arg7[%dma_wait3A_545, %dma_wait3A_546] : memref<32x128xi32, #tpu.memory_space<vmem>> -> memref<1x128xi32, #tpu.memory_space<vmem>>
      %dma_wait3A_548 = tpu.memref_squeeze %dma_wait3A_547 : memref<1x128xi32, #tpu.memory_space<vmem>> -> memref<128xi32, #tpu.memory_space<vmem>>
      %dma_wait3A_549 = arith.constant 0 : i32
      %dma_wait3A_550 = arith.constant 0 : i32
      %dma_wait3A_551 = tpu.memref_slice %arg11[%dma_wait3A_549, %dma_wait3A_550] : memref<10000x80xf32, #tpu.memory_space<vmem_shared>> -> memref<10000x80xf32, #tpu.memory_space<vmem_shared>>
      tpu.wait_indirect_dma semaphore(%arg13 : memref<!tpu.dma_semaphore, #tpu.memory_space<semaphore_mem>>) src(%dma_wait3A_551 : memref<10000x80xf32, #tpu.memory_space<vmem_shared>>) dst(%arg9 : memref<128x80xf32, #tpu.memory_space<vmem>>)
      %dma_start3A_552 = arith.constant 18 : i32
      %dma_start3A_553 = arith.constant 0 : i32
      %dma_start3A_554 = tpu.memref_slice %arg8[%dma_start3A_552, %dma_start3A_553] : memref<32x128xi32, #tpu.memory_space<vmem>> -> memref<1x128xi32, #tpu.memory_space<vmem>>
      %dma_start3A_555 = tpu.memref_squeeze %dma_start3A_554 : memref<1x128xi32, #tpu.memory_space<vmem>> -> memref<128xi32, #tpu.memory_space<vmem>>
      %dma_start3A_556 = arith.constant 0 : i32
      %dma_start3A_557 = arith.constant 0 : i32
      %dma_start3A_558 = tpu.memref_slice %arg12[%dma_start3A_556, %dma_start3A_557] : memref<10112x80xf32, #tpu.memory_space<vmem_shared>> -> memref<10112x80xf32, #tpu.memory_space<vmem_shared>>
      tpu.enqueue_indirect_dma source(%arg9 : memref<128x80xf32, #tpu.memory_space<vmem>>) target(%dma_start3A_558 : memref<10112x80xf32, #tpu.memory_space<vmem_shared>>) offsets(%dma_start3A_555 : memref<128xi32, #tpu.memory_space<vmem>>) semaphore(%arg15 : memref<!tpu.dma_semaphore, #tpu.memory_space<semaphore_mem>>) {add = true}
      %dma_wait3A_559 = arith.constant 18 : i32
      %dma_wait3A_560 = arith.constant 0 : i32
      %dma_wait3A_561 = tpu.memref_slice %arg8[%dma_wait3A_559, %dma_wait3A_560] : memref<32x128xi32, #tpu.memory_space<vmem>> -> memref<1x128xi32, #tpu.memory_space<vmem>>
      %dma_wait3A_562 = tpu.memref_squeeze %dma_wait3A_561 : memref<1x128xi32, #tpu.memory_space<vmem>> -> memref<128xi32, #tpu.memory_space<vmem>>
      %dma_wait3A_563 = arith.constant 0 : i32
      %dma_wait3A_564 = arith.constant 0 : i32
      %dma_wait3A_565 = tpu.memref_slice %arg12[%dma_wait3A_563, %dma_wait3A_564] : memref<10112x80xf32, #tpu.memory_space<vmem_shared>> -> memref<10112x80xf32, #tpu.memory_space<vmem_shared>>
      tpu.wait_indirect_dma semaphore(%arg15 : memref<!tpu.dma_semaphore, #tpu.memory_space<semaphore_mem>>) src(%arg9 : memref<128x80xf32, #tpu.memory_space<vmem>>) dst(%dma_wait3A_565 : memref<10112x80xf32, #tpu.memory_space<vmem_shared>>)
      %dma_start3A_566 = arith.constant 20 : i32
      %dma_start3A_567 = arith.constant 0 : i32
      %dma_start3A_568 = tpu.memref_slice %arg7[%dma_start3A_566, %dma_start3A_567] : memref<32x128xi32, #tpu.memory_space<vmem>> -> memref<1x128xi32, #tpu.memory_space<vmem>>
      %dma_start3A_569 = tpu.memref_squeeze %dma_start3A_568 : memref<1x128xi32, #tpu.memory_space<vmem>> -> memref<128xi32, #tpu.memory_space<vmem>>
      %dma_start3A_570 = arith.constant 0 : i32
      %dma_start3A_571 = arith.constant 0 : i32
      %dma_start3A_572 = tpu.memref_slice %arg11[%dma_start3A_570, %dma_start3A_571] : memref<10000x80xf32, #tpu.memory_space<vmem_shared>> -> memref<10000x80xf32, #tpu.memory_space<vmem_shared>>
      tpu.enqueue_indirect_dma source(%dma_start3A_572 : memref<10000x80xf32, #tpu.memory_space<vmem_shared>>) target(%arg9 : memref<128x80xf32, #tpu.memory_space<vmem>>) offsets(%dma_start3A_569 : memref<128xi32, #tpu.memory_space<vmem>>) semaphore(%arg13 : memref<!tpu.dma_semaphore, #tpu.memory_space<semaphore_mem>>)
      %dma_wait3A_573 = arith.constant 19 : i32
      %dma_wait3A_574 = arith.constant 0 : i32
      %dma_wait3A_575 = tpu.memref_slice %arg7[%dma_wait3A_573, %dma_wait3A_574] : memref<32x128xi32, #tpu.memory_space<vmem>> -> memref<1x128xi32, #tpu.memory_space<vmem>>
      %dma_wait3A_576 = tpu.memref_squeeze %dma_wait3A_575 : memref<1x128xi32, #tpu.memory_space<vmem>> -> memref<128xi32, #tpu.memory_space<vmem>>
      %dma_wait3A_577 = arith.constant 0 : i32
      %dma_wait3A_578 = arith.constant 0 : i32
      %dma_wait3A_579 = tpu.memref_slice %arg11[%dma_wait3A_577, %dma_wait3A_578] : memref<10000x80xf32, #tpu.memory_space<vmem_shared>> -> memref<10000x80xf32, #tpu.memory_space<vmem_shared>>
      tpu.wait_indirect_dma semaphore(%arg14 : memref<!tpu.dma_semaphore, #tpu.memory_space<semaphore_mem>>) src(%dma_wait3A_579 : memref<10000x80xf32, #tpu.memory_space<vmem_shared>>) dst(%arg10 : memref<128x80xf32, #tpu.memory_space<vmem>>)
      %dma_start3A_580 = arith.constant 19 : i32
      %dma_start3A_581 = arith.constant 0 : i32
      %dma_start3A_582 = tpu.memref_slice %arg8[%dma_start3A_580, %dma_start3A_581] : memref<32x128xi32, #tpu.memory_space<vmem>> -> memref<1x128xi32, #tpu.memory_space<vmem>>
      %dma_start3A_583 = tpu.memref_squeeze %dma_start3A_582 : memref<1x128xi32, #tpu.memory_space<vmem>> -> memref<128xi32, #tpu.memory_space<vmem>>
      %dma_start3A_584 = arith.constant 0 : i32
      %dma_start3A_585 = arith.constant 0 : i32
      %dma_start3A_586 = tpu.memref_slice %arg12[%dma_start3A_584, %dma_start3A_585] : memref<10112x80xf32, #tpu.memory_space<vmem_shared>> -> memref<10112x80xf32, #tpu.memory_space<vmem_shared>>
      tpu.enqueue_indirect_dma source(%arg10 : memref<128x80xf32, #tpu.memory_space<vmem>>) target(%dma_start3A_586 : memref<10112x80xf32, #tpu.memory_space<vmem_shared>>) offsets(%dma_start3A_583 : memref<128xi32, #tpu.memory_space<vmem>>) semaphore(%arg16 : memref<!tpu.dma_semaphore, #tpu.memory_space<semaphore_mem>>) {add = true}
      %dma_wait3A_587 = arith.constant 19 : i32
      %dma_wait3A_588 = arith.constant 0 : i32
      %dma_wait3A_589 = tpu.memref_slice %arg8[%dma_wait3A_587, %dma_wait3A_588] : memref<32x128xi32, #tpu.memory_space<vmem>> -> memref<1x128xi32, #tpu.memory_space<vmem>>
      %dma_wait3A_590 = tpu.memref_squeeze %dma_wait3A_589 : memref<1x128xi32, #tpu.memory_space<vmem>> -> memref<128xi32, #tpu.memory_space<vmem>>
      %dma_wait3A_591 = arith.constant 0 : i32
      %dma_wait3A_592 = arith.constant 0 : i32
      %dma_wait3A_593 = tpu.memref_slice %arg12[%dma_wait3A_591, %dma_wait3A_592] : memref<10112x80xf32, #tpu.memory_space<vmem_shared>> -> memref<10112x80xf32, #tpu.memory_space<vmem_shared>>
      tpu.wait_indirect_dma semaphore(%arg16 : memref<!tpu.dma_semaphore, #tpu.memory_space<semaphore_mem>>) src(%arg10 : memref<128x80xf32, #tpu.memory_space<vmem>>) dst(%dma_wait3A_593 : memref<10112x80xf32, #tpu.memory_space<vmem_shared>>)
      %dma_start3A_594 = arith.constant 21 : i32
      %dma_start3A_595 = arith.constant 0 : i32
      %dma_start3A_596 = tpu.memref_slice %arg7[%dma_start3A_594, %dma_start3A_595] : memref<32x128xi32, #tpu.memory_space<vmem>> -> memref<1x128xi32, #tpu.memory_space<vmem>>
      %dma_start3A_597 = tpu.memref_squeeze %dma_start3A_596 : memref<1x128xi32, #tpu.memory_space<vmem>> -> memref<128xi32, #tpu.memory_space<vmem>>
      %dma_start3A_598 = arith.constant 0 : i32
      %dma_start3A_599 = arith.constant 0 : i32
      %dma_start3A_600 = tpu.memref_slice %arg11[%dma_start3A_598, %dma_start3A_599] : memref<10000x80xf32, #tpu.memory_space<vmem_shared>> -> memref<10000x80xf32, #tpu.memory_space<vmem_shared>>
      tpu.enqueue_indirect_dma source(%dma_start3A_600 : memref<10000x80xf32, #tpu.memory_space<vmem_shared>>) target(%arg10 : memref<128x80xf32, #tpu.memory_space<vmem>>) offsets(%dma_start3A_597 : memref<128xi32, #tpu.memory_space<vmem>>) semaphore(%arg14 : memref<!tpu.dma_semaphore, #tpu.memory_space<semaphore_mem>>)
      %dma_wait3A_601 = arith.constant 20 : i32
      %dma_wait3A_602 = arith.constant 0 : i32
      %dma_wait3A_603 = tpu.memref_slice %arg7[%dma_wait3A_601, %dma_wait3A_602] : memref<32x128xi32, #tpu.memory_space<vmem>> -> memref<1x128xi32, #tpu.memory_space<vmem>>
      %dma_wait3A_604 = tpu.memref_squeeze %dma_wait3A_603 : memref<1x128xi32, #tpu.memory_space<vmem>> -> memref<128xi32, #tpu.memory_space<vmem>>
      %dma_wait3A_605 = arith.constant 0 : i32
      %dma_wait3A_606 = arith.constant 0 : i32
      %dma_wait3A_607 = tpu.memref_slice %arg11[%dma_wait3A_605, %dma_wait3A_606] : memref<10000x80xf32, #tpu.memory_space<vmem_shared>> -> memref<10000x80xf32, #tpu.memory_space<vmem_shared>>
      tpu.wait_indirect_dma semaphore(%arg13 : memref<!tpu.dma_semaphore, #tpu.memory_space<semaphore_mem>>) src(%dma_wait3A_607 : memref<10000x80xf32, #tpu.memory_space<vmem_shared>>) dst(%arg9 : memref<128x80xf32, #tpu.memory_space<vmem>>)
      %dma_start3A_608 = arith.constant 20 : i32
      %dma_start3A_609 = arith.constant 0 : i32
      %dma_start3A_610 = tpu.memref_slice %arg8[%dma_start3A_608, %dma_start3A_609] : memref<32x128xi32, #tpu.memory_space<vmem>> -> memref<1x128xi32, #tpu.memory_space<vmem>>
      %dma_start3A_611 = tpu.memref_squeeze %dma_start3A_610 : memref<1x128xi32, #tpu.memory_space<vmem>> -> memref<128xi32, #tpu.memory_space<vmem>>
      %dma_start3A_612 = arith.constant 0 : i32
      %dma_start3A_613 = arith.constant 0 : i32
      %dma_start3A_614 = tpu.memref_slice %arg12[%dma_start3A_612, %dma_start3A_613] : memref<10112x80xf32, #tpu.memory_space<vmem_shared>> -> memref<10112x80xf32, #tpu.memory_space<vmem_shared>>
      tpu.enqueue_indirect_dma source(%arg9 : memref<128x80xf32, #tpu.memory_space<vmem>>) target(%dma_start3A_614 : memref<10112x80xf32, #tpu.memory_space<vmem_shared>>) offsets(%dma_start3A_611 : memref<128xi32, #tpu.memory_space<vmem>>) semaphore(%arg15 : memref<!tpu.dma_semaphore, #tpu.memory_space<semaphore_mem>>) {add = true}
      %dma_wait3A_615 = arith.constant 20 : i32
      %dma_wait3A_616 = arith.constant 0 : i32
      %dma_wait3A_617 = tpu.memref_slice %arg8[%dma_wait3A_615, %dma_wait3A_616] : memref<32x128xi32, #tpu.memory_space<vmem>> -> memref<1x128xi32, #tpu.memory_space<vmem>>
      %dma_wait3A_618 = tpu.memref_squeeze %dma_wait3A_617 : memref<1x128xi32, #tpu.memory_space<vmem>> -> memref<128xi32, #tpu.memory_space<vmem>>
      %dma_wait3A_619 = arith.constant 0 : i32
      %dma_wait3A_620 = arith.constant 0 : i32
      %dma_wait3A_621 = tpu.memref_slice %arg12[%dma_wait3A_619, %dma_wait3A_620] : memref<10112x80xf32, #tpu.memory_space<vmem_shared>> -> memref<10112x80xf32, #tpu.memory_space<vmem_shared>>
      tpu.wait_indirect_dma semaphore(%arg15 : memref<!tpu.dma_semaphore, #tpu.memory_space<semaphore_mem>>) src(%arg9 : memref<128x80xf32, #tpu.memory_space<vmem>>) dst(%dma_wait3A_621 : memref<10112x80xf32, #tpu.memory_space<vmem_shared>>)
      %dma_start3A_622 = arith.constant 22 : i32
      %dma_start3A_623 = arith.constant 0 : i32
      %dma_start3A_624 = tpu.memref_slice %arg7[%dma_start3A_622, %dma_start3A_623] : memref<32x128xi32, #tpu.memory_space<vmem>> -> memref<1x128xi32, #tpu.memory_space<vmem>>
      %dma_start3A_625 = tpu.memref_squeeze %dma_start3A_624 : memref<1x128xi32, #tpu.memory_space<vmem>> -> memref<128xi32, #tpu.memory_space<vmem>>
      %dma_start3A_626 = arith.constant 0 : i32
      %dma_start3A_627 = arith.constant 0 : i32
      %dma_start3A_628 = tpu.memref_slice %arg11[%dma_start3A_626, %dma_start3A_627] : memref<10000x80xf32, #tpu.memory_space<vmem_shared>> -> memref<10000x80xf32, #tpu.memory_space<vmem_shared>>
      tpu.enqueue_indirect_dma source(%dma_start3A_628 : memref<10000x80xf32, #tpu.memory_space<vmem_shared>>) target(%arg9 : memref<128x80xf32, #tpu.memory_space<vmem>>) offsets(%dma_start3A_625 : memref<128xi32, #tpu.memory_space<vmem>>) semaphore(%arg13 : memref<!tpu.dma_semaphore, #tpu.memory_space<semaphore_mem>>)
      %dma_wait3A_629 = arith.constant 21 : i32
      %dma_wait3A_630 = arith.constant 0 : i32
      %dma_wait3A_631 = tpu.memref_slice %arg7[%dma_wait3A_629, %dma_wait3A_630] : memref<32x128xi32, #tpu.memory_space<vmem>> -> memref<1x128xi32, #tpu.memory_space<vmem>>
      %dma_wait3A_632 = tpu.memref_squeeze %dma_wait3A_631 : memref<1x128xi32, #tpu.memory_space<vmem>> -> memref<128xi32, #tpu.memory_space<vmem>>
      %dma_wait3A_633 = arith.constant 0 : i32
      %dma_wait3A_634 = arith.constant 0 : i32
      %dma_wait3A_635 = tpu.memref_slice %arg11[%dma_wait3A_633, %dma_wait3A_634] : memref<10000x80xf32, #tpu.memory_space<vmem_shared>> -> memref<10000x80xf32, #tpu.memory_space<vmem_shared>>
      tpu.wait_indirect_dma semaphore(%arg14 : memref<!tpu.dma_semaphore, #tpu.memory_space<semaphore_mem>>) src(%dma_wait3A_635 : memref<10000x80xf32, #tpu.memory_space<vmem_shared>>) dst(%arg10 : memref<128x80xf32, #tpu.memory_space<vmem>>)
      %dma_start3A_636 = arith.constant 21 : i32
      %dma_start3A_637 = arith.constant 0 : i32
      %dma_start3A_638 = tpu.memref_slice %arg8[%dma_start3A_636, %dma_start3A_637] : memref<32x128xi32, #tpu.memory_space<vmem>> -> memref<1x128xi32, #tpu.memory_space<vmem>>
      %dma_start3A_639 = tpu.memref_squeeze %dma_start3A_638 : memref<1x128xi32, #tpu.memory_space<vmem>> -> memref<128xi32, #tpu.memory_space<vmem>>
      %dma_start3A_640 = arith.constant 0 : i32
      %dma_start3A_641 = arith.constant 0 : i32
      %dma_start3A_642 = tpu.memref_slice %arg12[%dma_start3A_640, %dma_start3A_641] : memref<10112x80xf32, #tpu.memory_space<vmem_shared>> -> memref<10112x80xf32, #tpu.memory_space<vmem_shared>>
      tpu.enqueue_indirect_dma source(%arg10 : memref<128x80xf32, #tpu.memory_space<vmem>>) target(%dma_start3A_642 : memref<10112x80xf32, #tpu.memory_space<vmem_shared>>) offsets(%dma_start3A_639 : memref<128xi32, #tpu.memory_space<vmem>>) semaphore(%arg16 : memref<!tpu.dma_semaphore, #tpu.memory_space<semaphore_mem>>) {add = true}
      %dma_wait3A_643 = arith.constant 21 : i32
      %dma_wait3A_644 = arith.constant 0 : i32
      %dma_wait3A_645 = tpu.memref_slice %arg8[%dma_wait3A_643, %dma_wait3A_644] : memref<32x128xi32, #tpu.memory_space<vmem>> -> memref<1x128xi32, #tpu.memory_space<vmem>>
      %dma_wait3A_646 = tpu.memref_squeeze %dma_wait3A_645 : memref<1x128xi32, #tpu.memory_space<vmem>> -> memref<128xi32, #tpu.memory_space<vmem>>
      %dma_wait3A_647 = arith.constant 0 : i32
      %dma_wait3A_648 = arith.constant 0 : i32
      %dma_wait3A_649 = tpu.memref_slice %arg12[%dma_wait3A_647, %dma_wait3A_648] : memref<10112x80xf32, #tpu.memory_space<vmem_shared>> -> memref<10112x80xf32, #tpu.memory_space<vmem_shared>>
      tpu.wait_indirect_dma semaphore(%arg16 : memref<!tpu.dma_semaphore, #tpu.memory_space<semaphore_mem>>) src(%arg10 : memref<128x80xf32, #tpu.memory_space<vmem>>) dst(%dma_wait3A_649 : memref<10112x80xf32, #tpu.memory_space<vmem_shared>>)
      %dma_start3A_650 = arith.constant 23 : i32
      %dma_start3A_651 = arith.constant 0 : i32
      %dma_start3A_652 = tpu.memref_slice %arg7[%dma_start3A_650, %dma_start3A_651] : memref<32x128xi32, #tpu.memory_space<vmem>> -> memref<1x128xi32, #tpu.memory_space<vmem>>
      %dma_start3A_653 = tpu.memref_squeeze %dma_start3A_652 : memref<1x128xi32, #tpu.memory_space<vmem>> -> memref<128xi32, #tpu.memory_space<vmem>>
      %dma_start3A_654 = arith.constant 0 : i32
      %dma_start3A_655 = arith.constant 0 : i32
      %dma_start3A_656 = tpu.memref_slice %arg11[%dma_start3A_654, %dma_start3A_655] : memref<10000x80xf32, #tpu.memory_space<vmem_shared>> -> memref<10000x80xf32, #tpu.memory_space<vmem_shared>>
      tpu.enqueue_indirect_dma source(%dma_start3A_656 : memref<10000x80xf32, #tpu.memory_space<vmem_shared>>) target(%arg10 : memref<128x80xf32, #tpu.memory_space<vmem>>) offsets(%dma_start3A_653 : memref<128xi32, #tpu.memory_space<vmem>>) semaphore(%arg14 : memref<!tpu.dma_semaphore, #tpu.memory_space<semaphore_mem>>)
      %dma_wait3A_657 = arith.constant 22 : i32
      %dma_wait3A_658 = arith.constant 0 : i32
      %dma_wait3A_659 = tpu.memref_slice %arg7[%dma_wait3A_657, %dma_wait3A_658] : memref<32x128xi32, #tpu.memory_space<vmem>> -> memref<1x128xi32, #tpu.memory_space<vmem>>
      %dma_wait3A_660 = tpu.memref_squeeze %dma_wait3A_659 : memref<1x128xi32, #tpu.memory_space<vmem>> -> memref<128xi32, #tpu.memory_space<vmem>>
      %dma_wait3A_661 = arith.constant 0 : i32
      %dma_wait3A_662 = arith.constant 0 : i32
      %dma_wait3A_663 = tpu.memref_slice %arg11[%dma_wait3A_661, %dma_wait3A_662] : memref<10000x80xf32, #tpu.memory_space<vmem_shared>> -> memref<10000x80xf32, #tpu.memory_space<vmem_shared>>
      tpu.wait_indirect_dma semaphore(%arg13 : memref<!tpu.dma_semaphore, #tpu.memory_space<semaphore_mem>>) src(%dma_wait3A_663 : memref<10000x80xf32, #tpu.memory_space<vmem_shared>>) dst(%arg9 : memref<128x80xf32, #tpu.memory_space<vmem>>)
      %dma_start3A_664 = arith.constant 22 : i32
      %dma_start3A_665 = arith.constant 0 : i32
      %dma_start3A_666 = tpu.memref_slice %arg8[%dma_start3A_664, %dma_start3A_665] : memref<32x128xi32, #tpu.memory_space<vmem>> -> memref<1x128xi32, #tpu.memory_space<vmem>>
      %dma_start3A_667 = tpu.memref_squeeze %dma_start3A_666 : memref<1x128xi32, #tpu.memory_space<vmem>> -> memref<128xi32, #tpu.memory_space<vmem>>
      %dma_start3A_668 = arith.constant 0 : i32
      %dma_start3A_669 = arith.constant 0 : i32
      %dma_start3A_670 = tpu.memref_slice %arg12[%dma_start3A_668, %dma_start3A_669] : memref<10112x80xf32, #tpu.memory_space<vmem_shared>> -> memref<10112x80xf32, #tpu.memory_space<vmem_shared>>
      tpu.enqueue_indirect_dma source(%arg9 : memref<128x80xf32, #tpu.memory_space<vmem>>) target(%dma_start3A_670 : memref<10112x80xf32, #tpu.memory_space<vmem_shared>>) offsets(%dma_start3A_667 : memref<128xi32, #tpu.memory_space<vmem>>) semaphore(%arg15 : memref<!tpu.dma_semaphore, #tpu.memory_space<semaphore_mem>>) {add = true}
      %dma_wait3A_671 = arith.constant 22 : i32
      %dma_wait3A_672 = arith.constant 0 : i32
      %dma_wait3A_673 = tpu.memref_slice %arg8[%dma_wait3A_671, %dma_wait3A_672] : memref<32x128xi32, #tpu.memory_space<vmem>> -> memref<1x128xi32, #tpu.memory_space<vmem>>
      %dma_wait3A_674 = tpu.memref_squeeze %dma_wait3A_673 : memref<1x128xi32, #tpu.memory_space<vmem>> -> memref<128xi32, #tpu.memory_space<vmem>>
      %dma_wait3A_675 = arith.constant 0 : i32
      %dma_wait3A_676 = arith.constant 0 : i32
      %dma_wait3A_677 = tpu.memref_slice %arg12[%dma_wait3A_675, %dma_wait3A_676] : memref<10112x80xf32, #tpu.memory_space<vmem_shared>> -> memref<10112x80xf32, #tpu.memory_space<vmem_shared>>
      tpu.wait_indirect_dma semaphore(%arg15 : memref<!tpu.dma_semaphore, #tpu.memory_space<semaphore_mem>>) src(%arg9 : memref<128x80xf32, #tpu.memory_space<vmem>>) dst(%dma_wait3A_677 : memref<10112x80xf32, #tpu.memory_space<vmem_shared>>)
      %dma_start3A_678 = arith.constant 24 : i32
      %dma_start3A_679 = arith.constant 0 : i32
      %dma_start3A_680 = tpu.memref_slice %arg7[%dma_start3A_678, %dma_start3A_679] : memref<32x128xi32, #tpu.memory_space<vmem>> -> memref<1x128xi32, #tpu.memory_space<vmem>>
      %dma_start3A_681 = tpu.memref_squeeze %dma_start3A_680 : memref<1x128xi32, #tpu.memory_space<vmem>> -> memref<128xi32, #tpu.memory_space<vmem>>
      %dma_start3A_682 = arith.constant 0 : i32
      %dma_start3A_683 = arith.constant 0 : i32
      %dma_start3A_684 = tpu.memref_slice %arg11[%dma_start3A_682, %dma_start3A_683] : memref<10000x80xf32, #tpu.memory_space<vmem_shared>> -> memref<10000x80xf32, #tpu.memory_space<vmem_shared>>
      tpu.enqueue_indirect_dma source(%dma_start3A_684 : memref<10000x80xf32, #tpu.memory_space<vmem_shared>>) target(%arg9 : memref<128x80xf32, #tpu.memory_space<vmem>>) offsets(%dma_start3A_681 : memref<128xi32, #tpu.memory_space<vmem>>) semaphore(%arg13 : memref<!tpu.dma_semaphore, #tpu.memory_space<semaphore_mem>>)
      %dma_wait3A_685 = arith.constant 23 : i32
      %dma_wait3A_686 = arith.constant 0 : i32
      %dma_wait3A_687 = tpu.memref_slice %arg7[%dma_wait3A_685, %dma_wait3A_686] : memref<32x128xi32, #tpu.memory_space<vmem>> -> memref<1x128xi32, #tpu.memory_space<vmem>>
      %dma_wait3A_688 = tpu.memref_squeeze %dma_wait3A_687 : memref<1x128xi32, #tpu.memory_space<vmem>> -> memref<128xi32, #tpu.memory_space<vmem>>
      %dma_wait3A_689 = arith.constant 0 : i32
      %dma_wait3A_690 = arith.constant 0 : i32
      %dma_wait3A_691 = tpu.memref_slice %arg11[%dma_wait3A_689, %dma_wait3A_690] : memref<10000x80xf32, #tpu.memory_space<vmem_shared>> -> memref<10000x80xf32, #tpu.memory_space<vmem_shared>>
      tpu.wait_indirect_dma semaphore(%arg14 : memref<!tpu.dma_semaphore, #tpu.memory_space<semaphore_mem>>) src(%dma_wait3A_691 : memref<10000x80xf32, #tpu.memory_space<vmem_shared>>) dst(%arg10 : memref<128x80xf32, #tpu.memory_space<vmem>>)
      %dma_start3A_692 = arith.constant 23 : i32
      %dma_start3A_693 = arith.constant 0 : i32
      %dma_start3A_694 = tpu.memref_slice %arg8[%dma_start3A_692, %dma_start3A_693] : memref<32x128xi32, #tpu.memory_space<vmem>> -> memref<1x128xi32, #tpu.memory_space<vmem>>
      %dma_start3A_695 = tpu.memref_squeeze %dma_start3A_694 : memref<1x128xi32, #tpu.memory_space<vmem>> -> memref<128xi32, #tpu.memory_space<vmem>>
      %dma_start3A_696 = arith.constant 0 : i32
      %dma_start3A_697 = arith.constant 0 : i32
      %dma_start3A_698 = tpu.memref_slice %arg12[%dma_start3A_696, %dma_start3A_697] : memref<10112x80xf32, #tpu.memory_space<vmem_shared>> -> memref<10112x80xf32, #tpu.memory_space<vmem_shared>>
      tpu.enqueue_indirect_dma source(%arg10 : memref<128x80xf32, #tpu.memory_space<vmem>>) target(%dma_start3A_698 : memref<10112x80xf32, #tpu.memory_space<vmem_shared>>) offsets(%dma_start3A_695 : memref<128xi32, #tpu.memory_space<vmem>>) semaphore(%arg16 : memref<!tpu.dma_semaphore, #tpu.memory_space<semaphore_mem>>) {add = true}
      %dma_wait3A_699 = arith.constant 23 : i32
      %dma_wait3A_700 = arith.constant 0 : i32
      %dma_wait3A_701 = tpu.memref_slice %arg8[%dma_wait3A_699, %dma_wait3A_700] : memref<32x128xi32, #tpu.memory_space<vmem>> -> memref<1x128xi32, #tpu.memory_space<vmem>>
      %dma_wait3A_702 = tpu.memref_squeeze %dma_wait3A_701 : memref<1x128xi32, #tpu.memory_space<vmem>> -> memref<128xi32, #tpu.memory_space<vmem>>
      %dma_wait3A_703 = arith.constant 0 : i32
      %dma_wait3A_704 = arith.constant 0 : i32
      %dma_wait3A_705 = tpu.memref_slice %arg12[%dma_wait3A_703, %dma_wait3A_704] : memref<10112x80xf32, #tpu.memory_space<vmem_shared>> -> memref<10112x80xf32, #tpu.memory_space<vmem_shared>>
      tpu.wait_indirect_dma semaphore(%arg16 : memref<!tpu.dma_semaphore, #tpu.memory_space<semaphore_mem>>) src(%arg10 : memref<128x80xf32, #tpu.memory_space<vmem>>) dst(%dma_wait3A_705 : memref<10112x80xf32, #tpu.memory_space<vmem_shared>>)
      %dma_start3A_706 = arith.constant 25 : i32
      %dma_start3A_707 = arith.constant 0 : i32
      %dma_start3A_708 = tpu.memref_slice %arg7[%dma_start3A_706, %dma_start3A_707] : memref<32x128xi32, #tpu.memory_space<vmem>> -> memref<1x128xi32, #tpu.memory_space<vmem>>
      %dma_start3A_709 = tpu.memref_squeeze %dma_start3A_708 : memref<1x128xi32, #tpu.memory_space<vmem>> -> memref<128xi32, #tpu.memory_space<vmem>>
      %dma_start3A_710 = arith.constant 0 : i32
      %dma_start3A_711 = arith.constant 0 : i32
      %dma_start3A_712 = tpu.memref_slice %arg11[%dma_start3A_710, %dma_start3A_711] : memref<10000x80xf32, #tpu.memory_space<vmem_shared>> -> memref<10000x80xf32, #tpu.memory_space<vmem_shared>>
      tpu.enqueue_indirect_dma source(%dma_start3A_712 : memref<10000x80xf32, #tpu.memory_space<vmem_shared>>) target(%arg10 : memref<128x80xf32, #tpu.memory_space<vmem>>) offsets(%dma_start3A_709 : memref<128xi32, #tpu.memory_space<vmem>>) semaphore(%arg14 : memref<!tpu.dma_semaphore, #tpu.memory_space<semaphore_mem>>)
      %dma_wait3A_713 = arith.constant 24 : i32
      %dma_wait3A_714 = arith.constant 0 : i32
      %dma_wait3A_715 = tpu.memref_slice %arg7[%dma_wait3A_713, %dma_wait3A_714] : memref<32x128xi32, #tpu.memory_space<vmem>> -> memref<1x128xi32, #tpu.memory_space<vmem>>
      %dma_wait3A_716 = tpu.memref_squeeze %dma_wait3A_715 : memref<1x128xi32, #tpu.memory_space<vmem>> -> memref<128xi32, #tpu.memory_space<vmem>>
      %dma_wait3A_717 = arith.constant 0 : i32
      %dma_wait3A_718 = arith.constant 0 : i32
      %dma_wait3A_719 = tpu.memref_slice %arg11[%dma_wait3A_717, %dma_wait3A_718] : memref<10000x80xf32, #tpu.memory_space<vmem_shared>> -> memref<10000x80xf32, #tpu.memory_space<vmem_shared>>
      tpu.wait_indirect_dma semaphore(%arg13 : memref<!tpu.dma_semaphore, #tpu.memory_space<semaphore_mem>>) src(%dma_wait3A_719 : memref<10000x80xf32, #tpu.memory_space<vmem_shared>>) dst(%arg9 : memref<128x80xf32, #tpu.memory_space<vmem>>)
      %dma_start3A_720 = arith.constant 24 : i32
      %dma_start3A_721 = arith.constant 0 : i32
      %dma_start3A_722 = tpu.memref_slice %arg8[%dma_start3A_720, %dma_start3A_721] : memref<32x128xi32, #tpu.memory_space<vmem>> -> memref<1x128xi32, #tpu.memory_space<vmem>>
      %dma_start3A_723 = tpu.memref_squeeze %dma_start3A_722 : memref<1x128xi32, #tpu.memory_space<vmem>> -> memref<128xi32, #tpu.memory_space<vmem>>
      %dma_start3A_724 = arith.constant 0 : i32
      %dma_start3A_725 = arith.constant 0 : i32
      %dma_start3A_726 = tpu.memref_slice %arg12[%dma_start3A_724, %dma_start3A_725] : memref<10112x80xf32, #tpu.memory_space<vmem_shared>> -> memref<10112x80xf32, #tpu.memory_space<vmem_shared>>
      tpu.enqueue_indirect_dma source(%arg9 : memref<128x80xf32, #tpu.memory_space<vmem>>) target(%dma_start3A_726 : memref<10112x80xf32, #tpu.memory_space<vmem_shared>>) offsets(%dma_start3A_723 : memref<128xi32, #tpu.memory_space<vmem>>) semaphore(%arg15 : memref<!tpu.dma_semaphore, #tpu.memory_space<semaphore_mem>>) {add = true}
      %dma_wait3A_727 = arith.constant 24 : i32
      %dma_wait3A_728 = arith.constant 0 : i32
      %dma_wait3A_729 = tpu.memref_slice %arg8[%dma_wait3A_727, %dma_wait3A_728] : memref<32x128xi32, #tpu.memory_space<vmem>> -> memref<1x128xi32, #tpu.memory_space<vmem>>
      %dma_wait3A_730 = tpu.memref_squeeze %dma_wait3A_729 : memref<1x128xi32, #tpu.memory_space<vmem>> -> memref<128xi32, #tpu.memory_space<vmem>>
      %dma_wait3A_731 = arith.constant 0 : i32
      %dma_wait3A_732 = arith.constant 0 : i32
      %dma_wait3A_733 = tpu.memref_slice %arg12[%dma_wait3A_731, %dma_wait3A_732] : memref<10112x80xf32, #tpu.memory_space<vmem_shared>> -> memref<10112x80xf32, #tpu.memory_space<vmem_shared>>
      tpu.wait_indirect_dma semaphore(%arg15 : memref<!tpu.dma_semaphore, #tpu.memory_space<semaphore_mem>>) src(%arg9 : memref<128x80xf32, #tpu.memory_space<vmem>>) dst(%dma_wait3A_733 : memref<10112x80xf32, #tpu.memory_space<vmem_shared>>)
      %dma_start3A_734 = arith.constant 26 : i32
      %dma_start3A_735 = arith.constant 0 : i32
      %dma_start3A_736 = tpu.memref_slice %arg7[%dma_start3A_734, %dma_start3A_735] : memref<32x128xi32, #tpu.memory_space<vmem>> -> memref<1x128xi32, #tpu.memory_space<vmem>>
      %dma_start3A_737 = tpu.memref_squeeze %dma_start3A_736 : memref<1x128xi32, #tpu.memory_space<vmem>> -> memref<128xi32, #tpu.memory_space<vmem>>
      %dma_start3A_738 = arith.constant 0 : i32
      %dma_start3A_739 = arith.constant 0 : i32
      %dma_start3A_740 = tpu.memref_slice %arg11[%dma_start3A_738, %dma_start3A_739] : memref<10000x80xf32, #tpu.memory_space<vmem_shared>> -> memref<10000x80xf32, #tpu.memory_space<vmem_shared>>
      tpu.enqueue_indirect_dma source(%dma_start3A_740 : memref<10000x80xf32, #tpu.memory_space<vmem_shared>>) target(%arg9 : memref<128x80xf32, #tpu.memory_space<vmem>>) offsets(%dma_start3A_737 : memref<128xi32, #tpu.memory_space<vmem>>) semaphore(%arg13 : memref<!tpu.dma_semaphore, #tpu.memory_space<semaphore_mem>>)
      %dma_wait3A_741 = arith.constant 25 : i32
      %dma_wait3A_742 = arith.constant 0 : i32
      %dma_wait3A_743 = tpu.memref_slice %arg7[%dma_wait3A_741, %dma_wait3A_742] : memref<32x128xi32, #tpu.memory_space<vmem>> -> memref<1x128xi32, #tpu.memory_space<vmem>>
      %dma_wait3A_744 = tpu.memref_squeeze %dma_wait3A_743 : memref<1x128xi32, #tpu.memory_space<vmem>> -> memref<128xi32, #tpu.memory_space<vmem>>
      %dma_wait3A_745 = arith.constant 0 : i32
      %dma_wait3A_746 = arith.constant 0 : i32
      %dma_wait3A_747 = tpu.memref_slice %arg11[%dma_wait3A_745, %dma_wait3A_746] : memref<10000x80xf32, #tpu.memory_space<vmem_shared>> -> memref<10000x80xf32, #tpu.memory_space<vmem_shared>>
      tpu.wait_indirect_dma semaphore(%arg14 : memref<!tpu.dma_semaphore, #tpu.memory_space<semaphore_mem>>) src(%dma_wait3A_747 : memref<10000x80xf32, #tpu.memory_space<vmem_shared>>) dst(%arg10 : memref<128x80xf32, #tpu.memory_space<vmem>>)
      %dma_start3A_748 = arith.constant 25 : i32
      %dma_start3A_749 = arith.constant 0 : i32
      %dma_start3A_750 = tpu.memref_slice %arg8[%dma_start3A_748, %dma_start3A_749] : memref<32x128xi32, #tpu.memory_space<vmem>> -> memref<1x128xi32, #tpu.memory_space<vmem>>
      %dma_start3A_751 = tpu.memref_squeeze %dma_start3A_750 : memref<1x128xi32, #tpu.memory_space<vmem>> -> memref<128xi32, #tpu.memory_space<vmem>>
      %dma_start3A_752 = arith.constant 0 : i32
      %dma_start3A_753 = arith.constant 0 : i32
      %dma_start3A_754 = tpu.memref_slice %arg12[%dma_start3A_752, %dma_start3A_753] : memref<10112x80xf32, #tpu.memory_space<vmem_shared>> -> memref<10112x80xf32, #tpu.memory_space<vmem_shared>>
      tpu.enqueue_indirect_dma source(%arg10 : memref<128x80xf32, #tpu.memory_space<vmem>>) target(%dma_start3A_754 : memref<10112x80xf32, #tpu.memory_space<vmem_shared>>) offsets(%dma_start3A_751 : memref<128xi32, #tpu.memory_space<vmem>>) semaphore(%arg16 : memref<!tpu.dma_semaphore, #tpu.memory_space<semaphore_mem>>) {add = true}
      %dma_wait3A_755 = arith.constant 25 : i32
      %dma_wait3A_756 = arith.constant 0 : i32
      %dma_wait3A_757 = tpu.memref_slice %arg8[%dma_wait3A_755, %dma_wait3A_756] : memref<32x128xi32, #tpu.memory_space<vmem>> -> memref<1x128xi32, #tpu.memory_space<vmem>>
      %dma_wait3A_758 = tpu.memref_squeeze %dma_wait3A_757 : memref<1x128xi32, #tpu.memory_space<vmem>> -> memref<128xi32, #tpu.memory_space<vmem>>
      %dma_wait3A_759 = arith.constant 0 : i32
      %dma_wait3A_760 = arith.constant 0 : i32
      %dma_wait3A_761 = tpu.memref_slice %arg12[%dma_wait3A_759, %dma_wait3A_760] : memref<10112x80xf32, #tpu.memory_space<vmem_shared>> -> memref<10112x80xf32, #tpu.memory_space<vmem_shared>>
      tpu.wait_indirect_dma semaphore(%arg16 : memref<!tpu.dma_semaphore, #tpu.memory_space<semaphore_mem>>) src(%arg10 : memref<128x80xf32, #tpu.memory_space<vmem>>) dst(%dma_wait3A_761 : memref<10112x80xf32, #tpu.memory_space<vmem_shared>>)
      %dma_start3A_762 = arith.constant 27 : i32
      %dma_start3A_763 = arith.constant 0 : i32
      %dma_start3A_764 = tpu.memref_slice %arg7[%dma_start3A_762, %dma_start3A_763] : memref<32x128xi32, #tpu.memory_space<vmem>> -> memref<1x128xi32, #tpu.memory_space<vmem>>
      %dma_start3A_765 = tpu.memref_squeeze %dma_start3A_764 : memref<1x128xi32, #tpu.memory_space<vmem>> -> memref<128xi32, #tpu.memory_space<vmem>>
      %dma_start3A_766 = arith.constant 0 : i32
      %dma_start3A_767 = arith.constant 0 : i32
      %dma_start3A_768 = tpu.memref_slice %arg11[%dma_start3A_766, %dma_start3A_767] : memref<10000x80xf32, #tpu.memory_space<vmem_shared>> -> memref<10000x80xf32, #tpu.memory_space<vmem_shared>>
      tpu.enqueue_indirect_dma source(%dma_start3A_768 : memref<10000x80xf32, #tpu.memory_space<vmem_shared>>) target(%arg10 : memref<128x80xf32, #tpu.memory_space<vmem>>) offsets(%dma_start3A_765 : memref<128xi32, #tpu.memory_space<vmem>>) semaphore(%arg14 : memref<!tpu.dma_semaphore, #tpu.memory_space<semaphore_mem>>)
      %dma_wait3A_769 = arith.constant 26 : i32
      %dma_wait3A_770 = arith.constant 0 : i32
      %dma_wait3A_771 = tpu.memref_slice %arg7[%dma_wait3A_769, %dma_wait3A_770] : memref<32x128xi32, #tpu.memory_space<vmem>> -> memref<1x128xi32, #tpu.memory_space<vmem>>
      %dma_wait3A_772 = tpu.memref_squeeze %dma_wait3A_771 : memref<1x128xi32, #tpu.memory_space<vmem>> -> memref<128xi32, #tpu.memory_space<vmem>>
      %dma_wait3A_773 = arith.constant 0 : i32
      %dma_wait3A_774 = arith.constant 0 : i32
      %dma_wait3A_775 = tpu.memref_slice %arg11[%dma_wait3A_773, %dma_wait3A_774] : memref<10000x80xf32, #tpu.memory_space<vmem_shared>> -> memref<10000x80xf32, #tpu.memory_space<vmem_shared>>
      tpu.wait_indirect_dma semaphore(%arg13 : memref<!tpu.dma_semaphore, #tpu.memory_space<semaphore_mem>>) src(%dma_wait3A_775 : memref<10000x80xf32, #tpu.memory_space<vmem_shared>>) dst(%arg9 : memref<128x80xf32, #tpu.memory_space<vmem>>)
      %dma_start3A_776 = arith.constant 26 : i32
      %dma_start3A_777 = arith.constant 0 : i32
      %dma_start3A_778 = tpu.memref_slice %arg8[%dma_start3A_776, %dma_start3A_777] : memref<32x128xi32, #tpu.memory_space<vmem>> -> memref<1x128xi32, #tpu.memory_space<vmem>>
      %dma_start3A_779 = tpu.memref_squeeze %dma_start3A_778 : memref<1x128xi32, #tpu.memory_space<vmem>> -> memref<128xi32, #tpu.memory_space<vmem>>
      %dma_start3A_780 = arith.constant 0 : i32
      %dma_start3A_781 = arith.constant 0 : i32
      %dma_start3A_782 = tpu.memref_slice %arg12[%dma_start3A_780, %dma_start3A_781] : memref<10112x80xf32, #tpu.memory_space<vmem_shared>> -> memref<10112x80xf32, #tpu.memory_space<vmem_shared>>
      tpu.enqueue_indirect_dma source(%arg9 : memref<128x80xf32, #tpu.memory_space<vmem>>) target(%dma_start3A_782 : memref<10112x80xf32, #tpu.memory_space<vmem_shared>>) offsets(%dma_start3A_779 : memref<128xi32, #tpu.memory_space<vmem>>) semaphore(%arg15 : memref<!tpu.dma_semaphore, #tpu.memory_space<semaphore_mem>>) {add = true}
      %dma_wait3A_783 = arith.constant 26 : i32
      %dma_wait3A_784 = arith.constant 0 : i32
      %dma_wait3A_785 = tpu.memref_slice %arg8[%dma_wait3A_783, %dma_wait3A_784] : memref<32x128xi32, #tpu.memory_space<vmem>> -> memref<1x128xi32, #tpu.memory_space<vmem>>
      %dma_wait3A_786 = tpu.memref_squeeze %dma_wait3A_785 : memref<1x128xi32, #tpu.memory_space<vmem>> -> memref<128xi32, #tpu.memory_space<vmem>>
      %dma_wait3A_787 = arith.constant 0 : i32
      %dma_wait3A_788 = arith.constant 0 : i32
      %dma_wait3A_789 = tpu.memref_slice %arg12[%dma_wait3A_787, %dma_wait3A_788] : memref<10112x80xf32, #tpu.memory_space<vmem_shared>> -> memref<10112x80xf32, #tpu.memory_space<vmem_shared>>
      tpu.wait_indirect_dma semaphore(%arg15 : memref<!tpu.dma_semaphore, #tpu.memory_space<semaphore_mem>>) src(%arg9 : memref<128x80xf32, #tpu.memory_space<vmem>>) dst(%dma_wait3A_789 : memref<10112x80xf32, #tpu.memory_space<vmem_shared>>)
      %dma_start3A_790 = arith.constant 28 : i32
      %dma_start3A_791 = arith.constant 0 : i32
      %dma_start3A_792 = tpu.memref_slice %arg7[%dma_start3A_790, %dma_start3A_791] : memref<32x128xi32, #tpu.memory_space<vmem>> -> memref<1x128xi32, #tpu.memory_space<vmem>>
      %dma_start3A_793 = tpu.memref_squeeze %dma_start3A_792 : memref<1x128xi32, #tpu.memory_space<vmem>> -> memref<128xi32, #tpu.memory_space<vmem>>
      %dma_start3A_794 = arith.constant 0 : i32
      %dma_start3A_795 = arith.constant 0 : i32
      %dma_start3A_796 = tpu.memref_slice %arg11[%dma_start3A_794, %dma_start3A_795] : memref<10000x80xf32, #tpu.memory_space<vmem_shared>> -> memref<10000x80xf32, #tpu.memory_space<vmem_shared>>
      tpu.enqueue_indirect_dma source(%dma_start3A_796 : memref<10000x80xf32, #tpu.memory_space<vmem_shared>>) target(%arg9 : memref<128x80xf32, #tpu.memory_space<vmem>>) offsets(%dma_start3A_793 : memref<128xi32, #tpu.memory_space<vmem>>) semaphore(%arg13 : memref<!tpu.dma_semaphore, #tpu.memory_space<semaphore_mem>>)
      %dma_wait3A_797 = arith.constant 27 : i32
      %dma_wait3A_798 = arith.constant 0 : i32
      %dma_wait3A_799 = tpu.memref_slice %arg7[%dma_wait3A_797, %dma_wait3A_798] : memref<32x128xi32, #tpu.memory_space<vmem>> -> memref<1x128xi32, #tpu.memory_space<vmem>>
      %dma_wait3A_800 = tpu.memref_squeeze %dma_wait3A_799 : memref<1x128xi32, #tpu.memory_space<vmem>> -> memref<128xi32, #tpu.memory_space<vmem>>
      %dma_wait3A_801 = arith.constant 0 : i32
      %dma_wait3A_802 = arith.constant 0 : i32
      %dma_wait3A_803 = tpu.memref_slice %arg11[%dma_wait3A_801, %dma_wait3A_802] : memref<10000x80xf32, #tpu.memory_space<vmem_shared>> -> memref<10000x80xf32, #tpu.memory_space<vmem_shared>>
      tpu.wait_indirect_dma semaphore(%arg14 : memref<!tpu.dma_semaphore, #tpu.memory_space<semaphore_mem>>) src(%dma_wait3A_803 : memref<10000x80xf32, #tpu.memory_space<vmem_shared>>) dst(%arg10 : memref<128x80xf32, #tpu.memory_space<vmem>>)
      %dma_start3A_804 = arith.constant 27 : i32
      %dma_start3A_805 = arith.constant 0 : i32
      %dma_start3A_806 = tpu.memref_slice %arg8[%dma_start3A_804, %dma_start3A_805] : memref<32x128xi32, #tpu.memory_space<vmem>> -> memref<1x128xi32, #tpu.memory_space<vmem>>
      %dma_start3A_807 = tpu.memref_squeeze %dma_start3A_806 : memref<1x128xi32, #tpu.memory_space<vmem>> -> memref<128xi32, #tpu.memory_space<vmem>>
      %dma_start3A_808 = arith.constant 0 : i32
      %dma_start3A_809 = arith.constant 0 : i32
      %dma_start3A_810 = tpu.memref_slice %arg12[%dma_start3A_808, %dma_start3A_809] : memref<10112x80xf32, #tpu.memory_space<vmem_shared>> -> memref<10112x80xf32, #tpu.memory_space<vmem_shared>>
      tpu.enqueue_indirect_dma source(%arg10 : memref<128x80xf32, #tpu.memory_space<vmem>>) target(%dma_start3A_810 : memref<10112x80xf32, #tpu.memory_space<vmem_shared>>) offsets(%dma_start3A_807 : memref<128xi32, #tpu.memory_space<vmem>>) semaphore(%arg16 : memref<!tpu.dma_semaphore, #tpu.memory_space<semaphore_mem>>) {add = true}
      %dma_wait3A_811 = arith.constant 27 : i32
      %dma_wait3A_812 = arith.constant 0 : i32
      %dma_wait3A_813 = tpu.memref_slice %arg8[%dma_wait3A_811, %dma_wait3A_812] : memref<32x128xi32, #tpu.memory_space<vmem>> -> memref<1x128xi32, #tpu.memory_space<vmem>>
      %dma_wait3A_814 = tpu.memref_squeeze %dma_wait3A_813 : memref<1x128xi32, #tpu.memory_space<vmem>> -> memref<128xi32, #tpu.memory_space<vmem>>
      %dma_wait3A_815 = arith.constant 0 : i32
      %dma_wait3A_816 = arith.constant 0 : i32
      %dma_wait3A_817 = tpu.memref_slice %arg12[%dma_wait3A_815, %dma_wait3A_816] : memref<10112x80xf32, #tpu.memory_space<vmem_shared>> -> memref<10112x80xf32, #tpu.memory_space<vmem_shared>>
      tpu.wait_indirect_dma semaphore(%arg16 : memref<!tpu.dma_semaphore, #tpu.memory_space<semaphore_mem>>) src(%arg10 : memref<128x80xf32, #tpu.memory_space<vmem>>) dst(%dma_wait3A_817 : memref<10112x80xf32, #tpu.memory_space<vmem_shared>>)
      %dma_start3A_818 = arith.constant 29 : i32
      %dma_start3A_819 = arith.constant 0 : i32
      %dma_start3A_820 = tpu.memref_slice %arg7[%dma_start3A_818, %dma_start3A_819] : memref<32x128xi32, #tpu.memory_space<vmem>> -> memref<1x128xi32, #tpu.memory_space<vmem>>
      %dma_start3A_821 = tpu.memref_squeeze %dma_start3A_820 : memref<1x128xi32, #tpu.memory_space<vmem>> -> memref<128xi32, #tpu.memory_space<vmem>>
      %dma_start3A_822 = arith.constant 0 : i32
      %dma_start3A_823 = arith.constant 0 : i32
      %dma_start3A_824 = tpu.memref_slice %arg11[%dma_start3A_822, %dma_start3A_823] : memref<10000x80xf32, #tpu.memory_space<vmem_shared>> -> memref<10000x80xf32, #tpu.memory_space<vmem_shared>>
      tpu.enqueue_indirect_dma source(%dma_start3A_824 : memref<10000x80xf32, #tpu.memory_space<vmem_shared>>) target(%arg10 : memref<128x80xf32, #tpu.memory_space<vmem>>) offsets(%dma_start3A_821 : memref<128xi32, #tpu.memory_space<vmem>>) semaphore(%arg14 : memref<!tpu.dma_semaphore, #tpu.memory_space<semaphore_mem>>)
      %dma_wait3A_825 = arith.constant 28 : i32
      %dma_wait3A_826 = arith.constant 0 : i32
      %dma_wait3A_827 = tpu.memref_slice %arg7[%dma_wait3A_825, %dma_wait3A_826] : memref<32x128xi32, #tpu.memory_space<vmem>> -> memref<1x128xi32, #tpu.memory_space<vmem>>
      %dma_wait3A_828 = tpu.memref_squeeze %dma_wait3A_827 : memref<1x128xi32, #tpu.memory_space<vmem>> -> memref<128xi32, #tpu.memory_space<vmem>>
      %dma_wait3A_829 = arith.constant 0 : i32
      %dma_wait3A_830 = arith.constant 0 : i32
      %dma_wait3A_831 = tpu.memref_slice %arg11[%dma_wait3A_829, %dma_wait3A_830] : memref<10000x80xf32, #tpu.memory_space<vmem_shared>> -> memref<10000x80xf32, #tpu.memory_space<vmem_shared>>
      tpu.wait_indirect_dma semaphore(%arg13 : memref<!tpu.dma_semaphore, #tpu.memory_space<semaphore_mem>>) src(%dma_wait3A_831 : memref<10000x80xf32, #tpu.memory_space<vmem_shared>>) dst(%arg9 : memref<128x80xf32, #tpu.memory_space<vmem>>)
      %dma_start3A_832 = arith.constant 28 : i32
      %dma_start3A_833 = arith.constant 0 : i32
      %dma_start3A_834 = tpu.memref_slice %arg8[%dma_start3A_832, %dma_start3A_833] : memref<32x128xi32, #tpu.memory_space<vmem>> -> memref<1x128xi32, #tpu.memory_space<vmem>>
      %dma_start3A_835 = tpu.memref_squeeze %dma_start3A_834 : memref<1x128xi32, #tpu.memory_space<vmem>> -> memref<128xi32, #tpu.memory_space<vmem>>
      %dma_start3A_836 = arith.constant 0 : i32
      %dma_start3A_837 = arith.constant 0 : i32
      %dma_start3A_838 = tpu.memref_slice %arg12[%dma_start3A_836, %dma_start3A_837] : memref<10112x80xf32, #tpu.memory_space<vmem_shared>> -> memref<10112x80xf32, #tpu.memory_space<vmem_shared>>
      tpu.enqueue_indirect_dma source(%arg9 : memref<128x80xf32, #tpu.memory_space<vmem>>) target(%dma_start3A_838 : memref<10112x80xf32, #tpu.memory_space<vmem_shared>>) offsets(%dma_start3A_835 : memref<128xi32, #tpu.memory_space<vmem>>) semaphore(%arg15 : memref<!tpu.dma_semaphore, #tpu.memory_space<semaphore_mem>>) {add = true}
      %dma_wait3A_839 = arith.constant 28 : i32
      %dma_wait3A_840 = arith.constant 0 : i32
      %dma_wait3A_841 = tpu.memref_slice %arg8[%dma_wait3A_839, %dma_wait3A_840] : memref<32x128xi32, #tpu.memory_space<vmem>> -> memref<1x128xi32, #tpu.memory_space<vmem>>
      %dma_wait3A_842 = tpu.memref_squeeze %dma_wait3A_841 : memref<1x128xi32, #tpu.memory_space<vmem>> -> memref<128xi32, #tpu.memory_space<vmem>>
      %dma_wait3A_843 = arith.constant 0 : i32
      %dma_wait3A_844 = arith.constant 0 : i32
      %dma_wait3A_845 = tpu.memref_slice %arg12[%dma_wait3A_843, %dma_wait3A_844] : memref<10112x80xf32, #tpu.memory_space<vmem_shared>> -> memref<10112x80xf32, #tpu.memory_space<vmem_shared>>
      tpu.wait_indirect_dma semaphore(%arg15 : memref<!tpu.dma_semaphore, #tpu.memory_space<semaphore_mem>>) src(%arg9 : memref<128x80xf32, #tpu.memory_space<vmem>>) dst(%dma_wait3A_845 : memref<10112x80xf32, #tpu.memory_space<vmem_shared>>)
      %dma_start3A_846 = arith.constant 30 : i32
      %dma_start3A_847 = arith.constant 0 : i32
      %dma_start3A_848 = tpu.memref_slice %arg7[%dma_start3A_846, %dma_start3A_847] : memref<32x128xi32, #tpu.memory_space<vmem>> -> memref<1x128xi32, #tpu.memory_space<vmem>>
      %dma_start3A_849 = tpu.memref_squeeze %dma_start3A_848 : memref<1x128xi32, #tpu.memory_space<vmem>> -> memref<128xi32, #tpu.memory_space<vmem>>
      %dma_start3A_850 = arith.constant 0 : i32
      %dma_start3A_851 = arith.constant 0 : i32
      %dma_start3A_852 = tpu.memref_slice %arg11[%dma_start3A_850, %dma_start3A_851] : memref<10000x80xf32, #tpu.memory_space<vmem_shared>> -> memref<10000x80xf32, #tpu.memory_space<vmem_shared>>
      tpu.enqueue_indirect_dma source(%dma_start3A_852 : memref<10000x80xf32, #tpu.memory_space<vmem_shared>>) target(%arg9 : memref<128x80xf32, #tpu.memory_space<vmem>>) offsets(%dma_start3A_849 : memref<128xi32, #tpu.memory_space<vmem>>) semaphore(%arg13 : memref<!tpu.dma_semaphore, #tpu.memory_space<semaphore_mem>>)
      %dma_wait3A_853 = arith.constant 29 : i32
      %dma_wait3A_854 = arith.constant 0 : i32
      %dma_wait3A_855 = tpu.memref_slice %arg7[%dma_wait3A_853, %dma_wait3A_854] : memref<32x128xi32, #tpu.memory_space<vmem>> -> memref<1x128xi32, #tpu.memory_space<vmem>>
      %dma_wait3A_856 = tpu.memref_squeeze %dma_wait3A_855 : memref<1x128xi32, #tpu.memory_space<vmem>> -> memref<128xi32, #tpu.memory_space<vmem>>
      %dma_wait3A_857 = arith.constant 0 : i32
      %dma_wait3A_858 = arith.constant 0 : i32
      %dma_wait3A_859 = tpu.memref_slice %arg11[%dma_wait3A_857, %dma_wait3A_858] : memref<10000x80xf32, #tpu.memory_space<vmem_shared>> -> memref<10000x80xf32, #tpu.memory_space<vmem_shared>>
      tpu.wait_indirect_dma semaphore(%arg14 : memref<!tpu.dma_semaphore, #tpu.memory_space<semaphore_mem>>) src(%dma_wait3A_859 : memref<10000x80xf32, #tpu.memory_space<vmem_shared>>) dst(%arg10 : memref<128x80xf32, #tpu.memory_space<vmem>>)
      %dma_start3A_860 = arith.constant 29 : i32
      %dma_start3A_861 = arith.constant 0 : i32
      %dma_start3A_862 = tpu.memref_slice %arg8[%dma_start3A_860, %dma_start3A_861] : memref<32x128xi32, #tpu.memory_space<vmem>> -> memref<1x128xi32, #tpu.memory_space<vmem>>
      %dma_start3A_863 = tpu.memref_squeeze %dma_start3A_862 : memref<1x128xi32, #tpu.memory_space<vmem>> -> memref<128xi32, #tpu.memory_space<vmem>>
      %dma_start3A_864 = arith.constant 0 : i32
      %dma_start3A_865 = arith.constant 0 : i32
      %dma_start3A_866 = tpu.memref_slice %arg12[%dma_start3A_864, %dma_start3A_865] : memref<10112x80xf32, #tpu.memory_space<vmem_shared>> -> memref<10112x80xf32, #tpu.memory_space<vmem_shared>>
      tpu.enqueue_indirect_dma source(%arg10 : memref<128x80xf32, #tpu.memory_space<vmem>>) target(%dma_start3A_866 : memref<10112x80xf32, #tpu.memory_space<vmem_shared>>) offsets(%dma_start3A_863 : memref<128xi32, #tpu.memory_space<vmem>>) semaphore(%arg16 : memref<!tpu.dma_semaphore, #tpu.memory_space<semaphore_mem>>) {add = true}
      %dma_wait3A_867 = arith.constant 29 : i32
      %dma_wait3A_868 = arith.constant 0 : i32
      %dma_wait3A_869 = tpu.memref_slice %arg8[%dma_wait3A_867, %dma_wait3A_868] : memref<32x128xi32, #tpu.memory_space<vmem>> -> memref<1x128xi32, #tpu.memory_space<vmem>>
      %dma_wait3A_870 = tpu.memref_squeeze %dma_wait3A_869 : memref<1x128xi32, #tpu.memory_space<vmem>> -> memref<128xi32, #tpu.memory_space<vmem>>
      %dma_wait3A_871 = arith.constant 0 : i32
      %dma_wait3A_872 = arith.constant 0 : i32
      %dma_wait3A_873 = tpu.memref_slice %arg12[%dma_wait3A_871, %dma_wait3A_872] : memref<10112x80xf32, #tpu.memory_space<vmem_shared>> -> memref<10112x80xf32, #tpu.memory_space<vmem_shared>>
      tpu.wait_indirect_dma semaphore(%arg16 : memref<!tpu.dma_semaphore, #tpu.memory_space<semaphore_mem>>) src(%arg10 : memref<128x80xf32, #tpu.memory_space<vmem>>) dst(%dma_wait3A_873 : memref<10112x80xf32, #tpu.memory_space<vmem_shared>>)
      %dma_start3A_874 = arith.constant 31 : i32
      %dma_start3A_875 = arith.constant 0 : i32
      %dma_start3A_876 = tpu.memref_slice %arg7[%dma_start3A_874, %dma_start3A_875] : memref<32x128xi32, #tpu.memory_space<vmem>> -> memref<1x128xi32, #tpu.memory_space<vmem>>
      %dma_start3A_877 = tpu.memref_squeeze %dma_start3A_876 : memref<1x128xi32, #tpu.memory_space<vmem>> -> memref<128xi32, #tpu.memory_space<vmem>>
      %dma_start3A_878 = arith.constant 0 : i32
      %dma_start3A_879 = arith.constant 0 : i32
      %dma_start3A_880 = tpu.memref_slice %arg11[%dma_start3A_878, %dma_start3A_879] : memref<10000x80xf32, #tpu.memory_space<vmem_shared>> -> memref<10000x80xf32, #tpu.memory_space<vmem_shared>>
      tpu.enqueue_indirect_dma source(%dma_start3A_880 : memref<10000x80xf32, #tpu.memory_space<vmem_shared>>) target(%arg10 : memref<128x80xf32, #tpu.memory_space<vmem>>) offsets(%dma_start3A_877 : memref<128xi32, #tpu.memory_space<vmem>>) semaphore(%arg14 : memref<!tpu.dma_semaphore, #tpu.memory_space<semaphore_mem>>)
      %dma_wait3A_881 = arith.constant 30 : i32
      %dma_wait3A_882 = arith.constant 0 : i32
      %dma_wait3A_883 = tpu.memref_slice %arg7[%dma_wait3A_881, %dma_wait3A_882] : memref<32x128xi32, #tpu.memory_space<vmem>> -> memref<1x128xi32, #tpu.memory_space<vmem>>
      %dma_wait3A_884 = tpu.memref_squeeze %dma_wait3A_883 : memref<1x128xi32, #tpu.memory_space<vmem>> -> memref<128xi32, #tpu.memory_space<vmem>>
      %dma_wait3A_885 = arith.constant 0 : i32
      %dma_wait3A_886 = arith.constant 0 : i32
      %dma_wait3A_887 = tpu.memref_slice %arg11[%dma_wait3A_885, %dma_wait3A_886] : memref<10000x80xf32, #tpu.memory_space<vmem_shared>> -> memref<10000x80xf32, #tpu.memory_space<vmem_shared>>
      tpu.wait_indirect_dma semaphore(%arg13 : memref<!tpu.dma_semaphore, #tpu.memory_space<semaphore_mem>>) src(%dma_wait3A_887 : memref<10000x80xf32, #tpu.memory_space<vmem_shared>>) dst(%arg9 : memref<128x80xf32, #tpu.memory_space<vmem>>)
      %dma_start3A_888 = arith.constant 30 : i32
      %dma_start3A_889 = arith.constant 0 : i32
      %dma_start3A_890 = tpu.memref_slice %arg8[%dma_start3A_888, %dma_start3A_889] : memref<32x128xi32, #tpu.memory_space<vmem>> -> memref<1x128xi32, #tpu.memory_space<vmem>>
      %dma_start3A_891 = tpu.memref_squeeze %dma_start3A_890 : memref<1x128xi32, #tpu.memory_space<vmem>> -> memref<128xi32, #tpu.memory_space<vmem>>
      %dma_start3A_892 = arith.constant 0 : i32
      %dma_start3A_893 = arith.constant 0 : i32
      %dma_start3A_894 = tpu.memref_slice %arg12[%dma_start3A_892, %dma_start3A_893] : memref<10112x80xf32, #tpu.memory_space<vmem_shared>> -> memref<10112x80xf32, #tpu.memory_space<vmem_shared>>
      tpu.enqueue_indirect_dma source(%arg9 : memref<128x80xf32, #tpu.memory_space<vmem>>) target(%dma_start3A_894 : memref<10112x80xf32, #tpu.memory_space<vmem_shared>>) offsets(%dma_start3A_891 : memref<128xi32, #tpu.memory_space<vmem>>) semaphore(%arg15 : memref<!tpu.dma_semaphore, #tpu.memory_space<semaphore_mem>>) {add = true}
      %dma_wait3A_895 = arith.constant 30 : i32
      %dma_wait3A_896 = arith.constant 0 : i32
      %dma_wait3A_897 = tpu.memref_slice %arg8[%dma_wait3A_895, %dma_wait3A_896] : memref<32x128xi32, #tpu.memory_space<vmem>> -> memref<1x128xi32, #tpu.memory_space<vmem>>
      %dma_wait3A_898 = tpu.memref_squeeze %dma_wait3A_897 : memref<1x128xi32, #tpu.memory_space<vmem>> -> memref<128xi32, #tpu.memory_space<vmem>>
      %dma_wait3A_899 = arith.constant 0 : i32
      %dma_wait3A_900 = arith.constant 0 : i32
      %dma_wait3A_901 = tpu.memref_slice %arg12[%dma_wait3A_899, %dma_wait3A_900] : memref<10112x80xf32, #tpu.memory_space<vmem_shared>> -> memref<10112x80xf32, #tpu.memory_space<vmem_shared>>
      tpu.wait_indirect_dma semaphore(%arg15 : memref<!tpu.dma_semaphore, #tpu.memory_space<semaphore_mem>>) src(%arg9 : memref<128x80xf32, #tpu.memory_space<vmem>>) dst(%dma_wait3A_901 : memref<10112x80xf32, #tpu.memory_space<vmem_shared>>)
      %dma_wait3A_902 = arith.constant 31 : i32
      %dma_wait3A_903 = arith.constant 0 : i32
      %dma_wait3A_904 = tpu.memref_slice %arg7[%dma_wait3A_902, %dma_wait3A_903] : memref<32x128xi32, #tpu.memory_space<vmem>> -> memref<1x128xi32, #tpu.memory_space<vmem>>
      %dma_wait3A_905 = tpu.memref_squeeze %dma_wait3A_904 : memref<1x128xi32, #tpu.memory_space<vmem>> -> memref<128xi32, #tpu.memory_space<vmem>>
      %dma_wait3A_906 = arith.constant 0 : i32
      %dma_wait3A_907 = arith.constant 0 : i32
      %dma_wait3A_908 = tpu.memref_slice %arg11[%dma_wait3A_906, %dma_wait3A_907] : memref<10000x80xf32, #tpu.memory_space<vmem_shared>> -> memref<10000x80xf32, #tpu.memory_space<vmem_shared>>
      tpu.wait_indirect_dma semaphore(%arg14 : memref<!tpu.dma_semaphore, #tpu.memory_space<semaphore_mem>>) src(%dma_wait3A_908 : memref<10000x80xf32, #tpu.memory_space<vmem_shared>>) dst(%arg10 : memref<128x80xf32, #tpu.memory_space<vmem>>)
      %dma_start3A_909 = arith.constant 31 : i32
      %dma_start3A_910 = arith.constant 0 : i32
      %dma_start3A_911 = tpu.memref_slice %arg8[%dma_start3A_909, %dma_start3A_910] : memref<32x128xi32, #tpu.memory_space<vmem>> -> memref<1x128xi32, #tpu.memory_space<vmem>>
      %dma_start3A_912 = tpu.memref_squeeze %dma_start3A_911 : memref<1x128xi32, #tpu.memory_space<vmem>> -> memref<128xi32, #tpu.memory_space<vmem>>
      %dma_start3A_913 = arith.constant 0 : i32
      %dma_start3A_914 = arith.constant 0 : i32
      %dma_start3A_915 = tpu.memref_slice %arg12[%dma_start3A_913, %dma_start3A_914] : memref<10112x80xf32, #tpu.memory_space<vmem_shared>> -> memref<10112x80xf32, #tpu.memory_space<vmem_shared>>
      tpu.enqueue_indirect_dma source(%arg10 : memref<128x80xf32, #tpu.memory_space<vmem>>) target(%dma_start3A_915 : memref<10112x80xf32, #tpu.memory_space<vmem_shared>>) offsets(%dma_start3A_912 : memref<128xi32, #tpu.memory_space<vmem>>) semaphore(%arg16 : memref<!tpu.dma_semaphore, #tpu.memory_space<semaphore_mem>>) {add = true}
      %dma_wait3A_916 = arith.constant 31 : i32
      %dma_wait3A_917 = arith.constant 0 : i32
      %dma_wait3A_918 = tpu.memref_slice %arg8[%dma_wait3A_916, %dma_wait3A_917] : memref<32x128xi32, #tpu.memory_space<vmem>> -> memref<1x128xi32, #tpu.memory_space<vmem>>
      %dma_wait3A_919 = tpu.memref_squeeze %dma_wait3A_918 : memref<1x128xi32, #tpu.memory_space<vmem>> -> memref<128xi32, #tpu.memory_space<vmem>>
      %dma_wait3A_920 = arith.constant 0 : i32
      %dma_wait3A_921 = arith.constant 0 : i32
      %dma_wait3A_922 = tpu.memref_slice %arg12[%dma_wait3A_920, %dma_wait3A_921] : memref<10112x80xf32, #tpu.memory_space<vmem_shared>> -> memref<10112x80xf32, #tpu.memory_space<vmem_shared>>
      tpu.wait_indirect_dma semaphore(%arg16 : memref<!tpu.dma_semaphore, #tpu.memory_space<semaphore_mem>>) src(%arg10 : memref<128x80xf32, #tpu.memory_space<vmem>>) dst(%dma_wait3A_922 : memref<10112x80xf32, #tpu.memory_space<vmem_shared>>)
    }
    %scan3A_21 = arith.constant 5 : i32
    %barrier3A_22 = arith.constant 0 : index
    tpu.barrier barrier_id(%barrier3A_22)
    "tpu.region"() ({
      %run_scoped3A = tpu.sem_alloc : memref<!tpu.dma_semaphore, #tpu.memory_space<semaphore_mem>>
      %dma_start3A = arith.constant 0 : i32
      %dma_start3A_23 = tpu.memref_slice %arg6[%arg0, %mul3A_0, %dma_start3A] : memref<2x10112x80xf32, #tpu.memory_space<hbm>> -> memref<1x632x80xf32, #tpu.memory_space<hbm>>
      %dma_start3A_24 = tpu.memref_squeeze %dma_start3A_23 : memref<1x632x80xf32, #tpu.memory_space<hbm>> -> memref<632x80xf32, #tpu.memory_space<hbm>>
      %dma_start3A_25 = arith.constant 0 : i32
      %dma_start3A_26 = tpu.memref_slice %arg12[%mul3A_0, %dma_start3A_25] : memref<10112x80xf32, #tpu.memory_space<vmem_shared>> -> memref<632x80xf32, #tpu.memory_space<vmem_shared>>
      tpu.enqueue_dma source(%dma_start3A_26 : memref<632x80xf32, #tpu.memory_space<vmem_shared>>) target(%dma_start3A_24 : memref<632x80xf32, #tpu.memory_space<hbm>>) target_semaphore(%run_scoped3A : memref<!tpu.dma_semaphore, #tpu.memory_space<semaphore_mem>>)
      %dma_wait3A = arith.constant 0 : i32
      %dma_wait3A_27 = tpu.memref_slice %arg6[%arg0, %mul3A_0, %dma_wait3A] : memref<2x10112x80xf32, #tpu.memory_space<hbm>> -> memref<1x632x80xf32, #tpu.memory_space<hbm>>
      %dma_wait3A_28 = tpu.memref_squeeze %dma_wait3A_27 : memref<1x632x80xf32, #tpu.memory_space<hbm>> -> memref<632x80xf32, #tpu.memory_space<hbm>>
      %dma_wait3A_29 = arith.constant 0 : i32
      %dma_wait3A_30 = tpu.memref_slice %arg12[%mul3A_0, %dma_wait3A_29] : memref<10112x80xf32, #tpu.memory_space<vmem_shared>> -> memref<632x80xf32, #tpu.memory_space<vmem_shared>>
      tpu.wait_dma2 semaphore(%run_scoped3A : memref<!tpu.dma_semaphore, #tpu.memory_space<semaphore_mem>>) src(%dma_wait3A_30 : memref<632x80xf32, #tpu.memory_space<vmem_shared>>) dst(%dma_wait3A_28 : memref<632x80xf32, #tpu.memory_space<hbm>>)
      tpu.yield
    }) : () -> ()
    return
  }
}

module attributes {stable_mosaic.version = 14 : i64} {
  func.func @_tc_body(%arg0: i32, %arg1: memref<2048x128xf32, #tpu.memory_space<vmem>>, %arg2: memref<2x2048x80xf32, #tpu.memory_space<vmem>>, %arg3: memref<256x128xf32, #tpu.memory_space<vmem>>, %arg4: memref<256x128xf32, #tpu.memory_space<vmem>>, %arg5: memref<1x128xf32, #tpu.memory_space<vmem>>, %arg6: memref<2048x128xf32, #tpu.memory_space<vmem>>) attributes {dimension_semantics = [#tpu.dimension_semantics<arbitrary>], iteration_bounds = array<i64: 5>, scalar_prefetch = 0 : i64, scratch_operands = 0 : i64, tpu.core_type = #tpu.core_type<tc>, window_params = [{transform_indices = @transform_0, window_bounds = array<i64: 2048, 128>}, {transform_indices = @transform_1, window_bounds = array<i64: 2, 2048, 80>}, {pipeline_mode = #tpu.pipeline_mode<synchronous>, transform_indices = @transform_2, window_bounds = array<i64: 256, 128>}, {pipeline_mode = #tpu.pipeline_mode<synchronous>, transform_indices = @transform_3, window_bounds = array<i64: 256, 128>}, {pipeline_mode = #tpu.pipeline_mode<synchronous>, transform_indices = @transform_4, window_bounds = array<i64: 1, 128>}, {transform_indices = @transform_5, window_bounds = array<i64: 2048, 128>}]} {
    %get3A = arith.constant 0 : index
    %get3A_0 = arith.constant 0 : index
    %get3A_1 = vector.load %arg3[%get3A, %get3A_0] : memref<256x128xf32, #tpu.memory_space<vmem>>, vector<256x128xf32>
    %get3A_2 = arith.constant 0 : index
    %get3A_3 = arith.constant 0 : index
    %get3A_4 = vector.load %arg4[%get3A_2, %get3A_3] : memref<256x128xf32, #tpu.memory_space<vmem>>, vector<256x128xf32>
    %mul3A = arith.mulf %get3A_1, %get3A_4 : vector<256x128xf32>
    %get3A_5 = arith.constant 0 : index
    %get3A_6 = arith.constant 0 : index
    %get3A_7 = arith.constant 0 : index
    %get3A_8 = vector.load %arg2[%get3A_5, %get3A_6, %get3A_7] : memref<2x2048x80xf32, #tpu.memory_space<vmem>>, vector<1x2048x80xf32>
    %get3A_9 = vector.shape_cast %get3A_8 : vector<1x2048x80xf32> to vector<2048x80xf32>
    %get3A_10 = arith.constant 1 : index
    %get3A_11 = arith.constant 0 : index
    %get3A_12 = arith.constant 0 : index
    %get3A_13 = vector.load %arg2[%get3A_10, %get3A_11, %get3A_12] : memref<2x2048x80xf32, #tpu.memory_space<vmem>>, vector<1x2048x80xf32>
    %get3A_14 = vector.shape_cast %get3A_13 : vector<1x2048x80xf32> to vector<2048x80xf32>
    %slice3A = vector.extract_strided_slice %get3A_9 {offsets = [0, 64], sizes = [2048, 1], strides = [1, 1]} : vector<2048x80xf32> to vector<2048x1xf32>
    %max3A = arith.constant 1.000000e+00 : f32
    %max3A_15 = vector.broadcast %max3A : f32 to vector<2048x1xf32>
    %max3A_16 = arith.maximumf %slice3A, %max3A_15 : vector<2048x1xf32>
    %div3A = arith.constant 1.000000e+00 : f32
    %div3A_17 = vector.broadcast %div3A : f32 to vector<2048x1xf32>
    %div3A_18 = arith.divf %div3A_17, %max3A_16 : vector<2048x1xf32>
    %get3A_19 = arith.constant 0 : index
    %get3A_20 = arith.constant 0 : index
    %get3A_21 = vector.load %arg1[%get3A_19, %get3A_20] : memref<2048x128xf32, #tpu.memory_space<vmem>>, vector<2048x128xf32>
    %slice3A_22 = vector.extract_strided_slice %mul3A {offsets = [0, 0], sizes = [128, 128], strides = [1, 1]} : vector<256x128xf32> to vector<128x128xf32>
    %dot_general3A = arith.constant dense<0.000000e+00> : vector<2048x128xf32>
    %dot_general3A_23 = tpu.matmul %get3A_21, %slice3A_22, %dot_general3A {dimension_numbers = #tpu.dot_dimension_numbers<[1], [0], [0], [1], [0, 0, 1, 1], [], []>, transpose_lhs_hint = false} : vector<2048x128xf32>, vector<128x128xf32>, vector<2048x128xf32> -> vector<2048x128xf32>
    %slice3A_24 = vector.extract_strided_slice %get3A_9 {offsets = [0, 0], sizes = [2048, 64], strides = [1, 1]} : vector<2048x80xf32> to vector<2048x64xf32>
    %mul3A_25 = vector.broadcast %div3A_18 : vector<2048x1xf32> to vector<2048x64xf32>
    %mul3A_26 = arith.mulf %slice3A_24, %mul3A_25 : vector<2048x64xf32>
    %slice3A_27 = vector.extract_strided_slice %mul3A {offsets = [128, 0], sizes = [64, 128], strides = [1, 1]} : vector<256x128xf32> to vector<64x128xf32>
    %dot_general3A_28 = arith.constant dense<0.000000e+00> : vector<2048x128xf32>
    %dot_general3A_29 = tpu.matmul %mul3A_26, %slice3A_27, %dot_general3A_28 {dimension_numbers = #tpu.dot_dimension_numbers<[1], [0], [0], [1], [0, 0, 1, 1], [], []>, transpose_lhs_hint = false} : vector<2048x64xf32>, vector<64x128xf32>, vector<2048x128xf32> -> vector<2048x128xf32>
    %add3A = arith.addf %dot_general3A_23, %dot_general3A_29 : vector<2048x128xf32>
    %slice3A_30 = vector.extract_strided_slice %get3A_14 {offsets = [0, 0], sizes = [2048, 64], strides = [1, 1]} : vector<2048x80xf32> to vector<2048x64xf32>
    %mul3A_31 = vector.broadcast %div3A_18 : vector<2048x1xf32> to vector<2048x64xf32>
    %mul3A_32 = arith.mulf %slice3A_30, %mul3A_31 : vector<2048x64xf32>
    %slice3A_33 = vector.extract_strided_slice %mul3A {offsets = [192, 0], sizes = [64, 128], strides = [1, 1]} : vector<256x128xf32> to vector<64x128xf32>
    %dot_general3A_34 = arith.constant dense<0.000000e+00> : vector<2048x128xf32>
    %dot_general3A_35 = tpu.matmul %mul3A_32, %slice3A_33, %dot_general3A_34 {dimension_numbers = #tpu.dot_dimension_numbers<[1], [0], [0], [1], [0, 0, 1, 1], [], []>, transpose_lhs_hint = false} : vector<2048x64xf32>, vector<64x128xf32>, vector<2048x128xf32> -> vector<2048x128xf32>
    %add3A_36 = arith.addf %add3A, %dot_general3A_35 : vector<2048x128xf32>
    %get3A_37 = arith.constant 0 : index
    %get3A_38 = arith.constant 0 : index
    %get3A_39 = vector.load %arg5[%get3A_37, %get3A_38] : memref<1x128xf32, #tpu.memory_space<vmem>>, vector<1x128xf32>
    %add3A_40 = vector.broadcast %get3A_39 : vector<1x128xf32> to vector<2048x128xf32>
    %add3A_41 = arith.addf %add3A_36, %add3A_40 : vector<2048x128xf32>
    %mul3A_42 = arith.mulf %add3A_41, %add3A_41 : vector<2048x128xf32>
    %reduce_sum3A = arith.constant dense<0.000000e+00> : vector<2048xf32>
    %reduce_sum3A_43 = vector.multi_reduction <add>, %mul3A_42, %reduce_sum3A [1] : vector<2048x128xf32> to vector<2048xf32>
    %broadcast_in_dim3A = vector.shape_cast %reduce_sum3A_43 : vector<2048xf32> to vector<2048x1xf32>
    %sqrt3A = math.sqrt %broadcast_in_dim3A : vector<2048x1xf32>
    %max3A_44 = arith.constant 9.99999996E-13 : f32
    %max3A_45 = vector.broadcast %max3A_44 : f32 to vector<2048x1xf32>
    %max3A_46 = arith.maximumf %sqrt3A, %max3A_45 : vector<2048x1xf32>
    %div3A_47 = vector.broadcast %max3A_46 : vector<2048x1xf32> to vector<2048x128xf32>
    %div3A_48 = arith.divf %add3A_41, %div3A_47 : vector<2048x128xf32>
    %swap3A = arith.constant 0 : index
    %swap3A_49 = arith.constant 0 : index
    %swap3A_50 = vector.load %arg6[%swap3A, %swap3A_49] : memref<2048x128xf32, #tpu.memory_space<vmem>>, vector<2048x128xf32>
    tpu.vector_store %arg6[%swap3A, %swap3A_49], %div3A_48 {strides = array<i32>} : memref<2048x128xf32, #tpu.memory_space<vmem>>, vector<2048x128xf32>,
    return
  }
  func.func @transform_0(%arg0: i32) -> (i32, i32) {
    %c0_i32 = arith.constant 0 : i32
    %c0_i32_0 = arith.constant 0 : i32
    return %arg0, %c0_i32 : i32, i32
  }
  func.func @transform_1(%arg0: i32) -> (i32, i32, i32) {
    %c0_i32 = arith.constant 0 : i32
    %c0_i32_0 = arith.constant 0 : i32
    %c0_i32_1 = arith.constant 0 : i32
    return %c0_i32, %arg0, %c0_i32_0 : i32, i32, i32
  }
  func.func @transform_2(%arg0: i32) -> (i32, i32) {
    %c0_i32 = arith.constant 0 : i32
    %c0_i32_0 = arith.constant 0 : i32
    %c0_i32_1 = arith.constant 0 : i32
    return %c0_i32, %c0_i32_0 : i32, i32
  }
  func.func @transform_3(%arg0: i32) -> (i32, i32) {
    %c0_i32 = arith.constant 0 : i32
    %c0_i32_0 = arith.constant 0 : i32
    %c0_i32_1 = arith.constant 0 : i32
    return %c0_i32, %c0_i32_0 : i32, i32
  }
  func.func @transform_4(%arg0: i32) -> (i32, i32) {
    %c0_i32 = arith.constant 0 : i32
    %c0_i32_0 = arith.constant 0 : i32
    %c0_i32_1 = arith.constant 0 : i32
    return %c0_i32, %c0_i32_0 : i32, i32
  }
  func.func @transform_5(%arg0: i32) -> (i32, i32) {
    %c0_i32 = arith.constant 0 : i32
    %c0_i32_0 = arith.constant 0 : i32
    return %arg0, %c0_i32 : i32, i32
  }
}

</mosaic_0001>

<sc_bundles>
// kernel: kernel.4.cloned.1.call-start
scs
__scs_entry_jumppad:
0x0: {  	(pc) =	sbr.rel $0x88, $3  }
0x1: {  	(tag) =	ssettag $0x0;
	lr =	simm.s32 $0x1  }
0x2: {  	[smem:$0x3F9C] =	sst lr;
	_ =	strace $0xD0000000  }
0x3: {  	_ = 	snop  }
0x4: {  	_ = 	snop  }
0x5: {  	_ = 	snop  }
0x6: {  	_ = 	snop  }
0x7: {  	_ = 	snop  }
__scs_overlays_trampoline_lowered:
0x8: {  	[smem:$0x3FAB] =	sst s0  }
0x9: {  	[smem:$0x3FAC] =	sst s1  }
0xa: {  	[smem:$0x3FAD] =	sst s2  }
0xb: {  	[smem:$0x3FAE] =	sst s3  }
0xc: {  	[smem:$0x3FAF] =	sst s4  }
0xd: {  	[smem:$0x3FB0] =	sst s5  }
0xe: {  	[smem:$0x3FB1] =	sst s6  }
0xf: {  	[smem:$0x3FB2] =	sst s7  }
0x10: {  	[smem:$0x3FB3] =	sst s8  }
0x11: {  	[smem:$0x3FB4] =	sst s9;
	s0 =	simm.s32 @!p0 $0x0  }
0x12: {  	s1 =	sld [smem:$0x3F9A];
	s0 =	simm.s32 @p0 $0x1  }
0x13: {  	[smem:$0x3FB5] =	sst s0;
	s0 =	simm.s32 @!p1 $0x0  }
0x14: {  	s2 =	sld [smem:$0x3F99];
	s0 =	simm.s32 @p1 $0x1  }
0x15: {  	[smem:$0x3FB6] =	sst s0;
	s0 =	simm.s32 @!p2 $0x0  }
0x16: {  	s3 =	sld [smem:$0x3FDB];
	s0 =	simm.s32 @p2 $0x1  }
0x17: {  	s4 =	simm.s32 $0x1BF5;
	[smem:$0x3FB8] =	sst s0  }
0x18: {  	s0 =	sld [smem:$0x3F9B];
	_ =	swait.ge [sflag:s4], $0x0  }
0x19: {  	s7 =	sld [smem:$0x3F9C]  }
0x1a: {  	s8 =	sadd.s32 $0xFFFFE003, lr  }
0x1b: {  	s9 =	sadd.s32 $0xFFFFFEF7, lr;
	s5 =	simm.s32 $0xFFFFFFFF;
	p2 =	slt.u32 s8, $0xFFFFF086  }
0x1c: {  	p1 =	slt.u32 s9, $0xF7A;
	s5 =	simm.s32 @!p2 $0x0  }
0x1d: {  	s5 =	simm.s32 @p1 $0x1;
	p0 =	seq.s32 s7, s2  }
0x1e: {  	s7 =	smul.u32 @!p0 $0xF7A, s2;
	p2 =	seq.s32 @!p0 s5, $0x0  }
0x1f: {  	s9 =	smul.u32 $0xF7A, s1;
	s8 =	simm.s32 @!p0 $0x1BF5;
	p2 =	por !p2, p0  }
0x20: {  	[sflag:s8] =	ssyncset.s32 @!p0 $0xFFFFF086;
	s6 =	sadd.s32 @!p0 s3, s7;
	s7 =	simm.s32 @!p0 $0x108  }
0x21: {  	s3 =	sadd.s32 s3, s9;
	s6 =	sadd.s32 @!p0 $0x88, s6;
	s7 =	simm.s32 @p2 $0x1082  }
0x22: {  	[simem:s7], [sflag:s8] =	dma.local @!p0 [hbm:s6], $0xF7A  }
0x23: {  	s9 =	sor.u32 $0xD0000000, s2;
	s6 =	simm.s32 $0x108;
	_ =	swait.ge @!p0 [sflag:s8], $0x0  }
0x24: {  	s3 =	sadd.s32 $0x88, s3;
	s6 =	simm.s32 @!p1 $0x1082;
	[sflag:s4] =	ssyncset.s32 $0xFFFFF086  }
0x25: {  	[simem:s6], [sflag:s4] =	dma.local [hbm:s3], $0xF7A  }
0x26: {  	[smem:$0x3F9C] =	sst s1;
	(tag) =	ssettag s2;
	_ =	strace s9  }
0x27: {  	s1 =	sld [smem:$0x3FAC]  }
0x28: {  	s2 =	sld [smem:$0x3FAD]  }
0x29: {  	s4 =	sld [smem:$0x3FAF]  }
0x2a: {  	p0 =	seq.s32 s5, $0x0;
	s5 =	sld [smem:$0x3FB0]  }
0x2b: {  	s6 =	sld [smem:$0x3FB1]  }
0x2c: {  	s7 =	sld [smem:$0x3FB2]  }
0x2d: {  	s3 =	simm.s32 $0x108;
	s8 =	sld [smem:$0x3FB3]  }
0x2e: {  	s3 =	simm.s32 @!p0 $0x1082;
	s9 =	sld [smem:$0x3FB4]  }
0x2f: {  	lr =	sadd.s32 s0, s3;
	s0 =	sld [smem:$0x3FAB]  }
0x30: {  	s3 =	sld [smem:$0x3FAE]  }
0x31: {  	[smem:$0x3FB7] =	sst s10  }
0x32: {  	s10 =	sld [smem:$0x3FB5];
	_ =	sdelay $0x3  }
0x33: {  	p0 =	seq.s32 s10, $0x1;
	s10 =	sld [smem:$0x3FB7];
	_ =	sdelay $0x3  }
0x34: {  	[smem:$0x3FB7] =	sst s10  }
0x35: {  	s10 =	sld [smem:$0x3FB6];
	_ =	sdelay $0x3  }
0x36: {  	p1 =	seq.s32 s10, $0x1;
	s10 =	sld [smem:$0x3FB7];
	_ =	sdelay $0x3  }
0x37: {  	[smem:$0x3FB7] =	sst s10  }
0x38: {  	s10 =	sld [smem:$0x3FB8]  }
0x39: {  	_ = 	snop;
	(pc) =	sbr.ind lr, $3  }
0x3a: {  	_ = 	snop  }
0x3b: {  	_ = 	snop  }
0x3c: {  	p2 =	seq.s32 s10, $0x1;
	s10 =	sld [smem:$0x3FB7]  }
0x3d: {  	_ =	shalt  }
0x3e: {  	_ =	shalt  }
0x3f: {  	_ =	shalt  }
0x40: {  	_ =	shalt  }
0x41: {  	_ =	shalt  }
0x42: {  	_ =	shalt  }
0x43: {  	_ =	shalt  }
0x44: {  	_ =	shalt  }
0x45: {  	_ =	shalt  }
0x46: {  	_ =	shalt  }
0x47: {  	_ =	shalt  }
0x48: {  	_ =	shalt  }
0x49: {  	_ =	shalt  }
0x4a: {  	_ =	shalt  }
0x4b: {  	_ =	shalt  }
0x4c: {  	_ =	shalt  }
0x4d: {  	_ =	shalt  }
0x4e: {  	_ =	shalt  }
0x4f: {  	_ =	shalt  }
0x50: {  	_ =	shalt  }
0x51: {  	_ =	shalt  }
0x52: {  	_ =	shalt  }
0x53: {  	_ =	shalt  }
0x54: {  	_ =	shalt  }
0x55: {  	_ =	shalt  }
0x56: {  	_ =	shalt  }
0x57: {  	_ =	shalt  }
0x58: {  	_ =	shalt  }
0x59: {  	_ =	shalt  }
0x5a: {  	_ =	shalt  }
0x5b: {  	_ =	shalt  }
0x5c: {  	_ =	shalt  }
0x5d: {  	_ =	shalt  }
0x5e: {  	_ =	shalt  }
0x5f: {  	_ =	shalt  }
0x60: {  	_ =	shalt  }
0x61: {  	_ =	shalt  }
0x62: {  	_ =	shalt  }
0x63: {  	_ =	shalt  }
0x64: {  	_ =	shalt  }
0x65: {  	_ =	shalt  }
0x66: {  	_ =	shalt  }
0x67: {  	_ =	shalt  }
0x68: {  	_ =	shalt  }
0x69: {  	_ =	shalt  }
0x6a: {  	_ =	shalt  }
0x6b: {  	_ =	shalt  }
0x6c: {  	_ =	shalt  }
0x6d: {  	_ =	shalt  }
0x6e: {  	_ =	shalt  }
0x6f: {  	_ =	shalt  }
0x70: {  	_ =	shalt  }
0x71: {  	_ =	shalt  }
0x72: {  	_ =	shalt  }
0x73: {  	_ =	shalt  }
0x74: {  	_ =	shalt  }
0x75: {  	_ =	shalt  }
0x76: {  	_ =	shalt  }
0x77: {  	_ =	shalt  }
0x78: {  	_ =	shalt  }
0x79: {  	_ =	shalt  }
0x7a: {  	_ =	shalt  }
0x7b: {  	_ =	shalt  }
0x7c: {  	_ =	shalt  }
0x7d: {  	_ =	shalt  }
0x7e: {  	_ =	shalt  }
0x7f: {  	_ =	shalt  }
0x80: {  	_ =	shalt  }
0x81: {  	_ =	shalt  }
0x82: {  	_ =	shalt  }
0x83: {  	_ =	shalt  }
0x84: {  	_ =	shalt  }
0x85: {  	_ =	shalt  }
0x86: {  	_ =	shalt  }
0x87: {  	_ =	shalt  }
.Lfunc_end0:
.L_simem_size_0:
called_computation_lowered:
.L_overlay_start_0:
0x88: {  	s2 =	sld [smem:$0x3FD9]  }
0x89: {  	s3 =	sld [smem:$0x3FFE];
	_ =	sdelay $0x1  }
0x8a: {  	s1 =	srdreg.scid  }
0x8b: {  	s0 =	sand.u32 $0x1, s1  }
0x8c: {  	s17 =	sshll.u32 s0, $0xA;
	s2 =	sadd.s32 s3, s2  }
0x8d: {  	s2 =	sadd.s32 s2, s17  }
0x8e: {  	[smem:$0x3FC3] =	sst s2  }
0x8f: {  	_ = 	snop  }
0x90: {  	s2 =	sld [smem:$0x3FC9]  }
0x91: {  	s18 =	sld [smem:$0x3FD0];
	(tm) =	ssettm $0x1  }
0x92: {  	s4 =	sld [smem:$0x3FFB];
	_ =	sdelay $0x3  }
0x93: {  	_ =	strace s4  }
0x94: {  	s4 =	sld [smem:$0x3FFC];
	_ =	sdelay $0x3  }
0x95: {  	_ =	strace s4  }
0x96: {  	s4 =	sld [smem:$0x3FFD];
	_ =	sdelay $0x3  }
0x97: {  	_ =	strace s4  }
0x98: {  	_ =	strace $0x8FFFFFFF  }
0x99: {  	s19 =	sld [smem:$0x3FDB];
	_ =	sdelay $0x1  }
0x9a: {  	s5 =	simm.s32 $_scs_section_size  }
0x9b: {  	s6 =	simm.s32 $_size__tile_overlayer_lowered;
	s7 =	simm.s32 $_tile_overlayer_lowered  }
0x9c: {  	s22 =	simm.s32 $0x1BFF;
	s21 =	sshll.u32 s7, $0x1;
	s4 =	sadd.s32 s5, s19  }
0x9d: {  	s8 =	simm.s32 $0x0;
	s20 =	sshll.u32 s6, $0x1;
	s6 =	sadd.s32 s21, s4  }
0x9e: {  	[timem:s8], [sflag:s22] =	dma.local [hbm:s6], s20  }
0x9f: {  	_ =	swait.ge [sflag:s22], s20  }
0xa0: {  	s5 =	ssub.s32 $0x0, s20;
	[sflag:s22] =	ssyncset.done $0x0  }
0xa1: {  	[sflag:s22] =	ssyncadd.s32 s5;
	_ =	sdelay $0x1  }
0xa2: {  	s23 =	simm.s32 $0x1B8B  }
0xa3: {  	_ =	swait.ge [sflag:s23], $0x1  }
0xa4: {  	[sflag:s23] =	ssyncset.done $0x0  }
0xa5: {  	s25 =	simm.s32 $0x1B8E;
	s24 =	sld [smem:$0x3FFE];
	[sflag:s23] =	ssyncadd.s32 $0xFFFFFFFF  }
0xa6: {  	s26 =	simm.s32 $execute0_lowered;
	[smem:$0x3FD2] =	sst s25  }
0xa7: {  	s6 =	sshll.u32 s26, $0x1;
	_ =	strace $0x80000046;
	[dreg:$0x1] =	wrdreg $0xFFFFFFFF  }
0xa8: {  	s28 =	simm.s32 $_size_execute0_lowered;
	s4 =	sadd.s32 s4, s6;
	[dreg:$0x0] =	wrdreg $0x0  }
0xa9: {  	s6 =	sshll.u32 s28, $0x1;
	[dreg:$0x2] =	wrdreg s4  }
0xaa: {  	[dreg:$0x3] =	wrdreg s6  }
0xab: {  	[dreg:$0x4] =	wrdreg $0xC0  }
0xac: {  	_ =	task [dreg:s8], $0x5FFFF  }
0xad: {  	[dreg:$0x1] =	wrdreg $0xFFFFFFFF  }
0xae: {  	[dreg:$0x0] =	wrdreg $0x60  }
0xaf: {  	[dreg:$0x2] =	wrdreg s2  }
0xb0: {  	[dreg:$0x3] =	wrdreg s24  }
0xb1: {  	[dreg:$0x4] =	wrdreg s18  }
0xb2: {  	[dreg:$0x5] =	wrdreg $0x70000  }
0xb3: {  	[dreg:$0x6] =	wrdreg $0x133500  }
0xb4: {  	[dreg:$0x7] =	wrdreg $0x9  }
0xb5: {  	_ =	task.clear_ibuf [dreg:s8], $0x8FFFF;
	_ =	strace $0x90000046  }
0xb6: {  	s29 =	simm.s32 $0x9;
	_ =	strace $0x80000048  }
0xb7: {  	_ =	swait.ge [sflag:s29], $0x1  }
0xb8: {  	[sflag:s29] =	ssyncadd.s32 $0xFFFFFFFF  }
0xb9: {  	_ =	strace $0x90000048  }
0xba: {  	_ =	sfence  }
0xbb: {  	s30 =	sld [smem:$0x0];
	_ =	sdelay $0x2  }
0xbc: {  	s31 =	sshll.u32 s1, $0xD;
	s1 =	sshrl.u32 s1, $0x2  }
0xbd: {  	s3 =	sand.u32 $0x4000, s31;
	s1 =	sadd.s32 s1, s30  }
0xbe: {  	s0 =	sor.u32 s3, s0;
	s1 =	sshll.u32 s1, $0x11  }
0xbf: {  	s0 =	sor.u32 s1, s0  }
0xc0: {  	s0 =	sadd.s32 $0x8F2B, s0  }
0xc1: {  	[sflag:s0] =	ssyncadd.remote.s32 $0x1  }
0xc2: {  	_ =	sfence.sel $0xFFFF  }
0xc3: {  	[dreg:$0x0] =	wrdreg $0xFFFFFFFF;
	(pc) =	sbr.abs _section_cstart, $3  }
0xc4: {  	[dreg:$0x1] =	wrdreg $0xFFFFFFFF  }
0xc5: {  	_ =	task.clear_ibuf [dreg:s8], $0x2FFFF;
	_ =	strace $0x9FFFFFFF  }
0xc6: {  	(tm) =	ssettm $0x7FFFFFFF  }
0xc7: {  	_ =	shalt  }
tec
execute0_lowered:
.L_overlay_start_1:
0x0: {  	(tag) =	ssettag $0x1  }
0x1: {  	s0 =	rddreg [dreg:$0x0]  }
0x2: {  	s1 =	rddreg [dreg:$0x1]  }
0x3: {  	s5 =	rddreg [dreg:$0x2]  }
0x4: {  	s2 =	rddreg [dreg:$0x3]  }
0x5: {  	s3 =	rddreg [dreg:$0x4];
	s4 =	simm.s32 $0x0  }
0x6: {  	s9 =	simm.s32 $0x100;
	[smem:$0x7FF] =	sst s4  }
0x7: {  	s11 =	simm.s32 $0x1080;
	_ =	strace $0x80000047;
	[dreg:$0x8] =	wrdreg s9  }
0x8: {  	s12 =	simm.s32 $0x180;
	[dreg:$0x9] =	wrdreg s11  }
0x9: {  	s13 =	simm.s32 $0x1100;
	[dreg:$0xa] =	wrdreg s12  }
0xa: {  	s14 =	simm.s32 $0x200;
	[dreg:$0xb] =	wrdreg s13  }
0xb: {  	s15 =	simm.s32 $0x1180;
	[dreg:$0xc] =	wrdreg s14  }
0xc: {  	s16 =	simm.s32 $0x280;
	[dreg:$0xd] =	wrdreg s15  }
0xd: {  	s17 =	simm.s32 $0x1200;
	[dreg:$0xe] =	wrdreg s16  }
0xe: {  	s18 =	simm.s32 $0x300;
	[dreg:$0xf] =	wrdreg s17  }
0xf: {  	s19 =	simm.s32 $0x1280;
	[dreg:$0x10] =	wrdreg s18  }
0x10: {  	s20 =	simm.s32 $0x380;
	[dreg:$0x11] =	wrdreg s19  }
0x11: {  	s21 =	simm.s32 $0x1300;
	[dreg:$0x12] =	wrdreg s20  }
0x12: {  	s22 =	simm.s32 $0x400;
	[dreg:$0x13] =	wrdreg s21  }
0x13: {  	s24 =	simm.s32 $0x1380;
	[dreg:$0x14] =	wrdreg s22  }
0x14: {  	s25 =	simm.s32 $0x480;
	[dreg:$0x15] =	wrdreg s24  }
0x15: {  	s28 =	simm.s32 $0x1400;
	[dreg:$0x16] =	wrdreg s25  }
0x16: {  	s29 =	simm.s32 $0x500;
	[dreg:$0x17] =	wrdreg s28  }
0x17: {  	s9 =	sadd.s32 $0xC00, s1;
	[dreg:$0x18] =	wrdreg s29  }
0x18: {  	s11 =	simm.s32 $0x1480;
	[smem:$0x7DC] =	sst s9  }
0x19: {  	s12 =	simm.s32 $0x580;
	[dreg:$0x19] =	wrdreg s11  }
0x1a: {  	s13 =	simm.s32 $0x1500;
	[dreg:$0x1a] =	wrdreg s12  }
0x1b: {  	s10 =	stileid.u32;
	s14 =	simm.s32 $0x600;
	[dreg:$0x1b] =	wrdreg s13  }
0x1c: {  	s23 =	srdreg.scid;
	s16 =	simm.s32 $0x1580;
	[dreg:$0x1c] =	wrdreg s14  }
0x1d: {  	s30 =	simm.s32 $0x1C80;
	s18 =	simm.s32 $0x680;
	[dreg:$0x1d] =	wrdreg s16  }
0x1e: {  	s31 =	simm.s32 $0xD80;
	s19 =	simm.s32 $0x1600;
	[dreg:$0x1e] =	wrdreg s18  }
0x1f: {  	s6 =	smul.u32 $0xA00, s10;
	s20 =	simm.s32 $0x700;
	[dreg:$0x1f] =	wrdreg s19  }
0x20: {  	s8 =	smul.u32 $0xC580, s10;
	s21 =	simm.s32 $0x1680;
	[smem:$0x7DE] =	sst s20  }
0x21: {  	p0 =	seq.s32 s10, $0x0;
	s24 =	simm.s32 $0x1700;
	[smem:$0x7DF] =	sst s21  }
0x22: {  	s22 =	smul.u32 $0x31600, s10;
	s25 =	simm.s32 $0x800;
	[smem:$0x7E1] =	sst s24  }
0x23: {  	s29 =	simm.s32 $0x880;
	s10 =	simm.s32 $0x1E80;
	[smem:$0x7E2] =	sst s25  }
0x24: {  	s7 =	sadd.s32 s6, s1;
	s5 =	sadd.s32 s6, s5;
	[smem:$0x7E6] =	sst s29  }
0x25: {  	s6 =	sand.u32 $0x1, s23;
	s23 =	simm.s32 $0x780;
	[dreg:$0x7] =	wrdreg s5  }
0x26: {  	s9 =	simm.s32 $0x1800;
	s11 =	sadd.s32 s8, s3;
	[smem:$0x7E0] =	sst s23  }
0x27: {  	s12 =	simm.s32 $0x900;
	s13 =	simm.s32 $0x1880;
	[smem:$0x7E7] =	sst s9  }
0x28: {  	s18 =	simm.s32 $0xA00;
	s19 =	simm.s32 $0x1980;
	[smem:$0x7E9] =	sst s12  }
0x29: {  	s20 =	simm.s32 $0xA80;
	s21 =	simm.s32 $0x1A00;
	[smem:$0x7EB] =	sst s13  }
0x2a: {  	s24 =	simm.s32 $0xB80;
	s25 =	simm.s32 $0x1B00;
	[smem:$0x7F1] =	sst s18  }
0x2b: {  	s7 =	sadd.s32 $0x5C00, s7;
	s26 =	smul.u32 $0xC5800, s6;
	[smem:$0x7F3] =	sst s19  }
0x2c: {  	s15 =	ssub.s32 $0x2, s6;
	s6 =	sshll.u32 s6, $0x3;
	[smem:$0x7F5] =	sst s20  }
0x2d: {  	s5 =	sshrl.u32 s22, $0x2;
	[smem:$0x7F6] =	sst s21;
	s22 =	simm.s32 $0xB00  }
0x2e: {  	s23 =	simm.s32 $0x1A80;
	s18 =	simm.s32 $0x1000;
	[smem:$0x7F9] =	sst s24  }
0x2f: {  	s19 =	simm.s32 $0x80;
	s20 =	simm.s32 $0x4800;
	[smem:$0x7FA] =	sst s25  }
0x30: {  	s21 =	simm.s32 $0x1;
	s24 =	simm.s32 $0x4;
	[dreg:$0x6] =	wrdreg s7  }
0x31: {  	s29 =	sshrl.u32 s11, $0x3;
	s9 =	simm.s32 $0xF00;
	[smem:$0x7F7] =	sst s22  }
0x32: {  	s11 =	simm.s32 $0xF80;
	s12 =	simm.s32 $0x1F00;
	[smem:$0x7F8] =	sst s23  }
0x33: {  	s13 =	simm.s32 $0x1F80;
	s0 =	sadd.s32 s0, s6;
	[smem:$0x7FD] =	sst s29  }
0x34: {  	s17 =	sshrl.u32 s15, $0x1;
	s5 =	sadd.s32 s5, s3;
	[smem:$0x7DD] =	sst s0  }
0x35: {  	s6 =	sadd.s32 $0x40, s2;
	s28 =	sadd.s32 $0xA000, s5;
	[smem:$0x7EE] =	sst s5  }
0x36: {  	s7 =	sadd.s32 s8, s26;
	s26 =	simm.s32 $0x1780;
	[smem:$0x7E3] =	sst s28  }
0x37: {  	s22 =	simm.s32 $0x3;
	s14 =	sadd.s32 $0x2800, s5;
	[smem:$0x7E4] =	sst s26  }
0x38: {  	s23 =	simm.s32 $0x2;
	s16 =	sadd.s32 $0x5000, s5;
	[smem:$0x7EA] =	sst s14  }
0x39: {  	s5 =	sadd.s32 $0x7800, s5;
	s0 =	simm.s32 $0x1D00;
	[smem:$0x7EC] =	sst s16  }
0x3a: {  	s8 =	simm.s32 $0x1E00;
	[smem:$0x7EF] =	sst s5;
	s5 =	sshrl.u32 @p0 s2, $0x3  }
0x3b: {  	s7 =	sshrl.u32 s7, $0x3;
	s26 =	simm.s32 $0xC00;
	[smem:$0x7F2] =	sst s5  }
0x3c: {  	s28 =	simm.s32 $0x1B80;
	s1 =	sadd.s32 s7, s1;
	[smem:$0x7FB] =	sst s26  }
0x3d: {  	s7 =	ssub.s32 s15, s17;
	s15 =	simm.s32 $0x980;
	[smem:$0x7FC] =	sst s28  }
0x3e: {  	s16 =	simm.s32 $0x2000;
	s17 =	simm.s32 $0x1900;
	[smem:$0x7ED] =	sst s15  }
0x3f: {  	s14 =	simm.s32 $0x0;
	s5 =	sshrl.u32 @p0 s6, $0x3;
	[smem:$0x7F0] =	sst s17  }
0x40: {  	s6 =	simm.s32 $0xE80;
	s1 =	sadd.s32 $0xFC00, s1;
	[smem:$0x7F4] =	sst s5  }
0x41: {  	s7 =	smax.u32 s7, $0x1;
	s17 =	simm.s32 $0x6;
	[smem:$0x7E5] =	sst s1  }
0x42: {  	v0 =	vimm.f32 $0.0e+00;
	s5 =	simm.s32 $0x1D80;
	[smem:$0x7E8] =	sst s7;
	s1 =	simm.s32 $0xE00  }
.LBB2_1:
0x43: {  	s7 =	sld [smem:$0x7DD]  }
0x44: {  	s26 =	sld [smem:$0x7F2]  }
0x45: {  	[smem:$0x7DB] =	sst s14;
	s29 =	simm.s32 @p0 $0x1  }
0x46: {  	s14 =	simm.s32 @p0 $0xA;
	s15 =	simm.s32 @p0 $0x10;
	s25 =	simm.s32 @p0 $0x1C05  }
0x47: {  	[spmem:s26@s14], [sflag:s25] =	dma.strided @p0 [hbm:s7@s15], $0x13880, s29, $0x8   }
0x48: {  	s15 =	simm.s32 @p0 $0x5  }
0x49: {  	_ =	swait.ge @p0 [sflag:s15], $0x13880  }
0x4a: {  	s26 =	sld [smem:$0x7DC]  }
0x4b: {  	s28 =	sld [smem:$0x7F4]  }
0x4c: {  	[sflag:s15] =	ssyncset.done @p0 $0x0  }
0x4d: {  	s7 =	simm.s32 @p0 $0x2;
	[sflag:s15] =	ssyncadd.s32 @p0 $0xFFFEC780  }
0x4e: {  	[spmem:s28@s14], [sflag:s25] =	dma.strided @p0 [hbm:s26@s7], $0x4E20, s29, $0x2   }
0x4f: {  	s29 =	smul.u32 $0xCCCD, s4  }
0x50: {  	_ =	swait.ge @p0 [sflag:s15], $0x4E20  }
0x51: {  	s7 =	simm.s32 $0x0;
	[sflag:s15] =	ssyncset.done @p0 $0x0;
	s25 =	sshrl.u32 s29, $0x12  }
0x52: {  	[sflag:s15] =	ssyncadd.s32 @p0 $0xFFFFB1E0;
	s15 =	simm.s32 $0x1;
	s14 =	smul.u32 $0x5, s25  }
.LBB2_2:
0x53: {  	s26 =	smul.u32 $0xCCCD, s15;
	s28 =	smov.u32 s15  }
0x54: {  	p1 =	seq.s32 s15, $0x27F;
	s7 =	ssub.s32 s7, s14;
	s14 =	smul.u32 $0x140, s25  }
.Ltmp0:
0x55: {  	(pc) =	sbr.rel @!p1 .LBB2_2-.Ltmp0, $4  }
0x56: {  	s15 =	sadd.s32 $0x1, s15;
	s7 =	sand.u32 $0xFFFF, s7  }
0x57: {  	s14 =	sshrl.u32 s14, $0x2;
	s29 =	sshll.u32 s7, $0x4;
	s7 =	smov.u32 s28  }
0x58: {  	s25 =	sshrl.u32 s26, $0x12;
	s26 =	sadd.s32 s29, s14  }
0x59: {  	s14 =	smul.u32 $0x5, s25;
	[tilespmem:s26+$0x2000] =	vst v0  }
0x5a: {  	_ = 	snop  }
0x5b: {  	s25 =	smul.u32 $0x140, s25;
	s7 =	ssub.s32 s7, s14  }
0x5c: {  	s7 =	sand.u32 $0xFFFF, s7  }
0x5d: {  	s26 =	sld [smem:$0x7EE];
	s14 =	sshrl.u32 s25, $0x2;
	s7 =	sshll.u32 s7, $0x4  }
0x5e: {  	s7 =	sadd.s32 s7, s14  }
0x5f: {  	[tilespmem:s7+$0x2000] =	vst v0  }
0x60: {  	[spmem:s26] =	stream.linear.scatter [tilespmem:s16], [sflag:$0x6], $0x2800, $0x38;
	[tilespmem:$0x1F8D0] =	vst v63  }
0x61: {  	_ =	swait.ge [sflag:s17], $0x2800  }
0x62: {  	s14 =	sld [smem:$0x7EA]  }
0x63: {  	[sflag:s17] =	ssyncset.done $0x0  }
0x64: {  	[sflag:s17] =	ssyncadd.s32 $0xFFFFD800  }
0x65: {  	[spmem:s14] =	stream.linear.scatter [tilespmem:s16], [sflag:$0x6], $0x2800, $0x38;
	[tilespmem:$0x1F8D0] =	vst v63  }
0x66: {  	_ =	swait.ge [sflag:s17], $0x2800  }
0x67: {  	s15 =	sld [smem:$0x7EC]  }
0x68: {  	[sflag:s17] =	ssyncset.done $0x0  }
0x69: {  	[sflag:s17] =	ssyncadd.s32 $0xFFFFD800  }
0x6a: {  	[spmem:s15] =	stream.linear.scatter [tilespmem:s16], [sflag:$0x6], $0x2800, $0x38;
	[tilespmem:$0x1F8D0] =	vst v63  }
0x6b: {  	_ =	swait.ge [sflag:s17], $0x2800  }
0x6c: {  	s25 =	sld [smem:$0x7EF]  }
0x6d: {  	[sflag:s17] =	ssyncset.done $0x0  }
0x6e: {  	[sflag:s17] =	ssyncadd.s32 $0xFFFFD800  }
0x6f: {  	[spmem:s25] =	stream.linear.scatter [tilespmem:s16], [sflag:$0x6], $0x2800, $0x38;
	[tilespmem:$0x1F8D0] =	vst v63  }
0x70: {  	_ =	swait.ge [sflag:s17], $0x2800  }
0x71: {  	s26 =	sld [smem:$0x7E3]  }
0x72: {  	[sflag:s17] =	ssyncset.done $0x0  }
0x73: {  	[sflag:s17] =	ssyncadd.s32 $0xFFFFD800  }
0x74: {  	[spmem:s26] =	stream.linear.scatter [tilespmem:s16], [sflag:$0x6], $0x2580, $0x38;
	[tilespmem:$0x1F8D0] =	vst v63  }
0x75: {  	_ =	swait.ge [sflag:s17], $0x2580  }
0x76: {  	[sflag:s17] =	ssyncset.done $0x0  }
0x77: {  	[sflag:s17] =	ssyncadd.s32 $0xFFFFDA80  }
0x78: {  	[bflag:$0x0] =	sbarrier.arrive $0xFFFF  }
0x79: {  	s14 =	rddreg [dreg:$0x7]  }
0x7a: {  	s7 =	sadd.s32 $0x0, s14  }
0x7b: {  	[tilespmem:s4], [sflag:$0x6] =	stream.linear.gather [hbm4b:s7+s4], $0x1000, $0x38;
	[tilespmem:$0x1F8D0] =	vst v63  }
0x7c: {  	_ =	swait.ge [sflag:s17], $0x1000  }
0x7d: {  	s15 =	rddreg [dreg:$0x6];
	[sflag:s17] =	ssyncset.done $0x0  }
0x7e: {  	[sflag:s17] =	ssyncadd.s32 $0xFFFFF000;
	s7 =	sadd.s32 $0x0, s15  }
0x7f: {  	[tilespmem:s18], [sflag:$0x6] =	stream.linear.gather [hbm4b:s7+s4], $0x1000, $0x38;
	[tilespmem:$0x1F8D0] =	vst v63  }
0x80: {  	_ =	swait.ge [sflag:s17], $0x1000  }
0x81: {  	[sflag:s17] =	ssyncset.done $0x0  }
0x82: {  	[sflag:s17] =	ssyncadd.s32 $0xFFFFF000  }
0x83: {  	[tilespmem:s16], [sflag:$0x1] =	stream.indirect.gather [spmem:s2], $0x50, s4, s19, $0xb8;
	[tilespmem:$0x1F8D0] =	vst v63  }
0x84: {  	_ = 	snop  }
0x85: {  	[tilespmem:s20], [sflag:$0x2] =	stream.indirect.gather [spmem:s2], $0x50, s19, s19, $0xb8;
	[tilespmem:$0x1F8D0] =	vst v63  }
0x86: {  	_ =	swait.ge [sflag:s21], $0x2800  }
0x87: {  	[sflag:s21] =	ssyncset.done $0x0  }
0x88: {  	[sflag:s21] =	ssyncadd.s32 $0xFFFFD800  }
0x89: {  	[spmem:s3] =	stream.indirect.scatter.add.f32 [tilespmem:s16], [sflag:$0x3], $0x50, s18, s19, $0xb8;
	[tilespmem:$0x1F8D0] =	vst v63  }
0x8a: {  	_ =	swait.ge [sflag:s22], $0x2800  }
0x8b: {  	[sflag:s22] =	ssyncset.done $0x0  }
0x8c: {  	s25 =	rddreg [dreg:$0x8];
	[sflag:s22] =	ssyncadd.s32 $0xFFFFD800  }
0x8d: {  	[tilespmem:s16], [sflag:$0x1] =	stream.indirect.gather [spmem:s2], $0x50, s25, s19, $0xb8;
	[tilespmem:$0x1F8D0] =	vst v63  }
0x8e: {  	_ =	swait.ge [sflag:s23], $0x2800  }
0x8f: {  	[sflag:s23] =	ssyncset.done $0x0  }
0x90: {  	s14 =	rddreg [dreg:$0x9];
	[sflag:s23] =	ssyncadd.s32 $0xFFFFD800  }
0x91: {  	[spmem:s3] =	stream.indirect.scatter.add.f32 [tilespmem:s20], [sflag:$0x4], $0x50, s14, s19, $0xb8;
	[tilespmem:$0x1F8D0] =	vst v63  }
0x92: {  	_ =	swait.ge [sflag:s24], $0x2800  }
0x93: {  	[sflag:s24] =	ssyncset.done $0x0  }
0x94: {  	s15 =	rddreg [dreg:$0xa];
	[sflag:s24] =	ssyncadd.s32 $0xFFFFD800  }
0x95: {  	[tilespmem:s20], [sflag:$0x2] =	stream.indirect.gather [spmem:s2], $0x50, s15, s19, $0xb8;
	[tilespmem:$0x1F8D0] =	vst v63  }
0x96: {  	_ =	swait.ge [sflag:s21], $0x2800  }
0x97: {  	[sflag:s21] =	ssyncset.done $0x0  }
0x98: {  	s25 =	rddreg [dreg:$0xb];
	[sflag:s21] =	ssyncadd.s32 $0xFFFFD800  }
0x99: {  	[spmem:s3] =	stream.indirect.scatter.add.f32 [tilespmem:s16], [sflag:$0x3], $0x50, s25, s19, $0xb8;
	[tilespmem:$0x1F8D0] =	vst v63  }
0x9a: {  	_ =	swait.ge [sflag:s22], $0x2800  }
0x9b: {  	[sflag:s22] =	ssyncset.done $0x0  }
0x9c: {  	s14 =	rddreg [dreg:$0xc];
	[sflag:s22] =	ssyncadd.s32 $0xFFFFD800  }
0x9d: {  	[tilespmem:s16], [sflag:$0x1] =	stream.indirect.gather [spmem:s2], $0x50, s14, s19, $0xb8;
	[tilespmem:$0x1F8D0] =	vst v63  }
0x9e: {  	_ =	swait.ge [sflag:s23], $0x2800  }
0x9f: {  	[sflag:s23] =	ssyncset.done $0x0  }
0xa0: {  	s15 =	rddreg [dreg:$0xd];
	[sflag:s23] =	ssyncadd.s32 $0xFFFFD800  }
0xa1: {  	[spmem:s3] =	stream.indirect.scatter.add.f32 [tilespmem:s20], [sflag:$0x4], $0x50, s15, s19, $0xb8;
	[tilespmem:$0x1F8D0] =	vst v63  }
0xa2: {  	_ =	swait.ge [sflag:s24], $0x2800  }
0xa3: {  	[sflag:s24] =	ssyncset.done $0x0  }
0xa4: {  	s25 =	rddreg [dreg:$0xe];
	[sflag:s24] =	ssyncadd.s32 $0xFFFFD800  }
0xa5: {  	[tilespmem:s20], [sflag:$0x2] =	stream.indirect.gather [spmem:s2], $0x50, s25, s19, $0xb8;
	[tilespmem:$0x1F8D0] =	vst v63  }
0xa6: {  	_ =	swait.ge [sflag:s21], $0x2800  }
0xa7: {  	[sflag:s21] =	ssyncset.done $0x0  }
0xa8: {  	s14 =	rddreg [dreg:$0xf];
	[sflag:s21] =	ssyncadd.s32 $0xFFFFD800  }
0xa9: {  	[spmem:s3] =	stream.indirect.scatter.add.f32 [tilespmem:s16], [sflag:$0x3], $0x50, s14, s19, $0xb8;
	[tilespmem:$0x1F8D0] =	vst v63  }
0xaa: {  	_ =	swait.ge [sflag:s22], $0x2800  }
0xab: {  	[sflag:s22] =	ssyncset.done $0x0  }
0xac: {  	s15 =	rddreg [dreg:$0x10];
	[sflag:s22] =	ssyncadd.s32 $0xFFFFD800  }
0xad: {  	[tilespmem:s16], [sflag:$0x1] =	stream.indirect.gather [spmem:s2], $0x50, s15, s19, $0xb8;
	[tilespmem:$0x1F8D0] =	vst v63  }
0xae: {  	_ =	swait.ge [sflag:s23], $0x2800  }
0xaf: {  	[sflag:s23] =	ssyncset.done $0x0  }
0xb0: {  	s25 =	rddreg [dreg:$0x11];
	[sflag:s23] =	ssyncadd.s32 $0xFFFFD800  }
0xb1: {  	[spmem:s3] =	stream.indirect.scatter.add.f32 [tilespmem:s20], [sflag:$0x4], $0x50, s25, s19, $0xb8;
	[tilespmem:$0x1F8D0] =	vst v63  }
0xb2: {  	_ =	swait.ge [sflag:s24], $0x2800  }
0xb3: {  	[sflag:s24] =	ssyncset.done $0x0  }
0xb4: {  	s14 =	rddreg [dreg:$0x12];
	[sflag:s24] =	ssyncadd.s32 $0xFFFFD800  }
0xb5: {  	[tilespmem:s20], [sflag:$0x2] =	stream.indirect.gather [spmem:s2], $0x50, s14, s19, $0xb8;
	[tilespmem:$0x1F8D0] =	vst v63  }
0xb6: {  	_ =	swait.ge [sflag:s21], $0x2800  }
0xb7: {  	[sflag:s21] =	ssyncset.done $0x0  }
0xb8: {  	s15 =	rddreg [dreg:$0x13];
	[sflag:s21] =	ssyncadd.s32 $0xFFFFD800  }
0xb9: {  	[spmem:s3] =	stream.indirect.scatter.add.f32 [tilespmem:s16], [sflag:$0x3], $0x50, s15, s19, $0xb8;
	[tilespmem:$0x1F8D0] =	vst v63  }
0xba: {  	_ =	swait.ge [sflag:s22], $0x2800  }
0xbb: {  	[sflag:s22] =	ssyncset.done $0x0  }
0xbc: {  	s25 =	rddreg [dreg:$0x14];
	[sflag:s22] =	ssyncadd.s32 $0xFFFFD800  }
0xbd: {  	[tilespmem:s16], [sflag:$0x1] =	stream.indirect.gather [spmem:s2], $0x50, s25, s19, $0xb8;
	[tilespmem:$0x1F8D0] =	vst v63  }
0xbe: {  	_ =	swait.ge [sflag:s23], $0x2800  }
0xbf: {  	[sflag:s23] =	ssyncset.done $0x0  }
0xc0: {  	s14 =	rddreg [dreg:$0x15];
	[sflag:s23] =	ssyncadd.s32 $0xFFFFD800  }
0xc1: {  	[spmem:s3] =	stream.indirect.scatter.add.f32 [tilespmem:s20], [sflag:$0x4], $0x50, s14, s19, $0xb8;
	[tilespmem:$0x1F8D0] =	vst v63  }
0xc2: {  	_ =	swait.ge [sflag:s24], $0x2800  }
0xc3: {  	[sflag:s24] =	ssyncset.done $0x0  }
0xc4: {  	s15 =	rddreg [dreg:$0x16];
	[sflag:s24] =	ssyncadd.s32 $0xFFFFD800  }
0xc5: {  	[tilespmem:s20], [sflag:$0x2] =	stream.indirect.gather [spmem:s2], $0x50, s15, s19, $0xb8;
	[tilespmem:$0x1F8D0] =	vst v63  }
0xc6: {  	_ =	swait.ge [sflag:s21], $0x2800  }
0xc7: {  	[sflag:s21] =	ssyncset.done $0x0  }
0xc8: {  	s25 =	rddreg [dreg:$0x17];
	[sflag:s21] =	ssyncadd.s32 $0xFFFFD800  }
0xc9: {  	[spmem:s3] =	stream.indirect.scatter.add.f32 [tilespmem:s16], [sflag:$0x3], $0x50, s25, s19, $0xb8;
	[tilespmem:$0x1F8D0] =	vst v63  }
0xca: {  	_ =	swait.ge [sflag:s22], $0x2800  }
0xcb: {  	[sflag:s22] =	ssyncset.done $0x0  }
0xcc: {  	s14 =	rddreg [dreg:$0x18];
	[sflag:s22] =	ssyncadd.s32 $0xFFFFD800  }
0xcd: {  	[tilespmem:s16], [sflag:$0x1] =	stream.indirect.gather [spmem:s2], $0x50, s14, s19, $0xb8;
	[tilespmem:$0x1F8D0] =	vst v63  }
0xce: {  	_ =	swait.ge [sflag:s23], $0x2800  }
0xcf: {  	[sflag:s23] =	ssyncset.done $0x0  }
0xd0: {  	s15 =	rddreg [dreg:$0x19];
	[sflag:s23] =	ssyncadd.s32 $0xFFFFD800  }
0xd1: {  	[spmem:s3] =	stream.indirect.scatter.add.f32 [tilespmem:s20], [sflag:$0x4], $0x50, s15, s19, $0xb8;
	[tilespmem:$0x1F8D0] =	vst v63  }
0xd2: {  	_ =	swait.ge [sflag:s24], $0x2800  }
0xd3: {  	[sflag:s24] =	ssyncset.done $0x0  }
0xd4: {  	s25 =	rddreg [dreg:$0x1a];
	[sflag:s24] =	ssyncadd.s32 $0xFFFFD800  }
0xd5: {  	[tilespmem:s20], [sflag:$0x2] =	stream.indirect.gather [spmem:s2], $0x50, s25, s19, $0xb8;
	[tilespmem:$0x1F8D0] =	vst v63  }
0xd6: {  	_ =	swait.ge [sflag:s21], $0x2800  }
0xd7: {  	[sflag:s21] =	ssyncset.done $0x0  }
0xd8: {  	s14 =	rddreg [dreg:$0x1b];
	[sflag:s21] =	ssyncadd.s32 $0xFFFFD800  }
0xd9: {  	[spmem:s3] =	stream.indirect.scatter.add.f32 [tilespmem:s16], [sflag:$0x3], $0x50, s14, s19, $0xb8;
	[tilespmem:$0x1F8D0] =	vst v63  }
0xda: {  	_ =	swait.ge [sflag:s22], $0x2800  }
0xdb: {  	[sflag:s22] =	ssyncset.done $0x0  }
0xdc: {  	s15 =	rddreg [dreg:$0x1c];
	[sflag:s22] =	ssyncadd.s32 $0xFFFFD800  }
0xdd: {  	[tilespmem:s16], [sflag:$0x1] =	stream.indirect.gather [spmem:s2], $0x50, s15, s19, $0xb8;
	[tilespmem:$0x1F8D0] =	vst v63  }
0xde: {  	_ =	swait.ge [sflag:s23], $0x2800  }
0xdf: {  	[sflag:s23] =	ssyncset.done $0x0  }
0xe0: {  	s25 =	rddreg [dreg:$0x1d];
	[sflag:s23] =	ssyncadd.s32 $0xFFFFD800  }
0xe1: {  	[spmem:s3] =	stream.indirect.scatter.add.f32 [tilespmem:s20], [sflag:$0x4], $0x50, s25, s19, $0xb8;
	[tilespmem:$0x1F8D0] =	vst v63  }
0xe2: {  	_ =	swait.ge [sflag:s24], $0x2800  }
0xe3: {  	[sflag:s24] =	ssyncset.done $0x0  }
0xe4: {  	s14 =	rddreg [dreg:$0x1e];
	[sflag:s24] =	ssyncadd.s32 $0xFFFFD800  }
0xe5: {  	[tilespmem:s20], [sflag:$0x2] =	stream.indirect.gather [spmem:s2], $0x50, s14, s19, $0xb8;
	[tilespmem:$0x1F8D0] =	vst v63  }
0xe6: {  	_ =	swait.ge [sflag:s21], $0x2800  }
0xe7: {  	[sflag:s21] =	ssyncset.done $0x0  }
0xe8: {  	s15 =	rddreg [dreg:$0x1f];
	[sflag:s21] =	ssyncadd.s32 $0xFFFFD800  }
0xe9: {  	[spmem:s3] =	stream.indirect.scatter.add.f32 [tilespmem:s16], [sflag:$0x3], $0x50, s15, s19, $0xb8;
	[tilespmem:$0x1F8D0] =	vst v63  }
0xea: {  	_ =	swait.ge [sflag:s22], $0x2800  }
0xeb: {  	s25 =	sld [smem:$0x7DE]  }
0xec: {  	[sflag:s22] =	ssyncset.done $0x0  }
0xed: {  	[sflag:s22] =	ssyncadd.s32 $0xFFFFD800  }
0xee: {  	[tilespmem:s16], [sflag:$0x1] =	stream.indirect.gather [spmem:s2], $0x50, s25, s19, $0xb8;
	[tilespmem:$0x1F8D0] =	vst v63  }
0xef: {  	_ =	swait.ge [sflag:s23], $0x2800  }
0xf0: {  	s14 =	sld [smem:$0x7DF]  }
0xf1: {  	[sflag:s23] =	ssyncset.done $0x0  }
0xf2: {  	[sflag:s23] =	ssyncadd.s32 $0xFFFFD800  }
0xf3: {  	[spmem:s3] =	stream.indirect.scatter.add.f32 [tilespmem:s20], [sflag:$0x4], $0x50, s14, s19, $0xb8;
	[tilespmem:$0x1F8D0] =	vst v63  }
0xf4: {  	_ =	swait.ge [sflag:s24], $0x2800  }
0xf5: {  	s15 =	sld [smem:$0x7E0]  }
0xf6: {  	[sflag:s24] =	ssyncset.done $0x0  }
0xf7: {  	[sflag:s24] =	ssyncadd.s32 $0xFFFFD800  }
0xf8: {  	[tilespmem:s20], [sflag:$0x2] =	stream.indirect.gather [spmem:s2], $0x50, s15, s19, $0xb8;
	[tilespmem:$0x1F8D0] =	vst v63  }
0xf9: {  	_ =	swait.ge [sflag:s21], $0x2800  }
0xfa: {  	s25 =	sld [smem:$0x7E1]  }
0xfb: {  	[sflag:s21] =	ssyncset.done $0x0  }
0xfc: {  	[sflag:s21] =	ssyncadd.s32 $0xFFFFD800  }
0xfd: {  	[spmem:s3] =	stream.indirect.scatter.add.f32 [tilespmem:s16], [sflag:$0x3], $0x50, s25, s19, $0xb8;
	[tilespmem:$0x1F8D0] =	vst v63  }
0xfe: {  	_ =	swait.ge [sflag:s22], $0x2800  }
0xff: {  	s14 =	sld [smem:$0x7E2]  }
0x100: {  	[sflag:s22] =	ssyncset.done $0x0  }
0x101: {  	[sflag:s22] =	ssyncadd.s32 $0xFFFFD800  }
0x102: {  	[tilespmem:s16], [sflag:$0x1] =	stream.indirect.gather [spmem:s2], $0x50, s14, s19, $0xb8;
	[tilespmem:$0x1F8D0] =	vst v63  }
0x103: {  	_ =	swait.ge [sflag:s23], $0x2800  }
0x104: {  	s15 =	sld [smem:$0x7E4]  }
0x105: {  	[sflag:s23] =	ssyncset.done $0x0  }
0x106: {  	[sflag:s23] =	ssyncadd.s32 $0xFFFFD800  }
0x107: {  	[spmem:s3] =	stream.indirect.scatter.add.f32 [tilespmem:s20], [sflag:$0x4], $0x50, s15, s19, $0xb8;
	[tilespmem:$0x1F8D0] =	vst v63  }
0x108: {  	_ =	swait.ge [sflag:s24], $0x2800  }
0x109: {  	s25 =	sld [smem:$0x7E6]  }
0x10a: {  	[sflag:s24] =	ssyncset.done $0x0  }
0x10b: {  	[sflag:s24] =	ssyncadd.s32 $0xFFFFD800  }
0x10c: {  	[tilespmem:s20], [sflag:$0x2] =	stream.indirect.gather [spmem:s2], $0x50, s25, s19, $0xb8;
	[tilespmem:$0x1F8D0] =	vst v63  }
0x10d: {  	_ =	swait.ge [sflag:s21], $0x2800  }
0x10e: {  	s14 =	sld [smem:$0x7E7]  }
0x10f: {  	[sflag:s21] =	ssyncset.done $0x0  }
0x110: {  	[sflag:s21] =	ssyncadd.s32 $0xFFFFD800  }
0x111: {  	[spmem:s3] =	stream.indirect.scatter.add.f32 [tilespmem:s16], [sflag:$0x3], $0x50, s14, s19, $0xb8;
	[tilespmem:$0x1F8D0] =	vst v63  }
0x112: {  	_ =	swait.ge [sflag:s22], $0x2800  }
0x113: {  	s15 =	sld [smem:$0x7E9]  }
0x114: {  	[sflag:s22] =	ssyncset.done $0x0  }
0x115: {  	[sflag:s22] =	ssyncadd.s32 $0xFFFFD800  }
0x116: {  	[tilespmem:s16], [sflag:$0x1] =	stream.indirect.gather [spmem:s2], $0x50, s15, s19, $0xb8;
	[tilespmem:$0x1F8D0] =	vst v63  }
0x117: {  	_ =	swait.ge [sflag:s23], $0x2800  }
0x118: {  	s25 =	sld [smem:$0x7EB]  }
0x119: {  	[sflag:s23] =	ssyncset.done $0x0  }
0x11a: {  	[sflag:s23] =	ssyncadd.s32 $0xFFFFD800  }
0x11b: {  	[spmem:s3] =	stream.indirect.scatter.add.f32 [tilespmem:s20], [sflag:$0x4], $0x50, s25, s19, $0xb8;
	[tilespmem:$0x1F8D0] =	vst v63  }
0x11c: {  	_ =	swait.ge [sflag:s24], $0x2800  }
0x11d: {  	s14 =	sld [smem:$0x7ED]  }
0x11e: {  	[sflag:s24] =	ssyncset.done $0x0  }
0x11f: {  	[sflag:s24] =	ssyncadd.s32 $0xFFFFD800  }
0x120: {  	[tilespmem:s20], [sflag:$0x2] =	stream.indirect.gather [spmem:s2], $0x50, s14, s19, $0xb8;
	[tilespmem:$0x1F8D0] =	vst v63  }
0x121: {  	_ =	swait.ge [sflag:s21], $0x2800  }
0x122: {  	s15 =	sld [smem:$0x7F0]  }
0x123: {  	[sflag:s21] =	ssyncset.done $0x0  }
0x124: {  	[sflag:s21] =	ssyncadd.s32 $0xFFFFD800  }
0x125: {  	[spmem:s3] =	stream.indirect.scatter.add.f32 [tilespmem:s16], [sflag:$0x3], $0x50, s15, s19, $0xb8;
	[tilespmem:$0x1F8D0] =	vst v63  }
0x126: {  	_ =	swait.ge [sflag:s22], $0x2800  }
0x127: {  	s25 =	sld [smem:$0x7F1]  }
0x128: {  	[sflag:s22] =	ssyncset.done $0x0  }
0x129: {  	[sflag:s22] =	ssyncadd.s32 $0xFFFFD800  }
0x12a: {  	[tilespmem:s16], [sflag:$0x1] =	stream.indirect.gather [spmem:s2], $0x50, s25, s19, $0xb8;
	[tilespmem:$0x1F8D0] =	vst v63  }
0x12b: {  	_ =	swait.ge [sflag:s23], $0x2800  }
0x12c: {  	s14 =	sld [smem:$0x7F3]  }
0x12d: {  	[sflag:s23] =	ssyncset.done $0x0  }
0x12e: {  	[sflag:s23] =	ssyncadd.s32 $0xFFFFD800  }
0x12f: {  	[spmem:s3] =	stream.indirect.scatter.add.f32 [tilespmem:s20], [sflag:$0x4], $0x50, s14, s19, $0xb8;
	[tilespmem:$0x1F8D0] =	vst v63  }
0x130: {  	_ =	swait.ge [sflag:s24], $0x2800  }
0x131: {  	s15 =	sld [smem:$0x7F5]  }
0x132: {  	[sflag:s24] =	ssyncset.done $0x0  }
0x133: {  	[sflag:s24] =	ssyncadd.s32 $0xFFFFD800  }
0x134: {  	[tilespmem:s20], [sflag:$0x2] =	stream.indirect.gather [spmem:s2], $0x50, s15, s19, $0xb8;
	[tilespmem:$0x1F8D0] =	vst v63  }
0x135: {  	_ =	swait.ge [sflag:s21], $0x2800  }
0x136: {  	s25 =	sld [smem:$0x7F6]  }
0x137: {  	[sflag:s21] =	ssyncset.done $0x0  }
0x138: {  	[sflag:s21] =	ssyncadd.s32 $0xFFFFD800  }
0x139: {  	[spmem:s3] =	stream.indirect.scatter.add.f32 [tilespmem:s16], [sflag:$0x3], $0x50, s25, s19, $0xb8;
	[tilespmem:$0x1F8D0] =	vst v63  }
0x13a: {  	_ =	swait.ge [sflag:s22], $0x2800  }
0x13b: {  	s14 =	sld [smem:$0x7F7]  }
0x13c: {  	[sflag:s22] =	ssyncset.done $0x0  }
0x13d: {  	[sflag:s22] =	ssyncadd.s32 $0xFFFFD800  }
0x13e: {  	[tilespmem:s16], [sflag:$0x1] =	stream.indirect.gather [spmem:s2], $0x50, s14, s19, $0xb8;
	[tilespmem:$0x1F8D0] =	vst v63  }
0x13f: {  	_ =	swait.ge [sflag:s23], $0x2800  }
0x140: {  	s15 =	sld [smem:$0x7F8]  }
0x141: {  	[sflag:s23] =	ssyncset.done $0x0  }
0x142: {  	[sflag:s23] =	ssyncadd.s32 $0xFFFFD800  }
0x143: {  	[spmem:s3] =	stream.indirect.scatter.add.f32 [tilespmem:s20], [sflag:$0x4], $0x50, s15, s19, $0xb8;
	[tilespmem:$0x1F8D0] =	vst v63  }
0x144: {  	_ =	swait.ge [sflag:s24], $0x2800  }
0x145: {  	s25 =	sld [smem:$0x7F9]  }
0x146: {  	[sflag:s24] =	ssyncset.done $0x0  }
0x147: {  	[sflag:s24] =	ssyncadd.s32 $0xFFFFD800  }
0x148: {  	[tilespmem:s20], [sflag:$0x2] =	stream.indirect.gather [spmem:s2], $0x50, s25, s19, $0xb8;
	[tilespmem:$0x1F8D0] =	vst v63  }
0x149: {  	_ =	swait.ge [sflag:s21], $0x2800  }
0x14a: {  	s14 =	sld [smem:$0x7FA]  }
0x14b: {  	[sflag:s21] =	ssyncset.done $0x0  }
0x14c: {  	[sflag:s21] =	ssyncadd.s32 $0xFFFFD800  }
0x14d: {  	[spmem:s3] =	stream.indirect.scatter.add.f32 [tilespmem:s16], [sflag:$0x3], $0x50, s14, s19, $0xb8;
	[tilespmem:$0x1F8D0] =	vst v63  }
0x14e: {  	_ =	swait.ge [sflag:s22], $0x2800  }
0x14f: {  	s15 =	sld [smem:$0x7FB]  }
0x150: {  	[sflag:s22] =	ssyncset.done $0x0  }
0x151: {  	[sflag:s22] =	ssyncadd.s32 $0xFFFFD800  }
0x152: {  	[tilespmem:s16], [sflag:$0x1] =	stream.indirect.gather [spmem:s2], $0x50, s15, s19, $0xb8;
	[tilespmem:$0x1F8D0] =	vst v63  }
0x153: {  	_ =	swait.ge [sflag:s23], $0x2800  }
0x154: {  	s25 =	sld [smem:$0x7FC]  }
0x155: {  	[sflag:s23] =	ssyncset.done $0x0  }
0x156: {  	[sflag:s23] =	ssyncadd.s32 $0xFFFFD800  }
0x157: {  	[spmem:s3] =	stream.indirect.scatter.add.f32 [tilespmem:s20], [sflag:$0x4], $0x50, s25, s19, $0xb8;
	[tilespmem:$0x1F8D0] =	vst v63  }
0x158: {  	_ =	swait.ge [sflag:s24], $0x2800  }
0x159: {  	[sflag:s24] =	ssyncset.done $0x0  }
0x15a: {  	s26 =	simm.s32 $0xC80;
	[sflag:s24] =	ssyncadd.s32 $0xFFFFD800  }
0x15b: {  	[tilespmem:s20], [sflag:$0x2] =	stream.indirect.gather [spmem:s2], $0x50, s26, s19, $0xb8;
	[tilespmem:$0x1F8D0] =	vst v63  }
0x15c: {  	_ =	swait.ge [sflag:s21], $0x2800  }
0x15d: {  	[sflag:s21] =	ssyncset.done $0x0  }
0x15e: {  	s28 =	simm.s32 $0x1C00;
	[sflag:s21] =	ssyncadd.s32 $0xFFFFD800  }
0x15f: {  	[spmem:s3] =	stream.indirect.scatter.add.f32 [tilespmem:s16], [sflag:$0x3], $0x50, s28, s19, $0xb8;
	[tilespmem:$0x1F8D0] =	vst v63  }
0x160: {  	_ =	swait.ge [sflag:s22], $0x2800  }
0x161: {  	[sflag:s22] =	ssyncset.done $0x0  }
0x162: {  	s29 =	simm.s32 $0xD00;
	[sflag:s22] =	ssyncadd.s32 $0xFFFFD800  }
0x163: {  	[tilespmem:s16], [sflag:$0x1] =	stream.indirect.gather [spmem:s2], $0x50, s29, s19, $0xb8;
	[tilespmem:$0x1F8D0] =	vst v63  }
0x164: {  	_ =	swait.ge [sflag:s23], $0x2800  }
0x165: {  	[sflag:s23] =	ssyncset.done $0x0  }
0x166: {  	[sflag:s23] =	ssyncadd.s32 $0xFFFFD800  }
0x167: {  	[spmem:s3] =	stream.indirect.scatter.add.f32 [tilespmem:s20], [sflag:$0x4], $0x50, s30, s19, $0xb8;
	[tilespmem:$0x1F8D0] =	vst v63  }
0x168: {  	_ =	swait.ge [sflag:s24], $0x2800  }
0x169: {  	[sflag:s24] =	ssyncset.done $0x0  }
0x16a: {  	[sflag:s24] =	ssyncadd.s32 $0xFFFFD800  }
0x16b: {  	[tilespmem:s20], [sflag:$0x2] =	stream.indirect.gather [spmem:s2], $0x50, s31, s19, $0xb8;
	[tilespmem:$0x1F8D0] =	vst v63  }
0x16c: {  	_ =	swait.ge [sflag:s21], $0x2800  }
0x16d: {  	[sflag:s21] =	ssyncset.done $0x0  }
0x16e: {  	[sflag:s21] =	ssyncadd.s32 $0xFFFFD800  }
0x16f: {  	[spmem:s3] =	stream.indirect.scatter.add.f32 [tilespmem:s16], [sflag:$0x3], $0x50, s0, s19, $0xb8;
	[tilespmem:$0x1F8D0] =	vst v63  }
0x170: {  	_ =	swait.ge [sflag:s22], $0x2800  }
0x171: {  	[sflag:s22] =	ssyncset.done $0x0  }
0x172: {  	[sflag:s22] =	ssyncadd.s32 $0xFFFFD800  }
0x173: {  	[tilespmem:s16], [sflag:$0x1] =	stream.indirect.gather [spmem:s2], $0x50, s1, s19, $0xb8;
	[tilespmem:$0x1F8D0] =	vst v63  }
0x174: {  	_ =	swait.ge [sflag:s23], $0x2800  }
0x175: {  	[sflag:s23] =	ssyncset.done $0x0  }
0x176: {  	[sflag:s23] =	ssyncadd.s32 $0xFFFFD800  }
0x177: {  	[spmem:s3] =	stream.indirect.scatter.add.f32 [tilespmem:s20], [sflag:$0x4], $0x50, s5, s19, $0xb8;
	[tilespmem:$0x1F8D0] =	vst v63  }
0x178: {  	_ =	swait.ge [sflag:s24], $0x2800  }
0x179: {  	[sflag:s24] =	ssyncset.done $0x0  }
0x17a: {  	[sflag:s24] =	ssyncadd.s32 $0xFFFFD800  }
0x17b: {  	[tilespmem:s20], [sflag:$0x2] =	stream.indirect.gather [spmem:s2], $0x50, s6, s19, $0xb8;
	[tilespmem:$0x1F8D0] =	vst v63  }
0x17c: {  	_ =	swait.ge [sflag:s21], $0x2800  }
0x17d: {  	[sflag:s21] =	ssyncset.done $0x0  }
0x17e: {  	[sflag:s21] =	ssyncadd.s32 $0xFFFFD800  }
0x17f: {  	[spmem:s3] =	stream.indirect.scatter.add.f32 [tilespmem:s16], [sflag:$0x3], $0x50, s8, s19, $0xb8;
	[tilespmem:$0x1F8D0] =	vst v63  }
0x180: {  	_ =	swait.ge [sflag:s22], $0x2800  }
0x181: {  	[sflag:s22] =	ssyncset.done $0x0  }
0x182: {  	[sflag:s22] =	ssyncadd.s32 $0xFFFFD800  }
0x183: {  	[tilespmem:s16], [sflag:$0x1] =	stream.indirect.gather [spmem:s2], $0x50, s9, s19, $0xb8;
	[tilespmem:$0x1F8D0] =	vst v63  }
0x184: {  	_ =	swait.ge [sflag:s23], $0x2800  }
0x185: {  	[sflag:s23] =	ssyncset.done $0x0  }
0x186: {  	[sflag:s23] =	ssyncadd.s32 $0xFFFFD800  }
0x187: {  	[spmem:s3] =	stream.indirect.scatter.add.f32 [tilespmem:s20], [sflag:$0x4], $0x50, s10, s19, $0xb8;
	[tilespmem:$0x1F8D0] =	vst v63  }
0x188: {  	_ =	swait.ge [sflag:s24], $0x2800  }
0x189: {  	[sflag:s24] =	ssyncset.done $0x0  }
0x18a: {  	[sflag:s24] =	ssyncadd.s32 $0xFFFFD800  }
0x18b: {  	[tilespmem:s20], [sflag:$0x2] =	stream.indirect.gather [spmem:s2], $0x50, s11, s19, $0xb8;
	[tilespmem:$0x1F8D0] =	vst v63  }
0x18c: {  	_ =	swait.ge [sflag:s21], $0x2800  }
0x18d: {  	[sflag:s21] =	ssyncset.done $0x0  }
0x18e: {  	[sflag:s21] =	ssyncadd.s32 $0xFFFFD800  }
0x18f: {  	[spmem:s3] =	stream.indirect.scatter.add.f32 [tilespmem:s16], [sflag:$0x3], $0x50, s12, s19, $0xb8;
	[tilespmem:$0x1F8D0] =	vst v63  }
0x190: {  	_ =	swait.ge [sflag:s22], $0x2800  }
0x191: {  	[sflag:s22] =	ssyncset.done $0x0  }
0x192: {  	[sflag:s22] =	ssyncadd.s32 $0xFFFFD800  }
0x193: {  	_ =	swait.ge [sflag:s23], $0x2800  }
0x194: {  	[sflag:s23] =	ssyncset.done $0x0  }
0x195: {  	[sflag:s23] =	ssyncadd.s32 $0xFFFFD800  }
0x196: {  	[spmem:s3] =	stream.indirect.scatter.add.f32 [tilespmem:s20], [sflag:$0x4], $0x50, s13, s19, $0xb8;
	[tilespmem:$0x1F8D0] =	vst v63  }
0x197: {  	s15 =	simm.s32 $0x200;
	_ =	swait.ge [sflag:s24], $0x2800  }
0x198: {  	s25 =	simm.s32 $0x400;
	s7 =	rddreg [dreg:$0x7];
	[sflag:s24] =	ssyncset.done $0x0  }
.LBB2_4:
0x199: {  	[sflag:s24] =	ssyncadd.s32 $0xFFFFD800;
	s7 =	sadd.s32 s15, s7  }
0x19a: {  	[tilespmem:s4], [sflag:$0x6] =	stream.linear.gather [hbm4b:s7+s4], $0x1000, $0x38;
	[tilespmem:$0x1F8D0] =	vst v63  }
0x19b: {  	_ =	swait.ge [sflag:s17], $0x1000  }
0x19c: {  	s7 =	rddreg [dreg:$0x6];
	[sflag:s17] =	ssyncset.done $0x0  }
0x19d: {  	[sflag:s17] =	ssyncadd.s32 $0xFFFFF000;
	s7 =	sadd.s32 s15, s7  }
0x19e: {  	[tilespmem:s18], [sflag:$0x6] =	stream.linear.gather [hbm4b:s7+s4], $0x1000, $0x38;
	[tilespmem:$0x1F8D0] =	vst v63  }
0x19f: {  	_ =	swait.ge [sflag:s17], $0x1000  }
0x1a0: {  	[sflag:s17] =	ssyncset.done $0x0  }
0x1a1: {  	[sflag:s17] =	ssyncadd.s32 $0xFFFFF000  }
0x1a2: {  	[tilespmem:s16], [sflag:$0x1] =	stream.indirect.gather [spmem:s2], $0x50, s4, s19, $0xb8;
	[tilespmem:$0x1F8D0] =	vst v63  }
0x1a3: {  	_ = 	snop  }
0x1a4: {  	[tilespmem:s20], [sflag:$0x2] =	stream.indirect.gather [spmem:s2], $0x50, s19, s19, $0xb8;
	[tilespmem:$0x1F8D0] =	vst v63  }
0x1a5: {  	_ =	swait.ge [sflag:s21], $0x2800  }
0x1a6: {  	[sflag:s21] =	ssyncset.done $0x0  }
0x1a7: {  	[sflag:s21] =	ssyncadd.s32 $0xFFFFD800  }
0x1a8: {  	[spmem:s3] =	stream.indirect.scatter.add.f32 [tilespmem:s16], [sflag:$0x3], $0x50, s18, s19, $0xb8;
	[tilespmem:$0x1F8D0] =	vst v63  }
0x1a9: {  	_ =	swait.ge [sflag:s22], $0x2800  }
0x1aa: {  	s14 =	smov.u32 s25;
	[sflag:s22] =	ssyncset.done $0x0  }
0x1ab: {  	s15 =	smov.u32 s14;
	s14 =	rddreg [dreg:$0x8];
	[sflag:s22] =	ssyncadd.s32 $0xFFFFD800  }
0x1ac: {  	[tilespmem:s16], [sflag:$0x1] =	stream.indirect.gather [spmem:s2], $0x50, s14, s19, $0xb8;
	[tilespmem:$0x1F8D0] =	vst v63  }
0x1ad: {  	_ =	swait.ge [sflag:s23], $0x2800  }
0x1ae: {  	[sflag:s23] =	ssyncset.done $0x0  }
0x1af: {  	s14 =	rddreg [dreg:$0x9];
	[sflag:s23] =	ssyncadd.s32 $0xFFFFD800  }
0x1b0: {  	[spmem:s3] =	stream.indirect.scatter.add.f32 [tilespmem:s20], [sflag:$0x4], $0x50, s14, s19, $0xb8;
	[tilespmem:$0x1F8D0] =	vst v63  }
0x1b1: {  	_ =	swait.ge [sflag:s24], $0x2800  }
0x1b2: {  	[sflag:s24] =	ssyncset.done $0x0  }
0x1b3: {  	s14 =	rddreg [dreg:$0xa];
	[sflag:s24] =	ssyncadd.s32 $0xFFFFD800  }
0x1b4: {  	[tilespmem:s20], [sflag:$0x2] =	stream.indirect.gather [spmem:s2], $0x50, s14, s19, $0xb8;
	[tilespmem:$0x1F8D0] =	vst v63  }
0x1b5: {  	_ =	swait.ge [sflag:s21], $0x2800  }
0x1b6: {  	[sflag:s21] =	ssyncset.done $0x0  }
0x1b7: {  	s14 =	rddreg [dreg:$0xb];
	[sflag:s21] =	ssyncadd.s32 $0xFFFFD800  }
0x1b8: {  	[spmem:s3] =	stream.indirect.scatter.add.f32 [tilespmem:s16], [sflag:$0x3], $0x50, s14, s19, $0xb8;
	[tilespmem:$0x1F8D0] =	vst v63  }
0x1b9: {  	_ =	swait.ge [sflag:s22], $0x2800  }
0x1ba: {  	[sflag:s22] =	ssyncset.done $0x0  }
0x1bb: {  	s14 =	rddreg [dreg:$0xc];
	[sflag:s22] =	ssyncadd.s32 $0xFFFFD800  }
0x1bc: {  	[tilespmem:s16], [sflag:$0x1] =	stream.indirect.gather [spmem:s2], $0x50, s14, s19, $0xb8;
	[tilespmem:$0x1F8D0] =	vst v63  }
0x1bd: {  	_ =	swait.ge [sflag:s23], $0x2800  }
0x1be: {  	[sflag:s23] =	ssyncset.done $0x0  }
0x1bf: {  	s14 =	rddreg [dreg:$0xd];
	[sflag:s23] =	ssyncadd.s32 $0xFFFFD800  }
0x1c0: {  	[spmem:s3] =	stream.indirect.scatter.add.f32 [tilespmem:s20], [sflag:$0x4], $0x50, s14, s19, $0xb8;
	[tilespmem:$0x1F8D0] =	vst v63  }
0x1c1: {  	_ =	swait.ge [sflag:s24], $0x2800  }
0x1c2: {  	[sflag:s24] =	ssyncset.done $0x0  }
0x1c3: {  	s14 =	rddreg [dreg:$0xe];
	[sflag:s24] =	ssyncadd.s32 $0xFFFFD800  }
0x1c4: {  	[tilespmem:s20], [sflag:$0x2] =	stream.indirect.gather [spmem:s2], $0x50, s14, s19, $0xb8;
	[tilespmem:$0x1F8D0] =	vst v63  }
0x1c5: {  	_ =	swait.ge [sflag:s21], $0x2800  }
0x1c6: {  	[sflag:s21] =	ssyncset.done $0x0  }
0x1c7: {  	s14 =	rddreg [dreg:$0xf];
	[sflag:s21] =	ssyncadd.s32 $0xFFFFD800  }
0x1c8: {  	[spmem:s3] =	stream.indirect.scatter.add.f32 [tilespmem:s16], [sflag:$0x3], $0x50, s14, s19, $0xb8;
	[tilespmem:$0x1F8D0] =	vst v63  }
0x1c9: {  	_ =	swait.ge [sflag:s22], $0x2800  }
0x1ca: {  	[sflag:s22] =	ssyncset.done $0x0  }
0x1cb: {  	s14 =	rddreg [dreg:$0x10];
	[sflag:s22] =	ssyncadd.s32 $0xFFFFD800  }
0x1cc: {  	[tilespmem:s16], [sflag:$0x1] =	stream.indirect.gather [spmem:s2], $0x50, s14, s19, $0xb8;
	[tilespmem:$0x1F8D0] =	vst v63  }
0x1cd: {  	_ =	swait.ge [sflag:s23], $0x2800  }
0x1ce: {  	[sflag:s23] =	ssyncset.done $0x0  }
0x1cf: {  	s14 =	rddreg [dreg:$0x11];
	[sflag:s23] =	ssyncadd.s32 $0xFFFFD800  }
0x1d0: {  	[spmem:s3] =	stream.indirect.scatter.add.f32 [tilespmem:s20], [sflag:$0x4], $0x50, s14, s19, $0xb8;
	[tilespmem:$0x1F8D0] =	vst v63  }
0x1d1: {  	_ =	swait.ge [sflag:s24], $0x2800  }
0x1d2: {  	[sflag:s24] =	ssyncset.done $0x0  }
0x1d3: {  	s14 =	rddreg [dreg:$0x12];
	[sflag:s24] =	ssyncadd.s32 $0xFFFFD800  }
0x1d4: {  	[tilespmem:s20], [sflag:$0x2] =	stream.indirect.gather [spmem:s2], $0x50, s14, s19, $0xb8;
	[tilespmem:$0x1F8D0] =	vst v63  }
0x1d5: {  	_ =	swait.ge [sflag:s21], $0x2800  }
0x1d6: {  	[sflag:s21] =	ssyncset.done $0x0  }
0x1d7: {  	s14 =	rddreg [dreg:$0x13];
	[sflag:s21] =	ssyncadd.s32 $0xFFFFD800  }
0x1d8: {  	[spmem:s3] =	stream.indirect.scatter.add.f32 [tilespmem:s16], [sflag:$0x3], $0x50, s14, s19, $0xb8;
	[tilespmem:$0x1F8D0] =	vst v63  }
0x1d9: {  	_ =	swait.ge [sflag:s22], $0x2800  }
0x1da: {  	[sflag:s22] =	ssyncset.done $0x0  }
0x1db: {  	s14 =	rddreg [dreg:$0x14];
	[sflag:s22] =	ssyncadd.s32 $0xFFFFD800  }
0x1dc: {  	[tilespmem:s16], [sflag:$0x1] =	stream.indirect.gather [spmem:s2], $0x50, s14, s19, $0xb8;
	[tilespmem:$0x1F8D0] =	vst v63  }
0x1dd: {  	_ =	swait.ge [sflag:s23], $0x2800  }
0x1de: {  	[sflag:s23] =	ssyncset.done $0x0  }
0x1df: {  	s14 =	rddreg [dreg:$0x15];
	[sflag:s23] =	ssyncadd.s32 $0xFFFFD800  }
0x1e0: {  	[spmem:s3] =	stream.indirect.scatter.add.f32 [tilespmem:s20], [sflag:$0x4], $0x50, s14, s19, $0xb8;
	[tilespmem:$0x1F8D0] =	vst v63  }
0x1e1: {  	_ =	swait.ge [sflag:s24], $0x2800  }
0x1e2: {  	[sflag:s24] =	ssyncset.done $0x0  }
0x1e3: {  	s14 =	rddreg [dreg:$0x16];
	[sflag:s24] =	ssyncadd.s32 $0xFFFFD800  }
0x1e4: {  	[tilespmem:s20], [sflag:$0x2] =	stream.indirect.gather [spmem:s2], $0x50, s14, s19, $0xb8;
	[tilespmem:$0x1F8D0] =	vst v63  }
0x1e5: {  	_ =	swait.ge [sflag:s21], $0x2800  }
0x1e6: {  	[sflag:s21] =	ssyncset.done $0x0  }
0x1e7: {  	s14 =	rddreg [dreg:$0x17];
	[sflag:s21] =	ssyncadd.s32 $0xFFFFD800  }
0x1e8: {  	[spmem:s3] =	stream.indirect.scatter.add.f32 [tilespmem:s16], [sflag:$0x3], $0x50, s14, s19, $0xb8;
	[tilespmem:$0x1F8D0] =	vst v63  }
0x1e9: {  	_ =	swait.ge [sflag:s22], $0x2800  }
0x1ea: {  	[sflag:s22] =	ssyncset.done $0x0  }
0x1eb: {  	s14 =	rddreg [dreg:$0x18];
	[sflag:s22] =	ssyncadd.s32 $0xFFFFD800  }
0x1ec: {  	[tilespmem:s16], [sflag:$0x1] =	stream.indirect.gather [spmem:s2], $0x50, s14, s19, $0xb8;
	[tilespmem:$0x1F8D0] =	vst v63  }
0x1ed: {  	_ =	swait.ge [sflag:s23], $0x2800  }
0x1ee: {  	[sflag:s23] =	ssyncset.done $0x0  }
0x1ef: {  	s14 =	rddreg [dreg:$0x19];
	[sflag:s23] =	ssyncadd.s32 $0xFFFFD800  }
0x1f0: {  	[spmem:s3] =	stream.indirect.scatter.add.f32 [tilespmem:s20], [sflag:$0x4], $0x50, s14, s19, $0xb8;
	[tilespmem:$0x1F8D0] =	vst v63  }
0x1f1: {  	_ =	swait.ge [sflag:s24], $0x2800  }
0x1f2: {  	[sflag:s24] =	ssyncset.done $0x0  }
0x1f3: {  	s14 =	rddreg [dreg:$0x1a];
	[sflag:s24] =	ssyncadd.s32 $0xFFFFD800  }
0x1f4: {  	[tilespmem:s20], [sflag:$0x2] =	stream.indirect.gather [spmem:s2], $0x50, s14, s19, $0xb8;
	[tilespmem:$0x1F8D0] =	vst v63  }
0x1f5: {  	_ =	swait.ge [sflag:s21], $0x2800  }
0x1f6: {  	[sflag:s21] =	ssyncset.done $0x0  }
0x1f7: {  	s14 =	rddreg [dreg:$0x1b];
	[sflag:s21] =	ssyncadd.s32 $0xFFFFD800  }
0x1f8: {  	[spmem:s3] =	stream.indirect.scatter.add.f32 [tilespmem:s16], [sflag:$0x3], $0x50, s14, s19, $0xb8;
	[tilespmem:$0x1F8D0] =	vst v63  }
0x1f9: {  	_ =	swait.ge [sflag:s22], $0x2800  }
0x1fa: {  	[sflag:s22] =	ssyncset.done $0x0  }
0x1fb: {  	s14 =	rddreg [dreg:$0x1c];
	[sflag:s22] =	ssyncadd.s32 $0xFFFFD800  }
0x1fc: {  	[tilespmem:s16], [sflag:$0x1] =	stream.indirect.gather [spmem:s2], $0x50, s14, s19, $0xb8;
	[tilespmem:$0x1F8D0] =	vst v63  }
0x1fd: {  	_ =	swait.ge [sflag:s23], $0x2800  }
0x1fe: {  	[sflag:s23] =	ssyncset.done $0x0  }
0x1ff: {  	s14 =	rddreg [dreg:$0x1d];
	[sflag:s23] =	ssyncadd.s32 $0xFFFFD800  }
0x200: {  	[spmem:s3] =	stream.indirect.scatter.add.f32 [tilespmem:s20], [sflag:$0x4], $0x50, s14, s19, $0xb8;
	[tilespmem:$0x1F8D0] =	vst v63  }
0x201: {  	_ =	swait.ge [sflag:s24], $0x2800  }
0x202: {  	[sflag:s24] =	ssyncset.done $0x0  }
0x203: {  	s14 =	rddreg [dreg:$0x1e];
	[sflag:s24] =	ssyncadd.s32 $0xFFFFD800  }
0x204: {  	[tilespmem:s20], [sflag:$0x2] =	stream.indirect.gather [spmem:s2], $0x50, s14, s19, $0xb8;
	[tilespmem:$0x1F8D0] =	vst v63  }
0x205: {  	_ =	swait.ge [sflag:s21], $0x2800  }
0x206: {  	[sflag:s21] =	ssyncset.done $0x0  }
0x207: {  	s14 =	rddreg [dreg:$0x1f];
	[sflag:s21] =	ssyncadd.s32 $0xFFFFD800  }
0x208: {  	[spmem:s3] =	stream.indirect.scatter.add.f32 [tilespmem:s16], [sflag:$0x3], $0x50, s14, s19, $0xb8;
	[tilespmem:$0x1F8D0] =	vst v63  }
0x209: {  	_ =	swait.ge [sflag:s22], $0x2800  }
0x20a: {  	s14 =	sld [smem:$0x7DE]  }
0x20b: {  	[sflag:s22] =	ssyncset.done $0x0  }
0x20c: {  	[sflag:s22] =	ssyncadd.s32 $0xFFFFD800  }
0x20d: {  	[tilespmem:s16], [sflag:$0x1] =	stream.indirect.gather [spmem:s2], $0x50, s14, s19, $0xb8;
	[tilespmem:$0x1F8D0] =	vst v63  }
0x20e: {  	_ =	swait.ge [sflag:s23], $0x2800  }
0x20f: {  	s14 =	sld [smem:$0x7DF]  }
0x210: {  	[sflag:s23] =	ssyncset.done $0x0  }
0x211: {  	[sflag:s23] =	ssyncadd.s32 $0xFFFFD800  }
0x212: {  	[spmem:s3] =	stream.indirect.scatter.add.f32 [tilespmem:s20], [sflag:$0x4], $0x50, s14, s19, $0xb8;
	[tilespmem:$0x1F8D0] =	vst v63  }
0x213: {  	_ =	swait.ge [sflag:s24], $0x2800  }
0x214: {  	s14 =	sld [smem:$0x7E0]  }
0x215: {  	[sflag:s24] =	ssyncset.done $0x0  }
0x216: {  	[sflag:s24] =	ssyncadd.s32 $0xFFFFD800  }
0x217: {  	[tilespmem:s20], [sflag:$0x2] =	stream.indirect.gather [spmem:s2], $0x50, s14, s19, $0xb8;
	[tilespmem:$0x1F8D0] =	vst v63  }
0x218: {  	_ =	swait.ge [sflag:s21], $0x2800  }
0x219: {  	s14 =	sld [smem:$0x7E1]  }
0x21a: {  	[sflag:s21] =	ssyncset.done $0x0  }
0x21b: {  	[sflag:s21] =	ssyncadd.s32 $0xFFFFD800  }
0x21c: {  	[spmem:s3] =	stream.indirect.scatter.add.f32 [tilespmem:s16], [sflag:$0x3], $0x50, s14, s19, $0xb8;
	[tilespmem:$0x1F8D0] =	vst v63  }
0x21d: {  	_ =	swait.ge [sflag:s22], $0x2800  }
0x21e: {  	s14 =	sld [smem:$0x7E2]  }
0x21f: {  	[sflag:s22] =	ssyncset.done $0x0  }
0x220: {  	[sflag:s22] =	ssyncadd.s32 $0xFFFFD800  }
0x221: {  	[tilespmem:s16], [sflag:$0x1] =	stream.indirect.gather [spmem:s2], $0x50, s14, s19, $0xb8;
	[tilespmem:$0x1F8D0] =	vst v63  }
0x222: {  	_ =	swait.ge [sflag:s23], $0x2800  }
0x223: {  	s14 =	sld [smem:$0x7E4]  }
0x224: {  	[sflag:s23] =	ssyncset.done $0x0  }
0x225: {  	[sflag:s23] =	ssyncadd.s32 $0xFFFFD800  }
0x226: {  	[spmem:s3] =	stream.indirect.scatter.add.f32 [tilespmem:s20], [sflag:$0x4], $0x50, s14, s19, $0xb8;
	[tilespmem:$0x1F8D0] =	vst v63  }
0x227: {  	_ =	swait.ge [sflag:s24], $0x2800  }
0x228: {  	s14 =	sld [smem:$0x7E6]  }
0x229: {  	[sflag:s24] =	ssyncset.done $0x0  }
0x22a: {  	[sflag:s24] =	ssyncadd.s32 $0xFFFFD800  }
0x22b: {  	[tilespmem:s20], [sflag:$0x2] =	stream.indirect.gather [spmem:s2], $0x50, s14, s19, $0xb8;
	[tilespmem:$0x1F8D0] =	vst v63  }
0x22c: {  	_ =	swait.ge [sflag:s21], $0x2800  }
0x22d: {  	s14 =	sld [smem:$0x7E7]  }
0x22e: {  	[sflag:s21] =	ssyncset.done $0x0  }
0x22f: {  	[sflag:s21] =	ssyncadd.s32 $0xFFFFD800  }
0x230: {  	[spmem:s3] =	stream.indirect.scatter.add.f32 [tilespmem:s16], [sflag:$0x3], $0x50, s14, s19, $0xb8;
	[tilespmem:$0x1F8D0] =	vst v63  }
0x231: {  	_ =	swait.ge [sflag:s22], $0x2800  }
0x232: {  	s14 =	sld [smem:$0x7E9]  }
0x233: {  	[sflag:s22] =	ssyncset.done $0x0  }
0x234: {  	[sflag:s22] =	ssyncadd.s32 $0xFFFFD800  }
0x235: {  	[tilespmem:s16], [sflag:$0x1] =	stream.indirect.gather [spmem:s2], $0x50, s14, s19, $0xb8;
	[tilespmem:$0x1F8D0] =	vst v63  }
0x236: {  	_ =	swait.ge [sflag:s23], $0x2800  }
0x237: {  	s14 =	sld [smem:$0x7EB]  }
0x238: {  	[sflag:s23] =	ssyncset.done $0x0  }
0x239: {  	[sflag:s23] =	ssyncadd.s32 $0xFFFFD800  }
0x23a: {  	[spmem:s3] =	stream.indirect.scatter.add.f32 [tilespmem:s20], [sflag:$0x4], $0x50, s14, s19, $0xb8;
	[tilespmem:$0x1F8D0] =	vst v63  }
0x23b: {  	_ =	swait.ge [sflag:s24], $0x2800  }
0x23c: {  	s14 =	sld [smem:$0x7ED]  }
0x23d: {  	[sflag:s24] =	ssyncset.done $0x0  }
0x23e: {  	[sflag:s24] =	ssyncadd.s32 $0xFFFFD800  }
0x23f: {  	[tilespmem:s20], [sflag:$0x2] =	stream.indirect.gather [spmem:s2], $0x50, s14, s19, $0xb8;
	[tilespmem:$0x1F8D0] =	vst v63  }
0x240: {  	_ =	swait.ge [sflag:s21], $0x2800  }
0x241: {  	s14 =	sld [smem:$0x7F0]  }
0x242: {  	[sflag:s21] =	ssyncset.done $0x0  }
0x243: {  	[sflag:s21] =	ssyncadd.s32 $0xFFFFD800  }
0x244: {  	[spmem:s3] =	stream.indirect.scatter.add.f32 [tilespmem:s16], [sflag:$0x3], $0x50, s14, s19, $0xb8;
	[tilespmem:$0x1F8D0] =	vst v63  }
0x245: {  	_ =	swait.ge [sflag:s22], $0x2800  }
0x246: {  	s14 =	sld [smem:$0x7F1]  }
0x247: {  	[sflag:s22] =	ssyncset.done $0x0  }
0x248: {  	[sflag:s22] =	ssyncadd.s32 $0xFFFFD800  }
0x249: {  	[tilespmem:s16], [sflag:$0x1] =	stream.indirect.gather [spmem:s2], $0x50, s14, s19, $0xb8;
	[tilespmem:$0x1F8D0] =	vst v63  }
0x24a: {  	_ =	swait.ge [sflag:s23], $0x2800  }
0x24b: {  	s14 =	sld [smem:$0x7F3]  }
0x24c: {  	[sflag:s23] =	ssyncset.done $0x0  }
0x24d: {  	[sflag:s23] =	ssyncadd.s32 $0xFFFFD800  }
0x24e: {  	[spmem:s3] =	stream.indirect.scatter.add.f32 [tilespmem:s20], [sflag:$0x4], $0x50, s14, s19, $0xb8;
	[tilespmem:$0x1F8D0] =	vst v63  }
0x24f: {  	_ =	swait.ge [sflag:s24], $0x2800  }
0x250: {  	s14 =	sld [smem:$0x7F5]  }
0x251: {  	[sflag:s24] =	ssyncset.done $0x0  }
0x252: {  	[sflag:s24] =	ssyncadd.s32 $0xFFFFD800  }
0x253: {  	[tilespmem:s20], [sflag:$0x2] =	stream.indirect.gather [spmem:s2], $0x50, s14, s19, $0xb8;
	[tilespmem:$0x1F8D0] =	vst v63  }
0x254: {  	_ =	swait.ge [sflag:s21], $0x2800  }
0x255: {  	s14 =	sld [smem:$0x7F6]  }
0x256: {  	[sflag:s21] =	ssyncset.done $0x0  }
0x257: {  	[sflag:s21] =	ssyncadd.s32 $0xFFFFD800  }
0x258: {  	[spmem:s3] =	stream.indirect.scatter.add.f32 [tilespmem:s16], [sflag:$0x3], $0x50, s14, s19, $0xb8;
	[tilespmem:$0x1F8D0] =	vst v63  }
0x259: {  	_ =	swait.ge [sflag:s22], $0x2800  }
0x25a: {  	s14 =	sld [smem:$0x7F7]  }
0x25b: {  	[sflag:s22] =	ssyncset.done $0x0  }
0x25c: {  	[sflag:s22] =	ssyncadd.s32 $0xFFFFD800  }
0x25d: {  	[tilespmem:s16], [sflag:$0x1] =	stream.indirect.gather [spmem:s2], $0x50, s14, s19, $0xb8;
	[tilespmem:$0x1F8D0] =	vst v63  }
0x25e: {  	_ =	swait.ge [sflag:s23], $0x2800  }
0x25f: {  	s14 =	sld [smem:$0x7F8]  }
0x260: {  	[sflag:s23] =	ssyncset.done $0x0  }
0x261: {  	[sflag:s23] =	ssyncadd.s32 $0xFFFFD800  }
0x262: {  	[spmem:s3] =	stream.indirect.scatter.add.f32 [tilespmem:s20], [sflag:$0x4], $0x50, s14, s19, $0xb8;
	[tilespmem:$0x1F8D0] =	vst v63  }
0x263: {  	_ =	swait.ge [sflag:s24], $0x2800  }
0x264: {  	s14 =	sld [smem:$0x7F9]  }
0x265: {  	[sflag:s24] =	ssyncset.done $0x0  }
0x266: {  	[sflag:s24] =	ssyncadd.s32 $0xFFFFD800  }
0x267: {  	[tilespmem:s20], [sflag:$0x2] =	stream.indirect.gather [spmem:s2], $0x50, s14, s19, $0xb8;
	[tilespmem:$0x1F8D0] =	vst v63  }
0x268: {  	_ =	swait.ge [sflag:s21], $0x2800  }
0x269: {  	s14 =	sld [smem:$0x7FA]  }
0x26a: {  	[sflag:s21] =	ssyncset.done $0x0  }
0x26b: {  	[sflag:s21] =	ssyncadd.s32 $0xFFFFD800  }
0x26c: {  	[spmem:s3] =	stream.indirect.scatter.add.f32 [tilespmem:s16], [sflag:$0x3], $0x50, s14, s19, $0xb8;
	[tilespmem:$0x1F8D0] =	vst v63  }
0x26d: {  	_ =	swait.ge [sflag:s22], $0x2800  }
0x26e: {  	s14 =	sld [smem:$0x7FB]  }
0x26f: {  	[sflag:s22] =	ssyncset.done $0x0  }
0x270: {  	[sflag:s22] =	ssyncadd.s32 $0xFFFFD800  }
0x271: {  	[tilespmem:s16], [sflag:$0x1] =	stream.indirect.gather [spmem:s2], $0x50, s14, s19, $0xb8;
	[tilespmem:$0x1F8D0] =	vst v63  }
0x272: {  	_ =	swait.ge [sflag:s23], $0x2800  }
0x273: {  	s14 =	sld [smem:$0x7FC]  }
0x274: {  	[sflag:s23] =	ssyncset.done $0x0  }
0x275: {  	[sflag:s23] =	ssyncadd.s32 $0xFFFFD800  }
0x276: {  	[spmem:s3] =	stream.indirect.scatter.add.f32 [tilespmem:s20], [sflag:$0x4], $0x50, s14, s19, $0xb8;
	[tilespmem:$0x1F8D0] =	vst v63  }
0x277: {  	_ =	swait.ge [sflag:s24], $0x2800  }
0x278: {  	[sflag:s24] =	ssyncset.done $0x0  }
0x279: {  	[sflag:s24] =	ssyncadd.s32 $0xFFFFD800  }
0x27a: {  	[tilespmem:s20], [sflag:$0x2] =	stream.indirect.gather [spmem:s2], $0x50, s26, s19, $0xb8;
	[tilespmem:$0x1F8D0] =	vst v63  }
0x27b: {  	_ =	swait.ge [sflag:s21], $0x2800  }
0x27c: {  	[sflag:s21] =	ssyncset.done $0x0  }
0x27d: {  	[sflag:s21] =	ssyncadd.s32 $0xFFFFD800  }
0x27e: {  	[spmem:s3] =	stream.indirect.scatter.add.f32 [tilespmem:s16], [sflag:$0x3], $0x50, s28, s19, $0xb8;
	[tilespmem:$0x1F8D0] =	vst v63  }
0x27f: {  	_ =	swait.ge [sflag:s22], $0x2800  }
0x280: {  	[sflag:s22] =	ssyncset.done $0x0  }
0x281: {  	[sflag:s22] =	ssyncadd.s32 $0xFFFFD800  }
0x282: {  	[tilespmem:s16], [sflag:$0x1] =	stream.indirect.gather [spmem:s2], $0x50, s29, s19, $0xb8;
	[tilespmem:$0x1F8D0] =	vst v63  }
0x283: {  	_ =	swait.ge [sflag:s23], $0x2800  }
0x284: {  	[sflag:s23] =	ssyncset.done $0x0  }
0x285: {  	[sflag:s23] =	ssyncadd.s32 $0xFFFFD800  }
0x286: {  	[spmem:s3] =	stream.indirect.scatter.add.f32 [tilespmem:s20], [sflag:$0x4], $0x50, s30, s19, $0xb8;
	[tilespmem:$0x1F8D0] =	vst v63  }
0x287: {  	_ =	swait.ge [sflag:s24], $0x2800  }
0x288: {  	[sflag:s24] =	ssyncset.done $0x0  }
0x289: {  	[sflag:s24] =	ssyncadd.s32 $0xFFFFD800  }
0x28a: {  	[tilespmem:s20], [sflag:$0x2] =	stream.indirect.gather [spmem:s2], $0x50, s31, s19, $0xb8;
	[tilespmem:$0x1F8D0] =	vst v63  }
0x28b: {  	_ =	swait.ge [sflag:s21], $0x2800  }
0x28c: {  	[sflag:s21] =	ssyncset.done $0x0  }
0x28d: {  	[sflag:s21] =	ssyncadd.s32 $0xFFFFD800  }
0x28e: {  	[spmem:s3] =	stream.indirect.scatter.add.f32 [tilespmem:s16], [sflag:$0x3], $0x50, s0, s19, $0xb8;
	[tilespmem:$0x1F8D0] =	vst v63  }
0x28f: {  	_ =	swait.ge [sflag:s22], $0x2800  }
0x290: {  	[sflag:s22] =	ssyncset.done $0x0  }
0x291: {  	[sflag:s22] =	ssyncadd.s32 $0xFFFFD800  }
0x292: {  	[tilespmem:s16], [sflag:$0x1] =	stream.indirect.gather [spmem:s2], $0x50, s1, s19, $0xb8;
	[tilespmem:$0x1F8D0] =	vst v63  }
0x293: {  	_ =	swait.ge [sflag:s23], $0x2800  }
0x294: {  	[sflag:s23] =	ssyncset.done $0x0  }
0x295: {  	[sflag:s23] =	ssyncadd.s32 $0xFFFFD800  }
0x296: {  	[spmem:s3] =	stream.indirect.scatter.add.f32 [tilespmem:s20], [sflag:$0x4], $0x50, s5, s19, $0xb8;
	[tilespmem:$0x1F8D0] =	vst v63  }
0x297: {  	_ =	swait.ge [sflag:s24], $0x2800  }
0x298: {  	[sflag:s24] =	ssyncset.done $0x0  }
0x299: {  	[sflag:s24] =	ssyncadd.s32 $0xFFFFD800  }
0x29a: {  	[tilespmem:s20], [sflag:$0x2] =	stream.indirect.gather [spmem:s2], $0x50, s6, s19, $0xb8;
	[tilespmem:$0x1F8D0] =	vst v63  }
0x29b: {  	_ =	swait.ge [sflag:s21], $0x2800  }
0x29c: {  	[sflag:s21] =	ssyncset.done $0x0  }
0x29d: {  	[sflag:s21] =	ssyncadd.s32 $0xFFFFD800  }
0x29e: {  	[spmem:s3] =	stream.indirect.scatter.add.f32 [tilespmem:s16], [sflag:$0x3], $0x50, s8, s19, $0xb8;
	[tilespmem:$0x1F8D0] =	vst v63  }
0x29f: {  	_ =	swait.ge [sflag:s22], $0x2800  }
0x2a0: {  	[sflag:s22] =	ssyncset.done $0x0  }
0x2a1: {  	[sflag:s22] =	ssyncadd.s32 $0xFFFFD800  }
0x2a2: {  	[tilespmem:s16], [sflag:$0x1] =	stream.indirect.gather [spmem:s2], $0x50, s9, s19, $0xb8;
	[tilespmem:$0x1F8D0] =	vst v63  }
0x2a3: {  	_ =	swait.ge [sflag:s23], $0x2800  }
0x2a4: {  	[sflag:s23] =	ssyncset.done $0x0  }
0x2a5: {  	[sflag:s23] =	ssyncadd.s32 $0xFFFFD800  }
0x2a6: {  	[spmem:s3] =	stream.indirect.scatter.add.f32 [tilespmem:s20], [sflag:$0x4], $0x50, s10, s19, $0xb8;
	[tilespmem:$0x1F8D0] =	vst v63  }
0x2a7: {  	_ =	swait.ge [sflag:s24], $0x2800  }
0x2a8: {  	[sflag:s24] =	ssyncset.done $0x0  }
0x2a9: {  	[sflag:s24] =	ssyncadd.s32 $0xFFFFD800  }
0x2aa: {  	[tilespmem:s20], [sflag:$0x2] =	stream.indirect.gather [spmem:s2], $0x50, s11, s19, $0xb8;
	[tilespmem:$0x1F8D0] =	vst v63  }
0x2ab: {  	_ =	swait.ge [sflag:s21], $0x2800  }
0x2ac: {  	[sflag:s21] =	ssyncset.done $0x0  }
0x2ad: {  	[sflag:s21] =	ssyncadd.s32 $0xFFFFD800  }
0x2ae: {  	[spmem:s3] =	stream.indirect.scatter.add.f32 [tilespmem:s16], [sflag:$0x3], $0x50, s12, s19, $0xb8;
	[tilespmem:$0x1F8D0] =	vst v63  }
0x2af: {  	_ =	swait.ge [sflag:s22], $0x2800  }
0x2b0: {  	[sflag:s22] =	ssyncset.done $0x0  }
0x2b1: {  	[sflag:s22] =	ssyncadd.s32 $0xFFFFD800  }
0x2b2: {  	p1 =	sne.s32 s25, $0x800;
	_ =	swait.ge [sflag:s23], $0x2800  }
.Ltmp1:
0x2b3: {  	[sflag:s23] =	ssyncset.done $0x0;
	(pc) =	sbr.rel @p1 .LBB2_4-.Ltmp1, $4  }
0x2b4: {  	[sflag:s23] =	ssyncadd.s32 $0xFFFFD800  }
0x2b5: {  	[spmem:s3] =	stream.indirect.scatter.add.f32 [tilespmem:s20], [sflag:$0x4], $0x50, s13, s19, $0xb8;
	[tilespmem:$0x1F8D0] =	vst v63  }
0x2b6: {  	_ =	swait.ge [sflag:s24], $0x2800  }
0x2b7: {  	s25 =	sadd.s32 $0x200, s25;
	s7 =	rddreg [dreg:$0x7];
	[sflag:s24] =	ssyncset.done $0x0  }
0x2b8: {  	[sflag:s24] =	ssyncadd.s32 $0xFFFFD800;
	s7 =	sadd.s32 s15, s7  }
0x2b9: {  	[tilespmem:s4], [sflag:$0x6] =	stream.linear.gather [hbm4b:s7+s4], $0x1000, $0x38;
	[tilespmem:$0x1F8D0] =	vst v63  }
0x2ba: {  	_ =	swait.ge [sflag:s17], $0x1000  }
0x2bb: {  	s14 =	rddreg [dreg:$0x6];
	[sflag:s17] =	ssyncset.done $0x0  }
0x2bc: {  	s7 =	sadd.s32 s15, s14;
	[sflag:s17] =	ssyncadd.s32 $0xFFFFF000  }
0x2bd: {  	[tilespmem:s18], [sflag:$0x6] =	stream.linear.gather [hbm4b:s7+s4], $0x1000, $0x38;
	[tilespmem:$0x1F8D0] =	vst v63  }
0x2be: {  	_ =	swait.ge [sflag:s17], $0x1000  }
0x2bf: {  	[sflag:s17] =	ssyncset.done $0x0  }
0x2c0: {  	[sflag:s17] =	ssyncadd.s32 $0xFFFFF000  }
0x2c1: {  	[tilespmem:s16], [sflag:$0x1] =	stream.indirect.gather [spmem:s2], $0x50, s4, s19, $0xb8;
	[tilespmem:$0x1F8D0] =	vst v63  }
0x2c2: {  	_ = 	snop  }
0x2c3: {  	[tilespmem:s20], [sflag:$0x2] =	stream.indirect.gather [spmem:s2], $0x50, s19, s19, $0xb8;
	[tilespmem:$0x1F8D0] =	vst v63  }
0x2c4: {  	_ =	swait.ge [sflag:s21], $0x2800  }
0x2c5: {  	[sflag:s21] =	ssyncset.done $0x0  }
0x2c6: {  	[sflag:s21] =	ssyncadd.s32 $0xFFFFD800  }
0x2c7: {  	[spmem:s3] =	stream.indirect.scatter.add.f32 [tilespmem:s16], [sflag:$0x3], $0x50, s18, s19, $0xb8;
	[tilespmem:$0x1F8D0] =	vst v63  }
0x2c8: {  	_ =	swait.ge [sflag:s22], $0x2800  }
0x2c9: {  	[sflag:s22] =	ssyncset.done $0x0  }
0x2ca: {  	s15 =	rddreg [dreg:$0x8];
	[sflag:s22] =	ssyncadd.s32 $0xFFFFD800  }
0x2cb: {  	[tilespmem:s16], [sflag:$0x1] =	stream.indirect.gather [spmem:s2], $0x50, s15, s19, $0xb8;
	[tilespmem:$0x1F8D0] =	vst v63  }
0x2cc: {  	_ =	swait.ge [sflag:s23], $0x2800  }
0x2cd: {  	[sflag:s23] =	ssyncset.done $0x0  }
0x2ce: {  	s25 =	rddreg [dreg:$0x9];
	[sflag:s23] =	ssyncadd.s32 $0xFFFFD800  }
0x2cf: {  	[spmem:s3] =	stream.indirect.scatter.add.f32 [tilespmem:s20], [sflag:$0x4], $0x50, s25, s19, $0xb8;
	[tilespmem:$0x1F8D0] =	vst v63  }
0x2d0: {  	_ =	swait.ge [sflag:s24], $0x2800  }
0x2d1: {  	[sflag:s24] =	ssyncset.done $0x0  }
0x2d2: {  	s14 =	rddreg [dreg:$0xa];
	[sflag:s24] =	ssyncadd.s32 $0xFFFFD800  }
0x2d3: {  	[tilespmem:s20], [sflag:$0x2] =	stream.indirect.gather [spmem:s2], $0x50, s14, s19, $0xb8;
	[tilespmem:$0x1F8D0] =	vst v63  }
0x2d4: {  	_ =	swait.ge [sflag:s21], $0x2800  }
0x2d5: {  	[sflag:s21] =	ssyncset.done $0x0  }
0x2d6: {  	s15 =	rddreg [dreg:$0xb];
	[sflag:s21] =	ssyncadd.s32 $0xFFFFD800  }
0x2d7: {  	[spmem:s3] =	stream.indirect.scatter.add.f32 [tilespmem:s16], [sflag:$0x3], $0x50, s15, s19, $0xb8;
	[tilespmem:$0x1F8D0] =	vst v63  }
0x2d8: {  	_ =	swait.ge [sflag:s22], $0x2800  }
0x2d9: {  	[sflag:s22] =	ssyncset.done $0x0  }
0x2da: {  	s25 =	rddreg [dreg:$0xc];
	[sflag:s22] =	ssyncadd.s32 $0xFFFFD800  }
0x2db: {  	[tilespmem:s16], [sflag:$0x1] =	stream.indirect.gather [spmem:s2], $0x50, s25, s19, $0xb8;
	[tilespmem:$0x1F8D0] =	vst v63  }
0x2dc: {  	_ =	swait.ge [sflag:s23], $0x2800  }
0x2dd: {  	[sflag:s23] =	ssyncset.done $0x0  }
0x2de: {  	s14 =	rddreg [dreg:$0xd];
	[sflag:s23] =	ssyncadd.s32 $0xFFFFD800  }
0x2df: {  	[spmem:s3] =	stream.indirect.scatter.add.f32 [tilespmem:s20], [sflag:$0x4], $0x50, s14, s19, $0xb8;
	[tilespmem:$0x1F8D0] =	vst v63  }
0x2e0: {  	_ =	swait.ge [sflag:s24], $0x2800  }
0x2e1: {  	[sflag:s24] =	ssyncset.done $0x0  }
0x2e2: {  	s15 =	rddreg [dreg:$0xe];
	[sflag:s24] =	ssyncadd.s32 $0xFFFFD800  }
0x2e3: {  	[tilespmem:s20], [sflag:$0x2] =	stream.indirect.gather [spmem:s2], $0x50, s15, s19, $0xb8;
	[tilespmem:$0x1F8D0] =	vst v63  }
0x2e4: {  	_ =	swait.ge [sflag:s21], $0x2800  }
0x2e5: {  	[sflag:s21] =	ssyncset.done $0x0  }
0x2e6: {  	s25 =	rddreg [dreg:$0xf];
	[sflag:s21] =	ssyncadd.s32 $0xFFFFD800  }
0x2e7: {  	[spmem:s3] =	stream.indirect.scatter.add.f32 [tilespmem:s16], [sflag:$0x3], $0x50, s25, s19, $0xb8;
	[tilespmem:$0x1F8D0] =	vst v63  }
0x2e8: {  	_ =	swait.ge [sflag:s22], $0x2800  }
0x2e9: {  	[sflag:s22] =	ssyncset.done $0x0  }
0x2ea: {  	s14 =	rddreg [dreg:$0x10];
	[sflag:s22] =	ssyncadd.s32 $0xFFFFD800  }
0x2eb: {  	[tilespmem:s16], [sflag:$0x1] =	stream.indirect.gather [spmem:s2], $0x50, s14, s19, $0xb8;
	[tilespmem:$0x1F8D0] =	vst v63  }
0x2ec: {  	_ =	swait.ge [sflag:s23], $0x2800  }
0x2ed: {  	[sflag:s23] =	ssyncset.done $0x0  }
0x2ee: {  	s15 =	rddreg [dreg:$0x11];
	[sflag:s23] =	ssyncadd.s32 $0xFFFFD800  }
0x2ef: {  	[spmem:s3] =	stream.indirect.scatter.add.f32 [tilespmem:s20], [sflag:$0x4], $0x50, s15, s19, $0xb8;
	[tilespmem:$0x1F8D0] =	vst v63  }
0x2f0: {  	_ =	swait.ge [sflag:s24], $0x2800  }
0x2f1: {  	[sflag:s24] =	ssyncset.done $0x0  }
0x2f2: {  	s25 =	rddreg [dreg:$0x12];
	[sflag:s24] =	ssyncadd.s32 $0xFFFFD800  }
0x2f3: {  	[tilespmem:s20], [sflag:$0x2] =	stream.indirect.gather [spmem:s2], $0x50, s25, s19, $0xb8;
	[tilespmem:$0x1F8D0] =	vst v63  }
0x2f4: {  	_ =	swait.ge [sflag:s21], $0x2800  }
0x2f5: {  	[sflag:s21] =	ssyncset.done $0x0  }
0x2f6: {  	s14 =	rddreg [dreg:$0x13];
	[sflag:s21] =	ssyncadd.s32 $0xFFFFD800  }
0x2f7: {  	[spmem:s3] =	stream.indirect.scatter.add.f32 [tilespmem:s16], [sflag:$0x3], $0x50, s14, s19, $0xb8;
	[tilespmem:$0x1F8D0] =	vst v63  }
0x2f8: {  	_ =	swait.ge [sflag:s22], $0x2800  }
0x2f9: {  	[sflag:s22] =	ssyncset.done $0x0  }
0x2fa: {  	s15 =	rddreg [dreg:$0x14];
	[sflag:s22] =	ssyncadd.s32 $0xFFFFD800  }
0x2fb: {  	[tilespmem:s16], [sflag:$0x1] =	stream.indirect.gather [spmem:s2], $0x50, s15, s19, $0xb8;
	[tilespmem:$0x1F8D0] =	vst v63  }
0x2fc: {  	_ =	swait.ge [sflag:s23], $0x2800  }
0x2fd: {  	[sflag:s23] =	ssyncset.done $0x0  }
0x2fe: {  	s25 =	rddreg [dreg:$0x15];
	[sflag:s23] =	ssyncadd.s32 $0xFFFFD800  }
0x2ff: {  	[spmem:s3] =	stream.indirect.scatter.add.f32 [tilespmem:s20], [sflag:$0x4], $0x50, s25, s19, $0xb8;
	[tilespmem:$0x1F8D0] =	vst v63  }
0x300: {  	_ =	swait.ge [sflag:s24], $0x2800  }
0x301: {  	[sflag:s24] =	ssyncset.done $0x0  }
0x302: {  	s14 =	rddreg [dreg:$0x16];
	[sflag:s24] =	ssyncadd.s32 $0xFFFFD800  }
0x303: {  	[tilespmem:s20], [sflag:$0x2] =	stream.indirect.gather [spmem:s2], $0x50, s14, s19, $0xb8;
	[tilespmem:$0x1F8D0] =	vst v63  }
0x304: {  	_ =	swait.ge [sflag:s21], $0x2800  }
0x305: {  	[sflag:s21] =	ssyncset.done $0x0  }
0x306: {  	s15 =	rddreg [dreg:$0x17];
	[sflag:s21] =	ssyncadd.s32 $0xFFFFD800  }
0x307: {  	[spmem:s3] =	stream.indirect.scatter.add.f32 [tilespmem:s16], [sflag:$0x3], $0x50, s15, s19, $0xb8;
	[tilespmem:$0x1F8D0] =	vst v63  }
0x308: {  	_ =	swait.ge [sflag:s22], $0x2800  }
0x309: {  	[sflag:s22] =	ssyncset.done $0x0  }
0x30a: {  	s25 =	rddreg [dreg:$0x18];
	[sflag:s22] =	ssyncadd.s32 $0xFFFFD800  }
0x30b: {  	[tilespmem:s16], [sflag:$0x1] =	stream.indirect.gather [spmem:s2], $0x50, s25, s19, $0xb8;
	[tilespmem:$0x1F8D0] =	vst v63  }
0x30c: {  	_ =	swait.ge [sflag:s23], $0x2800  }
0x30d: {  	[sflag:s23] =	ssyncset.done $0x0  }
0x30e: {  	s14 =	rddreg [dreg:$0x19];
	[sflag:s23] =	ssyncadd.s32 $0xFFFFD800  }
0x30f: {  	[spmem:s3] =	stream.indirect.scatter.add.f32 [tilespmem:s20], [sflag:$0x4], $0x50, s14, s19, $0xb8;
	[tilespmem:$0x1F8D0] =	vst v63  }
0x310: {  	_ =	swait.ge [sflag:s24], $0x2800  }
0x311: {  	[sflag:s24] =	ssyncset.done $0x0  }
0x312: {  	s15 =	rddreg [dreg:$0x1a];
	[sflag:s24] =	ssyncadd.s32 $0xFFFFD800  }
0x313: {  	[tilespmem:s20], [sflag:$0x2] =	stream.indirect.gather [spmem:s2], $0x50, s15, s19, $0xb8;
	[tilespmem:$0x1F8D0] =	vst v63  }
0x314: {  	_ =	swait.ge [sflag:s21], $0x2800  }
0x315: {  	[sflag:s21] =	ssyncset.done $0x0  }
0x316: {  	s25 =	rddreg [dreg:$0x1b];
	[sflag:s21] =	ssyncadd.s32 $0xFFFFD800  }
0x317: {  	[spmem:s3] =	stream.indirect.scatter.add.f32 [tilespmem:s16], [sflag:$0x3], $0x50, s25, s19, $0xb8;
	[tilespmem:$0x1F8D0] =	vst v63  }
0x318: {  	_ =	swait.ge [sflag:s22], $0x2800  }
0x319: {  	[sflag:s22] =	ssyncset.done $0x0  }
0x31a: {  	s14 =	rddreg [dreg:$0x1c];
	[sflag:s22] =	ssyncadd.s32 $0xFFFFD800  }
0x31b: {  	[tilespmem:s16], [sflag:$0x1] =	stream.indirect.gather [spmem:s2], $0x50, s14, s19, $0xb8;
	[tilespmem:$0x1F8D0] =	vst v63  }
0x31c: {  	_ =	swait.ge [sflag:s23], $0x2800  }
0x31d: {  	[sflag:s23] =	ssyncset.done $0x0  }
0x31e: {  	s15 =	rddreg [dreg:$0x1d];
	[sflag:s23] =	ssyncadd.s32 $0xFFFFD800  }
0x31f: {  	[spmem:s3] =	stream.indirect.scatter.add.f32 [tilespmem:s20], [sflag:$0x4], $0x50, s15, s19, $0xb8;
	[tilespmem:$0x1F8D0] =	vst v63  }
0x320: {  	_ =	swait.ge [sflag:s24], $0x2800  }
0x321: {  	[sflag:s24] =	ssyncset.done $0x0  }
0x322: {  	s25 =	rddreg [dreg:$0x1e];
	[sflag:s24] =	ssyncadd.s32 $0xFFFFD800  }
0x323: {  	[tilespmem:s20], [sflag:$0x2] =	stream.indirect.gather [spmem:s2], $0x50, s25, s19, $0xb8;
	[tilespmem:$0x1F8D0] =	vst v63  }
0x324: {  	_ =	swait.ge [sflag:s21], $0x2800  }
0x325: {  	[sflag:s21] =	ssyncset.done $0x0  }
0x326: {  	s14 =	rddreg [dreg:$0x1f];
	[sflag:s21] =	ssyncadd.s32 $0xFFFFD800  }
0x327: {  	[spmem:s3] =	stream.indirect.scatter.add.f32 [tilespmem:s16], [sflag:$0x3], $0x50, s14, s19, $0xb8;
	[tilespmem:$0x1F8D0] =	vst v63  }
0x328: {  	_ =	swait.ge [sflag:s22], $0x2800  }
0x329: {  	s15 =	sld [smem:$0x7DE]  }
0x32a: {  	[sflag:s22] =	ssyncset.done $0x0  }
0x32b: {  	[sflag:s22] =	ssyncadd.s32 $0xFFFFD800  }
0x32c: {  	[tilespmem:s16], [sflag:$0x1] =	stream.indirect.gather [spmem:s2], $0x50, s15, s19, $0xb8;
	[tilespmem:$0x1F8D0] =	vst v63  }
0x32d: {  	_ =	swait.ge [sflag:s23], $0x2800  }
0x32e: {  	s25 =	sld [smem:$0x7DF]  }
0x32f: {  	[sflag:s23] =	ssyncset.done $0x0  }
0x330: {  	[sflag:s23] =	ssyncadd.s32 $0xFFFFD800  }
0x331: {  	[spmem:s3] =	stream.indirect.scatter.add.f32 [tilespmem:s20], [sflag:$0x4], $0x50, s25, s19, $0xb8;
	[tilespmem:$0x1F8D0] =	vst v63  }
0x332: {  	_ =	swait.ge [sflag:s24], $0x2800  }
0x333: {  	s14 =	sld [smem:$0x7E0]  }
0x334: {  	[sflag:s24] =	ssyncset.done $0x0  }
0x335: {  	[sflag:s24] =	ssyncadd.s32 $0xFFFFD800  }
0x336: {  	[tilespmem:s20], [sflag:$0x2] =	stream.indirect.gather [spmem:s2], $0x50, s14, s19, $0xb8;
	[tilespmem:$0x1F8D0] =	vst v63  }
0x337: {  	_ =	swait.ge [sflag:s21], $0x2800  }
0x338: {  	s15 =	sld [smem:$0x7E1]  }
0x339: {  	[sflag:s21] =	ssyncset.done $0x0  }
0x33a: {  	[sflag:s21] =	ssyncadd.s32 $0xFFFFD800  }
0x33b: {  	[spmem:s3] =	stream.indirect.scatter.add.f32 [tilespmem:s16], [sflag:$0x3], $0x50, s15, s19, $0xb8;
	[tilespmem:$0x1F8D0] =	vst v63  }
0x33c: {  	_ =	swait.ge [sflag:s22], $0x2800  }
0x33d: {  	s25 =	sld [smem:$0x7E2]  }
0x33e: {  	[sflag:s22] =	ssyncset.done $0x0  }
0x33f: {  	[sflag:s22] =	ssyncadd.s32 $0xFFFFD800  }
0x340: {  	[tilespmem:s16], [sflag:$0x1] =	stream.indirect.gather [spmem:s2], $0x50, s25, s19, $0xb8;
	[tilespmem:$0x1F8D0] =	vst v63  }
0x341: {  	_ =	swait.ge [sflag:s23], $0x2800  }
0x342: {  	s14 =	sld [smem:$0x7E4]  }
0x343: {  	[sflag:s23] =	ssyncset.done $0x0  }
0x344: {  	[sflag:s23] =	ssyncadd.s32 $0xFFFFD800  }
0x345: {  	[spmem:s3] =	stream.indirect.scatter.add.f32 [tilespmem:s20], [sflag:$0x4], $0x50, s14, s19, $0xb8;
	[tilespmem:$0x1F8D0] =	vst v63  }
0x346: {  	_ =	swait.ge [sflag:s24], $0x2800  }
0x347: {  	s15 =	sld [smem:$0x7E6]  }
0x348: {  	[sflag:s24] =	ssyncset.done $0x0  }
0x349: {  	[sflag:s24] =	ssyncadd.s32 $0xFFFFD800  }
0x34a: {  	[tilespmem:s20], [sflag:$0x2] =	stream.indirect.gather [spmem:s2], $0x50, s15, s19, $0xb8;
	[tilespmem:$0x1F8D0] =	vst v63  }
0x34b: {  	_ =	swait.ge [sflag:s21], $0x2800  }
0x34c: {  	s25 =	sld [smem:$0x7E7]  }
0x34d: {  	[sflag:s21] =	ssyncset.done $0x0  }
0x34e: {  	[sflag:s21] =	ssyncadd.s32 $0xFFFFD800  }
0x34f: {  	[spmem:s3] =	stream.indirect.scatter.add.f32 [tilespmem:s16], [sflag:$0x3], $0x50, s25, s19, $0xb8;
	[tilespmem:$0x1F8D0] =	vst v63  }
0x350: {  	_ =	swait.ge [sflag:s22], $0x2800  }
0x351: {  	s14 =	sld [smem:$0x7E9]  }
0x352: {  	[sflag:s22] =	ssyncset.done $0x0  }
0x353: {  	[sflag:s22] =	ssyncadd.s32 $0xFFFFD800  }
0x354: {  	[tilespmem:s16], [sflag:$0x1] =	stream.indirect.gather [spmem:s2], $0x50, s14, s19, $0xb8;
	[tilespmem:$0x1F8D0] =	vst v63  }
0x355: {  	_ =	swait.ge [sflag:s23], $0x2800  }
0x356: {  	s15 =	sld [smem:$0x7EB]  }
0x357: {  	[sflag:s23] =	ssyncset.done $0x0  }
0x358: {  	[sflag:s23] =	ssyncadd.s32 $0xFFFFD800  }
0x359: {  	[spmem:s3] =	stream.indirect.scatter.add.f32 [tilespmem:s20], [sflag:$0x4], $0x50, s15, s19, $0xb8;
	[tilespmem:$0x1F8D0] =	vst v63  }
0x35a: {  	_ =	swait.ge [sflag:s24], $0x2800  }
0x35b: {  	s25 =	sld [smem:$0x7ED]  }
0x35c: {  	[sflag:s24] =	ssyncset.done $0x0  }
0x35d: {  	[sflag:s24] =	ssyncadd.s32 $0xFFFFD800  }
0x35e: {  	[tilespmem:s20], [sflag:$0x2] =	stream.indirect.gather [spmem:s2], $0x50, s25, s19, $0xb8;
	[tilespmem:$0x1F8D0] =	vst v63  }
0x35f: {  	_ =	swait.ge [sflag:s21], $0x2800  }
0x360: {  	s14 =	sld [smem:$0x7F0]  }
0x361: {  	[sflag:s21] =	ssyncset.done $0x0  }
0x362: {  	[sflag:s21] =	ssyncadd.s32 $0xFFFFD800  }
0x363: {  	[spmem:s3] =	stream.indirect.scatter.add.f32 [tilespmem:s16], [sflag:$0x3], $0x50, s14, s19, $0xb8;
	[tilespmem:$0x1F8D0] =	vst v63  }
0x364: {  	_ =	swait.ge [sflag:s22], $0x2800  }
0x365: {  	s15 =	sld [smem:$0x7F1]  }
0x366: {  	[sflag:s22] =	ssyncset.done $0x0  }
0x367: {  	[sflag:s22] =	ssyncadd.s32 $0xFFFFD800  }
0x368: {  	[tilespmem:s16], [sflag:$0x1] =	stream.indirect.gather [spmem:s2], $0x50, s15, s19, $0xb8;
	[tilespmem:$0x1F8D0] =	vst v63  }
0x369: {  	_ =	swait.ge [sflag:s23], $0x2800  }
0x36a: {  	s25 =	sld [smem:$0x7F3]  }
0x36b: {  	[sflag:s23] =	ssyncset.done $0x0  }
0x36c: {  	[sflag:s23] =	ssyncadd.s32 $0xFFFFD800  }
0x36d: {  	[spmem:s3] =	stream.indirect.scatter.add.f32 [tilespmem:s20], [sflag:$0x4], $0x50, s25, s19, $0xb8;
	[tilespmem:$0x1F8D0] =	vst v63  }
0x36e: {  	_ =	swait.ge [sflag:s24], $0x2800  }
0x36f: {  	s14 =	sld [smem:$0x7F5]  }
0x370: {  	[sflag:s24] =	ssyncset.done $0x0  }
0x371: {  	[sflag:s24] =	ssyncadd.s32 $0xFFFFD800  }
0x372: {  	[tilespmem:s20], [sflag:$0x2] =	stream.indirect.gather [spmem:s2], $0x50, s14, s19, $0xb8;
	[tilespmem:$0x1F8D0] =	vst v63  }
0x373: {  	_ =	swait.ge [sflag:s21], $0x2800  }
0x374: {  	s15 =	sld [smem:$0x7F6]  }
0x375: {  	[sflag:s21] =	ssyncset.done $0x0  }
0x376: {  	[sflag:s21] =	ssyncadd.s32 $0xFFFFD800  }
0x377: {  	[spmem:s3] =	stream.indirect.scatter.add.f32 [tilespmem:s16], [sflag:$0x3], $0x50, s15, s19, $0xb8;
	[tilespmem:$0x1F8D0] =	vst v63  }
0x378: {  	_ =	swait.ge [sflag:s22], $0x2800  }
0x379: {  	s25 =	sld [smem:$0x7F7]  }
0x37a: {  	[sflag:s22] =	ssyncset.done $0x0  }
0x37b: {  	[sflag:s22] =	ssyncadd.s32 $0xFFFFD800  }
0x37c: {  	[tilespmem:s16], [sflag:$0x1] =	stream.indirect.gather [spmem:s2], $0x50, s25, s19, $0xb8;
	[tilespmem:$0x1F8D0] =	vst v63  }
0x37d: {  	_ =	swait.ge [sflag:s23], $0x2800  }
0x37e: {  	s14 =	sld [smem:$0x7F8]  }
0x37f: {  	[sflag:s23] =	ssyncset.done $0x0  }
0x380: {  	[sflag:s23] =	ssyncadd.s32 $0xFFFFD800  }
0x381: {  	[spmem:s3] =	stream.indirect.scatter.add.f32 [tilespmem:s20], [sflag:$0x4], $0x50, s14, s19, $0xb8;
	[tilespmem:$0x1F8D0] =	vst v63  }
0x382: {  	_ =	swait.ge [sflag:s24], $0x2800  }
0x383: {  	s15 =	sld [smem:$0x7F9]  }
0x384: {  	[sflag:s24] =	ssyncset.done $0x0  }
0x385: {  	[sflag:s24] =	ssyncadd.s32 $0xFFFFD800  }
0x386: {  	[tilespmem:s20], [sflag:$0x2] =	stream.indirect.gather [spmem:s2], $0x50, s15, s19, $0xb8;
	[tilespmem:$0x1F8D0] =	vst v63  }
0x387: {  	_ =	swait.ge [sflag:s21], $0x2800  }
0x388: {  	s25 =	sld [smem:$0x7FA]  }
0x389: {  	[sflag:s21] =	ssyncset.done $0x0  }
0x38a: {  	[sflag:s21] =	ssyncadd.s32 $0xFFFFD800  }
0x38b: {  	[spmem:s3] =	stream.indirect.scatter.add.f32 [tilespmem:s16], [sflag:$0x3], $0x50, s25, s19, $0xb8;
	[tilespmem:$0x1F8D0] =	vst v63  }
0x38c: {  	_ =	swait.ge [sflag:s22], $0x2800  }
0x38d: {  	s14 =	sld [smem:$0x7FB]  }
0x38e: {  	[sflag:s22] =	ssyncset.done $0x0  }
0x38f: {  	[sflag:s22] =	ssyncadd.s32 $0xFFFFD800  }
0x390: {  	[tilespmem:s16], [sflag:$0x1] =	stream.indirect.gather [spmem:s2], $0x50, s14, s19, $0xb8;
	[tilespmem:$0x1F8D0] =	vst v63  }
0x391: {  	_ =	swait.ge [sflag:s23], $0x2800  }
0x392: {  	s15 =	sld [smem:$0x7FC]  }
0x393: {  	[sflag:s23] =	ssyncset.done $0x0  }
0x394: {  	[sflag:s23] =	ssyncadd.s32 $0xFFFFD800  }
0x395: {  	[spmem:s3] =	stream.indirect.scatter.add.f32 [tilespmem:s20], [sflag:$0x4], $0x50, s15, s19, $0xb8;
	[tilespmem:$0x1F8D0] =	vst v63  }
0x396: {  	_ =	swait.ge [sflag:s24], $0x2800  }
0x397: {  	[sflag:s24] =	ssyncset.done $0x0  }
0x398: {  	[sflag:s24] =	ssyncadd.s32 $0xFFFFD800  }
0x399: {  	[tilespmem:s20], [sflag:$0x2] =	stream.indirect.gather [spmem:s2], $0x50, s26, s19, $0xb8;
	[tilespmem:$0x1F8D0] =	vst v63  }
0x39a: {  	_ =	swait.ge [sflag:s21], $0x2800  }
0x39b: {  	[sflag:s21] =	ssyncset.done $0x0  }
0x39c: {  	[sflag:s21] =	ssyncadd.s32 $0xFFFFD800  }
0x39d: {  	[spmem:s3] =	stream.indirect.scatter.add.f32 [tilespmem:s16], [sflag:$0x3], $0x50, s28, s19, $0xb8;
	[tilespmem:$0x1F8D0] =	vst v63  }
0x39e: {  	_ =	swait.ge [sflag:s22], $0x2800  }
0x39f: {  	[sflag:s22] =	ssyncset.done $0x0  }
0x3a0: {  	[sflag:s22] =	ssyncadd.s32 $0xFFFFD800  }
0x3a1: {  	[tilespmem:s16], [sflag:$0x1] =	stream.indirect.gather [spmem:s2], $0x50, s29, s19, $0xb8;
	[tilespmem:$0x1F8D0] =	vst v63  }
0x3a2: {  	_ =	swait.ge [sflag:s23], $0x2800  }
0x3a3: {  	[sflag:s23] =	ssyncset.done $0x0  }
0x3a4: {  	[sflag:s23] =	ssyncadd.s32 $0xFFFFD800  }
0x3a5: {  	[spmem:s3] =	stream.indirect.scatter.add.f32 [tilespmem:s20], [sflag:$0x4], $0x50, s30, s19, $0xb8;
	[tilespmem:$0x1F8D0] =	vst v63  }
0x3a6: {  	_ =	swait.ge [sflag:s24], $0x2800  }
0x3a7: {  	[sflag:s24] =	ssyncset.done $0x0  }
0x3a8: {  	[sflag:s24] =	ssyncadd.s32 $0xFFFFD800  }
0x3a9: {  	[tilespmem:s20], [sflag:$0x2] =	stream.indirect.gather [spmem:s2], $0x50, s31, s19, $0xb8;
	[tilespmem:$0x1F8D0] =	vst v63  }
0x3aa: {  	_ =	swait.ge [sflag:s21], $0x2800  }
0x3ab: {  	[sflag:s21] =	ssyncset.done $0x0  }
0x3ac: {  	[sflag:s21] =	ssyncadd.s32 $0xFFFFD800  }
0x3ad: {  	[spmem:s3] =	stream.indirect.scatter.add.f32 [tilespmem:s16], [sflag:$0x3], $0x50, s0, s19, $0xb8;
	[tilespmem:$0x1F8D0] =	vst v63  }
0x3ae: {  	_ =	swait.ge [sflag:s22], $0x2800  }
0x3af: {  	[sflag:s22] =	ssyncset.done $0x0  }
0x3b0: {  	[sflag:s22] =	ssyncadd.s32 $0xFFFFD800  }
0x3b1: {  	[tilespmem:s16], [sflag:$0x1] =	stream.indirect.gather [spmem:s2], $0x50, s1, s19, $0xb8;
	[tilespmem:$0x1F8D0] =	vst v63  }
0x3b2: {  	_ =	swait.ge [sflag:s23], $0x2800  }
0x3b3: {  	[sflag:s23] =	ssyncset.done $0x0  }
0x3b4: {  	[sflag:s23] =	ssyncadd.s32 $0xFFFFD800  }
0x3b5: {  	[spmem:s3] =	stream.indirect.scatter.add.f32 [tilespmem:s20], [sflag:$0x4], $0x50, s5, s19, $0xb8;
	[tilespmem:$0x1F8D0] =	vst v63  }
0x3b6: {  	_ =	swait.ge [sflag:s24], $0x2800  }
0x3b7: {  	[sflag:s24] =	ssyncset.done $0x0  }
0x3b8: {  	[sflag:s24] =	ssyncadd.s32 $0xFFFFD800  }
0x3b9: {  	[tilespmem:s20], [sflag:$0x2] =	stream.indirect.gather [spmem:s2], $0x50, s6, s19, $0xb8;
	[tilespmem:$0x1F8D0] =	vst v63  }
0x3ba: {  	_ =	swait.ge [sflag:s21], $0x2800  }
0x3bb: {  	[sflag:s21] =	ssyncset.done $0x0  }
0x3bc: {  	[sflag:s21] =	ssyncadd.s32 $0xFFFFD800  }
0x3bd: {  	[spmem:s3] =	stream.indirect.scatter.add.f32 [tilespmem:s16], [sflag:$0x3], $0x50, s8, s19, $0xb8;
	[tilespmem:$0x1F8D0] =	vst v63  }
0x3be: {  	_ =	swait.ge [sflag:s22], $0x2800  }
0x3bf: {  	[sflag:s22] =	ssyncset.done $0x0  }
0x3c0: {  	[sflag:s22] =	ssyncadd.s32 $0xFFFFD800  }
0x3c1: {  	[tilespmem:s16], [sflag:$0x1] =	stream.indirect.gather [spmem:s2], $0x50, s9, s19, $0xb8;
	[tilespmem:$0x1F8D0] =	vst v63  }
0x3c2: {  	_ =	swait.ge [sflag:s23], $0x2800  }
0x3c3: {  	[sflag:s23] =	ssyncset.done $0x0  }
0x3c4: {  	[sflag:s23] =	ssyncadd.s32 $0xFFFFD800  }
0x3c5: {  	[spmem:s3] =	stream.indirect.scatter.add.f32 [tilespmem:s20], [sflag:$0x4], $0x50, s10, s19, $0xb8;
	[tilespmem:$0x1F8D0] =	vst v63  }
0x3c6: {  	_ =	swait.ge [sflag:s24], $0x2800  }
0x3c7: {  	[sflag:s24] =	ssyncset.done $0x0  }
0x3c8: {  	[sflag:s24] =	ssyncadd.s32 $0xFFFFD800  }
0x3c9: {  	[tilespmem:s20], [sflag:$0x2] =	stream.indirect.gather [spmem:s2], $0x50, s11, s19, $0xb8;
	[tilespmem:$0x1F8D0] =	vst v63  }
0x3ca: {  	_ =	swait.ge [sflag:s21], $0x2800  }
0x3cb: {  	[sflag:s21] =	ssyncset.done $0x0  }
0x3cc: {  	[sflag:s21] =	ssyncadd.s32 $0xFFFFD800  }
0x3cd: {  	[spmem:s3] =	stream.indirect.scatter.add.f32 [tilespmem:s16], [sflag:$0x3], $0x50, s12, s19, $0xb8;
	[tilespmem:$0x1F8D0] =	vst v63  }
0x3ce: {  	_ =	swait.ge [sflag:s22], $0x2800  }
0x3cf: {  	[sflag:s22] =	ssyncset.done $0x0  }
0x3d0: {  	[sflag:s22] =	ssyncadd.s32 $0xFFFFD800  }
0x3d1: {  	_ =	swait.ge [sflag:s23], $0x2800  }
0x3d2: {  	[sflag:s23] =	ssyncset.done $0x0  }
0x3d3: {  	[sflag:s23] =	ssyncadd.s32 $0xFFFFD800  }
0x3d4: {  	[spmem:s3] =	stream.indirect.scatter.add.f32 [tilespmem:s20], [sflag:$0x4], $0x50, s13, s19, $0xb8;
	[tilespmem:$0x1F8D0] =	vst v63  }
0x3d5: {  	_ =	swait.ge [sflag:s24], $0x2800  }
0x3d6: {  	[sflag:s24] =	ssyncset.done $0x0  }
0x3d7: {  	[sflag:s24] =	ssyncadd.s32 $0xFFFFD800  }
0x3d8: {  	[bflag:$0x0] =	sbarrier.arrive $0xFFFF  }
0x3d9: {  	s14 =	sld [smem:$0x7E5]  }
0x3da: {  	s25 =	stileid.u32;
	s26 =	sld [smem:$0x7FD]  }
0x3db: {  	s7 =	sshll.u32 s25, $0x6  }
0x3dc: {  	s7 =	sor.u32 $0x1C06, s7  }
0x3dd: {  	[hbm:s14], [sflag:s7] =	dma.local [spmem:s26], $0x18B0  }
0x3de: {  	_ =	swait.ge [sflag:s17], $0x18B0  }
0x3df: {  	s28 =	sld [smem:$0x7DB]  }
0x3e0: {  	s29 =	sld [smem:$0x7E8];
	_ =	sdelay $0x1  }
0x3e1: {  	s14 =	sadd.s32 $0x1, s28  }
0x3e2: {  	p1 =	sne.s32 s14, s29  }
.Ltmp2:
0x3e3: {  	_ = 	snop;
	(pc) =	sbr.rel @p1 .LBB2_1-.Ltmp2, $3  }
0x3e4: {  	_ =	sdelay $0x1  }
0x3e5: {  	[sflag:s17] =	ssyncset.done $0x0  }
0x3e6: {  	[sflag:s17] =	ssyncadd.s32 $0xFFFFE750  }
0x3e7: {  	_ =	sfence.sel $0x180000  }
0x3e8: {  	[bflag:$0x0] =	sbarrier.arrive $0xFFFF  }
0x3e9: {  	_ =	strace $0x90000047  }
0x3ea: {  	s0 =	stileid.u32;
	[bflag:$0x2] =	sbarrier.arrive $0xFFFF  }
0x3eb: {  	p0 =	sne.s32 s0, $0x0;
	s0 =	rddreg [dreg:$0x5]  }
0x3ec: {  	s0 =	sadd.s32 @!p0 $0x100000, s0  }
0x3ed: {  	[sflag:s0] =	ssyncadd.tile.s32 @!p0 $0x1;
	_ =	shalt  }
.Lfunc_end2:
_tile_overlayer_lowered:
.L_overlay_start_2:
0x3ee: {  	(tag) =	ssettag $0x2  }
0x3ef: {  	s0 =	rddreg [dreg:$0x0];
	s2 =	stileid.u32  }
0x3f0: {  	s1 =	rddreg [dreg:$0x1];
	p0 =	sne.s32 s2, $0x0  }
0x3f1: {  	s3 =	rddreg [dreg:$0x2];
	[bflag:$0x3] =	sbarrier.arrive $0xFFFF;
	s2 =	simm.s32 @!p0 $0x1C06  }
0x3f2: {  	[timem:s3], [sflag:s2] =	dma.local @!p0 [hbm:s0], s1  }
0x3f3: {  	s0 =	simm.s32 @!p0 $0x6  }
0x3f4: {  	_ =	swait.ge @!p0 [sflag:s0], s1  }
0x3f5: {  	s1 =	ssub.s32 @!p0 $0x0, s1;
	[sflag:s0] =	ssyncset.done @!p0 $0x0  }
0x3f6: {  	[sflag:s0] =	ssyncadd.s32 @!p0 s1  }
0x3f7: {  	[bflag:$0x3] =	sbarrier.arrive $0xFFFF  }
0x3f8: {  	_ =	shalt  }

</sc_bundles>
